<compile_context>
chip_gen: v7x
topology: tpu7x:2x2x1
jax: 0.10.2.dev20260603
libtpu: 0.0.44.dev20260713+nightly
codegen_flags: <defaults>
</compile_context>

<pallas_src>
import functools

import jax
import jax.numpy as jnp
from jax import lax
from jax.experimental import pallas as pl
from jax.experimental.pallas import tpu as pltpu
from jax.experimental.pallas import tpu_sc as plsc

N = 50000
E = 800000
C = 16
K = 27

NC = 2
NS = 16
NW = NC * NS
CHUNK = 128
GP = 4
GROUP_ROWS = GP * CHUNK
CH = 200
NG = CH // GP
E_PAD = NW * CH * CHUNK
IDX_ROWS = E_PAD // 128
IDX_PAD = IDX_ROWS * 128
N_PAD = N + 48
RPT = N_PAD // NS
ROW_BLK = 2000
DST_PAD = N + 1



def _bf16_bits(y):
    u = jax.lax.bitcast_convert_type(y, jnp.int32)
    rnd = jax.lax.bitwise_and(jax.lax.shift_right_logical(u, 16), 1)
    return jax.lax.shift_right_logical(u + 0x7FFF + rnd, 16)


def _pack_pair(ye, yo):
    return jax.lax.bitwise_or(_bf16_bits(ye),
                              jax.lax.shift_left(_bf16_bits(yo), 16))


def _mm1_body(x_ref, we_ref, wo_ref, src_ref, kid_ref, y_ref, g_ref):
    ye = jnp.dot(x_ref[...], we_ref[...], preferred_element_type=jnp.float32)
    yo = jnp.dot(x_ref[...], wo_ref[...], preferred_element_type=jnp.float32)
    y_ref[...] = _pack_pair(ye, yo)
    g_ref[...] = src_ref[...] * K + kid_ref[...]


def _mm_mid_body(p0_ref, p1_ref, we_ref, wo_ref, y_ref):
    h = jnp.maximum(p0_ref[0] + p1_ref[0], 0.0)
    ye = jnp.dot(h, we_ref[...], preferred_element_type=jnp.float32)
    yo = jnp.dot(h, wo_ref[...], preferred_element_type=jnp.float32)
    y_ref[...] = _pack_pair(ye, yo)


def _final_body(p0_ref, p1_ref, o_ref):
    o_ref[...] = jnp.maximum(p0_ref[0] + p1_ref[0], 0.0)


def _mm1(x, we, wo, src_pad, kid_pad):
    grid_n = N // ROW_BLK
    irows = IDX_ROWS
    iblk = irows // grid_n
    return pl.pallas_call(
        _mm1_body,
        grid=(grid_n,),
        in_specs=[
            pl.BlockSpec((ROW_BLK, C), lambda i: (i, 0)),
            pl.BlockSpec((C, K * C // 2), lambda i: (0, 0)),
            pl.BlockSpec((C, K * C // 2), lambda i: (0, 0)),
            pl.BlockSpec((iblk, 128), lambda i: (i, 0)),
            pl.BlockSpec((iblk, 128), lambda i: (i, 0)),
        ],
        out_specs=[
            pl.BlockSpec((ROW_BLK, K * C // 2), lambda i: (i, 0)),
            pl.BlockSpec((iblk, 128), lambda i: (i, 0)),
        ],
        out_shape=[
            jax.ShapeDtypeStruct((N, K * C // 2), jnp.int32),
            jax.ShapeDtypeStruct((irows, 128), jnp.int32),
        ],
    )(x, we, wo, src_pad.reshape(irows, 128), kid_pad.reshape(irows, 128))


def _mm_mid(partials, we, wo):
    return pl.pallas_call(
        _mm_mid_body,
        grid=(N // ROW_BLK,),
        in_specs=[
            pl.BlockSpec((1, ROW_BLK, C), lambda i: (0, i, 0)),
            pl.BlockSpec((1, ROW_BLK, C), lambda i: (1, i, 0)),
            pl.BlockSpec((C, K * C // 2), lambda i: (0, 0)),
            pl.BlockSpec((C, K * C // 2), lambda i: (0, 0)),
        ],
        out_specs=pl.BlockSpec((ROW_BLK, K * C // 2), lambda i: (i, 0)),
        out_shape=jax.ShapeDtypeStruct((N, K * C // 2), jnp.int32),
    )(partials, partials, we, wo)


def _final(partials):
    return pl.pallas_call(
        _final_body,
        grid=(N // ROW_BLK,),
        in_specs=[
            pl.BlockSpec((1, ROW_BLK, C), lambda i: (0, i, 0)),
            pl.BlockSpec((1, ROW_BLK, C), lambda i: (1, i, 0)),
        ],
        out_specs=pl.BlockSpec((ROW_BLK, C), lambda i: (i, 0)),
        out_shape=jax.ShapeDtypeStruct((N, C), jnp.float32),
    )(partials, partials)



@functools.cache
def _build_sc_scatter():
    mesh = plsc.VectorSubcoreMesh(core_axis_name="c", subcore_axis_name="s")

    @functools.partial(
        pl.kernel,
        out_type=jax.ShapeDtypeStruct((NC, N_PAD, C), jnp.float32),
        mesh=mesh,
        scratch_types=[
            pltpu.VMEM_SHARED((N_PAD, C), jnp.float32),
            pltpu.VMEM((CH, CHUNK), jnp.int32),
            pltpu.VMEM((CH, CHUNK), jnp.int32),
            pltpu.VMEM((2, GROUP_ROWS, C // 2), jnp.int32),
            pltpu.VMEM((2, GROUP_ROWS, C), jnp.float32),
            pltpu.SemaphoreType.DMA,
            pltpu.SemaphoreType.DMA,
            pltpu.SemaphoreType.DMA,
            pltpu.SemaphoreType.DMA,
        ],
        compiler_params=pltpu.CompilerParams(use_tc_tiling_on_sc=False,
                                             needs_layout_passes=False),
    )
    def sc_scatter(y_hbm, gidx_hbm, dst_hbm, zeros_hbm, out_hbm,
                   acc, gi_v, di_v, pk_v, rows_v, gs0, gs1, ss0, ss1):
        c = lax.axis_index("c")
        s = lax.axis_index("s")
        wid = c * NS + s
        r0 = s * RPT
        pltpu.sync_copy(zeros_hbm.at[pl.ds(r0, RPT)], acc.at[pl.ds(r0, RPT)])
        pltpu.sync_copy(gidx_hbm.at[wid], gi_v)
        pltpu.sync_copy(dst_hbm.at[wid], di_v)
        plsc.subcore_barrier()

        def fire_g(g, bank, sem):
            for b in range(GP):
                pltpu.async_copy(y_hbm.at[gi_v.at[g * GP + b]],
                                 pk_v.at[bank, pl.ds(b * CHUNK, CHUNK)], sem)

        def fire_s(g, bank, sem):
            for b in range(GP):
                pltpu.async_copy(rows_v.at[bank, pl.ds(b * CHUNK, CHUNK)],
                                 acc.at[di_v.at[g * GP + b]], sem, add=True)

        def drain_g(sem):
            pltpu.make_async_copy(y_hbm.at[pl.ds(0, GROUP_ROWS)],
                                  pk_v.at[0], sem).wait()

        def drain_s(sem):
            pltpu.make_async_copy(rows_v.at[0],
                                  acc.at[pl.ds(0, GROUP_ROWS)], sem).wait()

        ii = lax.iota(jnp.int32, 16)
        half = lax.shift_right_logical(ii, 3)
        col8 = lax.bitwise_and(ii, 7)
        cole = col8 * 2
        colo = cole + 1
        himask = jnp.int32(-65536)

        def convert(bank):
            pk_b = pk_v.at[bank]
            ro_b = rows_v.at[bank]

            def cbody(r, carry):
                for u in range(4):
                    rowsel = (r * 4 + u) * 2 + half
                    w = plsc.load_gather(pk_b, [rowsel, col8])
                    ev = plsc.bitcast(lax.shift_left(w, 16), jnp.float32)
                    od = plsc.bitcast(lax.bitwise_and(w, himask), jnp.float32)
                    plsc.store_scatter(ro_b, [rowsel, cole], ev)
                    plsc.store_scatter(ro_b, [rowsel, colo], od)
                return carry

            lax.fori_loop(0, GROUP_ROWS // 8, cbody, 0)

        fire_g(0, 0, gs0)

        def body(i, carry):
            g0 = 2 * i

            @pl.when(i > 0)
            def _():
                drain_s(ss1)

            fire_g(g0 + 1, 1, gs1)
            drain_g(gs0)
            convert(0)
            fire_s(g0, 0, ss0)
            drain_g(gs1)
            convert(1)
            drain_s(ss0)

            @pl.when(i < NG // 2 - 1)
            def _():
                fire_g(g0 + 2, 0, gs0)

            fire_s(g0 + 1, 1, ss1)
            return carry

        lax.fori_loop(0, NG // 2, body, 0)
        drain_s(ss1)
        plsc.subcore_barrier()
        pltpu.sync_copy(acc.at[pl.ds(r0, RPT)], out_hbm.at[c, pl.ds(r0, RPT)])

    return sc_scatter


def _sc_scatter(y, gidx, dst3, zeros):
    return _build_sc_scatter()(y, gidx, dst3, zeros)



def kernel(x, edge_index, kern_id, W1, W2):
    src = edge_index[0]
    dst = edge_index[1]
    src_pad = jnp.pad(src, (0, IDX_PAD - E))
    kid_pad = jnp.pad(kern_id, (0, IDX_PAD - E))
    dst_pad = jnp.pad(dst, (0, E_PAD - E), constant_values=DST_PAD)

    dst3 = dst_pad.reshape(NW, CH, CHUNK)
    zeros = jnp.zeros((N_PAD, C), jnp.float32)

    w1cat = W1.transpose(1, 0, 2).reshape(C, K * C)
    w2cat = W2.transpose(1, 0, 2).reshape(C, K * C)
    w1e, w1o = w1cat[:, 0::2], w1cat[:, 1::2]
    w2e, w2o = w2cat[:, 0::2], w2cat[:, 1::2]

    y1, gidx2d = _mm1(x, w1e, w1o, src_pad, kid_pad)
    gidx = gidx2d.reshape(-1)[:E_PAD].reshape(NW, CH, CHUNK)
    y1 = y1.reshape(N * K, C // 2)
    p1 = _sc_scatter(y1, gidx, dst3, zeros)
    y2 = _mm_mid(p1, w2e, w2o).reshape(N * K, C // 2)
    p2 = _sc_scatter(y2, gidx, dst3, zeros)
    return _final(p2)

# --- scband reference (transcript-rebuilt; emitter-appended) ---
"""Pipeline reference for scband-voxel-pointnet-back-bone8x-13932873908760 (READ-ONLY COPY).

The authoritative reference and input builder live on the scoring server;
editing this copy changes nothing except your own understanding.
"""

import jax, jax.numpy as jnp
import numpy as np

N = 50000   # active voxels
E = 800000  # voxel-neighbor pairs (avg 16 active neighbors per voxel)
C = 16      # channel width (conv_input / conv1 of the backbone)
K = 27      # 3x3x3 kernel offsets of a submanifold sparse conv


def setup_inputs(seed: int = 0) -> dict:
    key = jax.random.key(seed)
    k1, k2, k3, k4, k5 = jax.random.split(key, 5)
    x = jax.random.normal(k1, (N, C), dtype=jnp.float32)
    edge_index = jax.random.randint(k2, (2, E), 0, N, dtype=jnp.int32)
    kern_id = jax.random.randint(k3, (E,), 0, K, dtype=jnp.int32)
    # learned per-kernel-offset weight matrices (equivalent to SubMConv3d weights)
    W1 = jax.random.normal(k4, (K, C, C), dtype=jnp.float32) * 0.25
    W2 = jax.random.normal(k5, (K, C, C), dtype=jnp.float32) * 0.25
    return {"x": x, "edge_index": edge_index, "kern_id": kern_id, "W1": W1, "W2": W2}


def _subm_conv(h, src, dst, kern_id, W, n_nodes):
    # submanifold sparse conv as gather -> per-offset matmul -> scatter-add
    h_src = h[src]                                   # gather (memory-bound)
    msg = jnp.zeros((h_src.shape[0], W.shape[-1]), h.dtype)
    for k in range(W.shape[0]):
        mask = (kern_id == k)[:, None]
        msg = msg + jnp.where(mask, h_src @ W[k], 0.0)
    out = jnp.zeros((n_nodes, W.shape[-1]), h.dtype).at[dst].add(msg)  # scatter-add
    return jax.nn.relu(out)


def reference(x, edge_index, kern_id, W1, W2):
    src = edge_index[0]
    dst = edge_index[1]
    h = _subm_conv(x, src, dst, kern_id, W1, x.shape[0])   # conv_input (SubMConv3d 3x3x3 + ReLU)
    h = _subm_conv(h, src, dst, kern_id, W2, x.shape[0])   # conv1 block (SubMConv3d 3x3x3 + ReLU)
    return h

if __name__ == "__main__":
    import jax
    _d = setup_inputs()
    print(jax.jit(kernel)(*tuple(_d.values())))

</pallas_src>

<mosaic_0001>
#map = affine_map<(d0, d1) -> (0, 0)>
#map1 = affine_map<(d0, d1) -> (0, 0, 0)>
module attributes {stable_mosaic.version = 14 : i64} {
  func.func @sc_scatter(%arg0: i32, %arg1: i32, %arg2: memref<1350000x8xi32, #tpu.memory_space<hbm>>, %arg3: memref<32x200x128xi32, #tpu.memory_space<hbm>>, %arg4: memref<32x200x128xi32, #tpu.memory_space<hbm>>, %arg5: memref<50048x16xf32, #tpu.memory_space<hbm>>, %arg6: memref<2x50048x16xf32, #tpu.memory_space<hbm>>, %arg7: memref<50048x16xf32, #tpu.memory_space<vmem_shared>>, %arg8: memref<200x128xi32, #tpu.memory_space<vmem>>, %arg9: memref<200x128xi32, #tpu.memory_space<vmem>>, %arg10: memref<2x512x8xi32, #tpu.memory_space<vmem>>, %arg11: memref<2x512x16xf32, #tpu.memory_space<vmem>>, %arg12: memref<!tpu.dma_semaphore, #tpu.memory_space<semaphore_mem>>, %arg13: memref<!tpu.dma_semaphore, #tpu.memory_space<semaphore_mem>>, %arg14: memref<!tpu.dma_semaphore, #tpu.memory_space<semaphore_mem>>, %arg15: memref<!tpu.dma_semaphore, #tpu.memory_space<semaphore_mem>>) attributes {dimension_semantics = [#tpu.dimension_semantics<core_parallel>, #tpu.dimension_semantics<subcore_parallel>], iteration_bounds = array<i64: 2, 16>, scalar_prefetch = 0 : i64, scratch_operands = 9 : i64, tpu.core_type = #tpu.core_type<sc_vector_subcore>, window_params = [{transform_indices = #map}, {transform_indices = #map1}, {transform_indices = #map1}, {transform_indices = #map}, {transform_indices = #map1}]} {
    %mul3A = arith.constant 16 : i32
    %mul3A_0 = arith.muli %arg0, %mul3A : i32
    %add3A = arith.addi %mul3A_0, %arg1 : i32
    %mul3A_1 = arith.constant 3128 : i32
    %mul3A_2 = arith.muli %arg1, %mul3A_1 : i32
    "tpu.region"() ({
      %run_scoped3A = tpu.sem_alloc : memref<!tpu.dma_semaphore, #tpu.memory_space<semaphore_mem>>
      %dma_start3A_81 = arith.constant 0 : i32
      %dma_start3A_82 = tpu.memref_slice %arg7[%mul3A_2, %dma_start3A_81] : memref<50048x16xf32, #tpu.memory_space<vmem_shared>> -> memref<3128x16xf32, #tpu.memory_space<vmem_shared>>
      %dma_start3A_83 = arith.constant 0 : i32
      %dma_start3A_84 = tpu.memref_slice %arg5[%mul3A_2, %dma_start3A_83] : memref<50048x16xf32, #tpu.memory_space<hbm>> -> memref<3128x16xf32, #tpu.memory_space<hbm>>
      tpu.enqueue_dma source(%dma_start3A_84 : memref<3128x16xf32, #tpu.memory_space<hbm>>) target(%dma_start3A_82 : memref<3128x16xf32, #tpu.memory_space<vmem_shared>>) target_semaphore(%run_scoped3A : memref<!tpu.dma_semaphore, #tpu.memory_space<semaphore_mem>>)
      %dma_wait3A_85 = arith.constant 0 : i32
      %dma_wait3A_86 = tpu.memref_slice %arg7[%mul3A_2, %dma_wait3A_85] : memref<50048x16xf32, #tpu.memory_space<vmem_shared>> -> memref<3128x16xf32, #tpu.memory_space<vmem_shared>>
      %dma_wait3A_87 = arith.constant 0 : i32
      %dma_wait3A_88 = tpu.memref_slice %arg5[%mul3A_2, %dma_wait3A_87] : memref<50048x16xf32, #tpu.memory_space<hbm>> -> memref<3128x16xf32, #tpu.memory_space<hbm>>
      tpu.wait_dma2 semaphore(%run_scoped3A : memref<!tpu.dma_semaphore, #tpu.memory_space<semaphore_mem>>) src(%dma_wait3A_88 : memref<3128x16xf32, #tpu.memory_space<hbm>>) dst(%dma_wait3A_86 : memref<3128x16xf32, #tpu.memory_space<vmem_shared>>)
      tpu.yield
    }) : () -> ()
    "tpu.region"() ({
      %run_scoped3A = tpu.sem_alloc : memref<!tpu.dma_semaphore, #tpu.memory_space<semaphore_mem>>
      %dma_start3A_81 = arith.constant 0 : i32
      %dma_start3A_82 = arith.constant 0 : i32
      %dma_start3A_83 = tpu.memref_slice %arg3[%add3A, %dma_start3A_81, %dma_start3A_82] : memref<32x200x128xi32, #tpu.memory_space<hbm>> -> memref<1x200x128xi32, #tpu.memory_space<hbm>>
      %dma_start3A_84 = tpu.memref_squeeze %dma_start3A_83 : memref<1x200x128xi32, #tpu.memory_space<hbm>> -> memref<200x128xi32, #tpu.memory_space<hbm>>
      %dma_start3A_85 = arith.constant 0 : i32
      %dma_start3A_86 = arith.constant 0 : i32
      %dma_start3A_87 = tpu.memref_slice %arg3[%add3A, %dma_start3A_85, %dma_start3A_86] : memref<32x200x128xi32, #tpu.memory_space<hbm>> -> memref<1x200x128xi32, #tpu.memory_space<hbm>>
      %dma_start3A_88 = tpu.memref_squeeze %dma_start3A_87 : memref<1x200x128xi32, #tpu.memory_space<hbm>> -> memref<200x128xi32, #tpu.memory_space<hbm>>
      tpu.enqueue_dma source(%dma_start3A_88 : memref<200x128xi32, #tpu.memory_space<hbm>>) target(%arg8 : memref<200x128xi32, #tpu.memory_space<vmem>>) target_semaphore(%run_scoped3A : memref<!tpu.dma_semaphore, #tpu.memory_space<semaphore_mem>>)
      %dma_wait3A_89 = arith.constant 0 : i32
      %dma_wait3A_90 = arith.constant 0 : i32
      %dma_wait3A_91 = tpu.memref_slice %arg3[%add3A, %dma_wait3A_89, %dma_wait3A_90] : memref<32x200x128xi32, #tpu.memory_space<hbm>> -> memref<1x200x128xi32, #tpu.memory_space<hbm>>
      %dma_wait3A_92 = tpu.memref_squeeze %dma_wait3A_91 : memref<1x200x128xi32, #tpu.memory_space<hbm>> -> memref<200x128xi32, #tpu.memory_space<hbm>>
      %dma_wait3A_93 = arith.constant 0 : i32
      %dma_wait3A_94 = arith.constant 0 : i32
      %dma_wait3A_95 = tpu.memref_slice %arg3[%add3A, %dma_wait3A_93, %dma_wait3A_94] : memref<32x200x128xi32, #tpu.memory_space<hbm>> -> memref<1x200x128xi32, #tpu.memory_space<hbm>>
      %dma_wait3A_96 = tpu.memref_squeeze %dma_wait3A_95 : memref<1x200x128xi32, #tpu.memory_space<hbm>> -> memref<200x128xi32, #tpu.memory_space<hbm>>
      tpu.wait_dma2 semaphore(%run_scoped3A : memref<!tpu.dma_semaphore, #tpu.memory_space<semaphore_mem>>) src(%dma_wait3A_96 : memref<200x128xi32, #tpu.memory_space<hbm>>) dst(%arg8 : memref<200x128xi32, #tpu.memory_space<vmem>>)
      tpu.yield
    }) : () -> ()
    "tpu.region"() ({
      %run_scoped3A = tpu.sem_alloc : memref<!tpu.dma_semaphore, #tpu.memory_space<semaphore_mem>>
      %dma_start3A_81 = arith.constant 0 : i32
      %dma_start3A_82 = arith.constant 0 : i32
      %dma_start3A_83 = tpu.memref_slice %arg4[%add3A, %dma_start3A_81, %dma_start3A_82] : memref<32x200x128xi32, #tpu.memory_space<hbm>> -> memref<1x200x128xi32, #tpu.memory_space<hbm>>
      %dma_start3A_84 = tpu.memref_squeeze %dma_start3A_83 : memref<1x200x128xi32, #tpu.memory_space<hbm>> -> memref<200x128xi32, #tpu.memory_space<hbm>>
      %dma_start3A_85 = arith.constant 0 : i32
      %dma_start3A_86 = arith.constant 0 : i32
      %dma_start3A_87 = tpu.memref_slice %arg4[%add3A, %dma_start3A_85, %dma_start3A_86] : memref<32x200x128xi32, #tpu.memory_space<hbm>> -> memref<1x200x128xi32, #tpu.memory_space<hbm>>
      %dma_start3A_88 = tpu.memref_squeeze %dma_start3A_87 : memref<1x200x128xi32, #tpu.memory_space<hbm>> -> memref<200x128xi32, #tpu.memory_space<hbm>>
      tpu.enqueue_dma source(%dma_start3A_88 : memref<200x128xi32, #tpu.memory_space<hbm>>) target(%arg9 : memref<200x128xi32, #tpu.memory_space<vmem>>) target_semaphore(%run_scoped3A : memref<!tpu.dma_semaphore, #tpu.memory_space<semaphore_mem>>)
      %dma_wait3A_89 = arith.constant 0 : i32
      %dma_wait3A_90 = arith.constant 0 : i32
      %dma_wait3A_91 = tpu.memref_slice %arg4[%add3A, %dma_wait3A_89, %dma_wait3A_90] : memref<32x200x128xi32, #tpu.memory_space<hbm>> -> memref<1x200x128xi32, #tpu.memory_space<hbm>>
      %dma_wait3A_92 = tpu.memref_squeeze %dma_wait3A_91 : memref<1x200x128xi32, #tpu.memory_space<hbm>> -> memref<200x128xi32, #tpu.memory_space<hbm>>
      %dma_wait3A_93 = arith.constant 0 : i32
      %dma_wait3A_94 = arith.constant 0 : i32
      %dma_wait3A_95 = tpu.memref_slice %arg4[%add3A, %dma_wait3A_93, %dma_wait3A_94] : memref<32x200x128xi32, #tpu.memory_space<hbm>> -> memref<1x200x128xi32, #tpu.memory_space<hbm>>
      %dma_wait3A_96 = tpu.memref_squeeze %dma_wait3A_95 : memref<1x200x128xi32, #tpu.memory_space<hbm>> -> memref<200x128xi32, #tpu.memory_space<hbm>>
      tpu.wait_dma2 semaphore(%run_scoped3A : memref<!tpu.dma_semaphore, #tpu.memory_space<semaphore_mem>>) src(%dma_wait3A_96 : memref<200x128xi32, #tpu.memory_space<hbm>>) dst(%arg9 : memref<200x128xi32, #tpu.memory_space<vmem>>)
      tpu.yield
    }) : () -> ()
    %barrier3A = arith.constant 0 : index
    tpu.barrier barrier_id(%barrier3A)
    %iota3A = tpu.iota {dimensions = array<i32: 0>} : vector<16xi32>
    %shift_right_logical3A = arith.constant 3 : i32
    %shift_right_logical3A_3 = vector.broadcast %shift_right_logical3A : i32 to vector<16xi32>
    %shift_right_logical3A_4 = arith.shrui %iota3A, %shift_right_logical3A_3 : vector<16xi32>
    %and3A = arith.constant 7 : i32
    %and3A_5 = vector.broadcast %and3A : i32 to vector<16xi32>
    %and3A_6 = arith.andi %iota3A, %and3A_5 : vector<16xi32>
    %mul3A_7 = arith.constant 2 : i32
    %mul3A_8 = vector.broadcast %mul3A_7 : i32 to vector<16xi32>
    %mul3A_9 = arith.muli %and3A_6, %mul3A_8 : vector<16xi32>
    %add3A_10 = arith.constant 1 : i32
    %add3A_11 = vector.broadcast %add3A_10 : i32 to vector<16xi32>
    %add3A_12 = arith.addi %mul3A_9, %add3A_11 : vector<16xi32>
    %dma_start3A = arith.constant 0 : i32
    %dma_start3A_13 = arith.constant 0 : i32
    %dma_start3A_14 = arith.constant 0 : i32
    %dma_start3A_15 = arith.constant 0 : i32
    %dma_start3A_16 = tpu.memref_slice %arg10[%dma_start3A_13, %dma_start3A_14, %dma_start3A_15] : memref<2x512x8xi32, #tpu.memory_space<vmem>> -> memref<1x128x8xi32, #tpu.memory_space<vmem>>
    %dma_start3A_17 = tpu.memref_squeeze %dma_start3A_16 : memref<1x128x8xi32, #tpu.memory_space<vmem>> -> memref<128x8xi32, #tpu.memory_space<vmem>>
    %dma_start3A_18 = arith.constant 0 : i32
    %dma_start3A_19 = tpu.memref_slice %arg8[%dma_start3A, %dma_start3A_18] : memref<200x128xi32, #tpu.memory_space<vmem>> -> memref<1x128xi32, #tpu.memory_space<vmem>>
    %dma_start3A_20 = tpu.memref_squeeze %dma_start3A_19 : memref<1x128xi32, #tpu.memory_space<vmem>> -> memref<128xi32, #tpu.memory_space<vmem>>
    %dma_start3A_21 = arith.constant 0 : i32
    %dma_start3A_22 = arith.constant 0 : i32
    %dma_start3A_23 = tpu.memref_slice %arg2[%dma_start3A_21, %dma_start3A_22] : memref<1350000x8xi32, #tpu.memory_space<hbm>> -> memref<1350000x8xi32, #tpu.memory_space<hbm>>
    tpu.enqueue_indirect_dma source(%dma_start3A_23 : memref<1350000x8xi32, #tpu.memory_space<hbm>>) target(%dma_start3A_17 : memref<128x8xi32, #tpu.memory_space<vmem>>) offsets(%dma_start3A_20 : memref<128xi32, #tpu.memory_space<vmem>>) semaphore(%arg12 : memref<!tpu.dma_semaphore, #tpu.memory_space<semaphore_mem>>)
    %dma_start3A_24 = arith.constant 1 : i32
    %dma_start3A_25 = arith.constant 0 : i32
    %dma_start3A_26 = arith.constant 128 : i32
    %dma_start3A_27 = arith.constant 0 : i32
    %dma_start3A_28 = tpu.memref_slice %arg10[%dma_start3A_25, %dma_start3A_26, %dma_start3A_27] : memref<2x512x8xi32, #tpu.memory_space<vmem>> -> memref<1x128x8xi32, #tpu.memory_space<vmem>>
    %dma_start3A_29 = tpu.memref_squeeze %dma_start3A_28 : memref<1x128x8xi32, #tpu.memory_space<vmem>> -> memref<128x8xi32, #tpu.memory_space<vmem>>
    %dma_start3A_30 = arith.constant 0 : i32
    %dma_start3A_31 = tpu.memref_slice %arg8[%dma_start3A_24, %dma_start3A_30] : memref<200x128xi32, #tpu.memory_space<vmem>> -> memref<1x128xi32, #tpu.memory_space<vmem>>
    %dma_start3A_32 = tpu.memref_squeeze %dma_start3A_31 : memref<1x128xi32, #tpu.memory_space<vmem>> -> memref<128xi32, #tpu.memory_space<vmem>>
    %dma_start3A_33 = arith.constant 0 : i32
    %dma_start3A_34 = arith.constant 0 : i32
    %dma_start3A_35 = tpu.memref_slice %arg2[%dma_start3A_33, %dma_start3A_34] : memref<1350000x8xi32, #tpu.memory_space<hbm>> -> memref<1350000x8xi32, #tpu.memory_space<hbm>>
    tpu.enqueue_indirect_dma source(%dma_start3A_35 : memref<1350000x8xi32, #tpu.memory_space<hbm>>) target(%dma_start3A_29 : memref<128x8xi32, #tpu.memory_space<vmem>>) offsets(%dma_start3A_32 : memref<128xi32, #tpu.memory_space<vmem>>) semaphore(%arg12 : memref<!tpu.dma_semaphore, #tpu.memory_space<semaphore_mem>>)
    %dma_start3A_36 = arith.constant 2 : i32
    %dma_start3A_37 = arith.constant 0 : i32
    %dma_start3A_38 = arith.constant 256 : i32
    %dma_start3A_39 = arith.constant 0 : i32
    %dma_start3A_40 = tpu.memref_slice %arg10[%dma_start3A_37, %dma_start3A_38, %dma_start3A_39] : memref<2x512x8xi32, #tpu.memory_space<vmem>> -> memref<1x128x8xi32, #tpu.memory_space<vmem>>
    %dma_start3A_41 = tpu.memref_squeeze %dma_start3A_40 : memref<1x128x8xi32, #tpu.memory_space<vmem>> -> memref<128x8xi32, #tpu.memory_space<vmem>>
    %dma_start3A_42 = arith.constant 0 : i32
    %dma_start3A_43 = tpu.memref_slice %arg8[%dma_start3A_36, %dma_start3A_42] : memref<200x128xi32, #tpu.memory_space<vmem>> -> memref<1x128xi32, #tpu.memory_space<vmem>>
    %dma_start3A_44 = tpu.memref_squeeze %dma_start3A_43 : memref<1x128xi32, #tpu.memory_space<vmem>> -> memref<128xi32, #tpu.memory_space<vmem>>
    %dma_start3A_45 = arith.constant 0 : i32
    %dma_start3A_46 = arith.constant 0 : i32
    %dma_start3A_47 = tpu.memref_slice %arg2[%dma_start3A_45, %dma_start3A_46] : memref<1350000x8xi32, #tpu.memory_space<hbm>> -> memref<1350000x8xi32, #tpu.memory_space<hbm>>
    tpu.enqueue_indirect_dma source(%dma_start3A_47 : memref<1350000x8xi32, #tpu.memory_space<hbm>>) target(%dma_start3A_41 : memref<128x8xi32, #tpu.memory_space<vmem>>) offsets(%dma_start3A_44 : memref<128xi32, #tpu.memory_space<vmem>>) semaphore(%arg12 : memref<!tpu.dma_semaphore, #tpu.memory_space<semaphore_mem>>)
    %dma_start3A_48 = arith.constant 3 : i32
    %dma_start3A_49 = arith.constant 0 : i32
    %dma_start3A_50 = arith.constant 384 : i32
    %dma_start3A_51 = arith.constant 0 : i32
    %dma_start3A_52 = tpu.memref_slice %arg10[%dma_start3A_49, %dma_start3A_50, %dma_start3A_51] : memref<2x512x8xi32, #tpu.memory_space<vmem>> -> memref<1x128x8xi32, #tpu.memory_space<vmem>>
    %dma_start3A_53 = tpu.memref_squeeze %dma_start3A_52 : memref<1x128x8xi32, #tpu.memory_space<vmem>> -> memref<128x8xi32, #tpu.memory_space<vmem>>
    %dma_start3A_54 = arith.constant 0 : i32
    %dma_start3A_55 = tpu.memref_slice %arg8[%dma_start3A_48, %dma_start3A_54] : memref<200x128xi32, #tpu.memory_space<vmem>> -> memref<1x128xi32, #tpu.memory_space<vmem>>
    %dma_start3A_56 = tpu.memref_squeeze %dma_start3A_55 : memref<1x128xi32, #tpu.memory_space<vmem>> -> memref<128xi32, #tpu.memory_space<vmem>>
    %dma_start3A_57 = arith.constant 0 : i32
    %dma_start3A_58 = arith.constant 0 : i32
    %dma_start3A_59 = tpu.memref_slice %arg2[%dma_start3A_57, %dma_start3A_58] : memref<1350000x8xi32, #tpu.memory_space<hbm>> -> memref<1350000x8xi32, #tpu.memory_space<hbm>>
    tpu.enqueue_indirect_dma source(%dma_start3A_59 : memref<1350000x8xi32, #tpu.memory_space<hbm>>) target(%dma_start3A_53 : memref<128x8xi32, #tpu.memory_space<vmem>>) offsets(%dma_start3A_56 : memref<128xi32, #tpu.memory_space<vmem>>) semaphore(%arg12 : memref<!tpu.dma_semaphore, #tpu.memory_space<semaphore_mem>>)
    %scan3A = arith.constant 0 : i32
    %scan3A_60 = arith.constant -65536 : i32
    %scan3A_61 = arith.constant 0 : i32
    %scan3A_62 = arith.constant 25 : i32
    %scan3A_63 = arith.addi %scan3A_61, %scan3A_62 : i32
    %scan3A_64 = arith.constant 1 : i32
    scf.for %scan3A_81 = %scan3A_61 to %scan3A_63 step %scan3A_64  : i32 {
      %mul3A_82 = arith.constant 2 : i32
      %mul3A_83 = arith.muli %mul3A_82, %scan3A_81 : i32
      %gt3A = arith.constant 0 : i32
      %gt3A_84 = arith.cmpi sgt, %scan3A_81, %gt3A : i32
      %convert_element_type3A = arith.extui %gt3A_84 : i1 to i32
      %cond3A = arith.constant 0 : i32
      %cond3A_85 = arith.cmpi ne, %convert_element_type3A, %cond3A : i32
      scf.if %cond3A_85 {
        %dma_wait3A_335 = arith.constant 0 : i32
        %dma_wait3A_336 = arith.constant 0 : i32
        %dma_wait3A_337 = arith.constant 0 : i32
        %dma_wait3A_338 = tpu.memref_slice %arg11[%dma_wait3A_335, %dma_wait3A_336, %dma_wait3A_337] : memref<2x512x16xf32, #tpu.memory_space<vmem>> -> memref<1x512x16xf32, #tpu.memory_space<vmem>>
        %dma_wait3A_339 = tpu.memref_squeeze %dma_wait3A_338 : memref<1x512x16xf32, #tpu.memory_space<vmem>> -> memref<512x16xf32, #tpu.memory_space<vmem>>
        %dma_wait3A_340 = arith.constant 0 : i32
        %dma_wait3A_341 = arith.constant 0 : i32
        %dma_wait3A_342 = tpu.memref_slice %arg7[%dma_wait3A_340, %dma_wait3A_341] : memref<50048x16xf32, #tpu.memory_space<vmem_shared>> -> memref<512x16xf32, #tpu.memory_space<vmem_shared>>
        %dma_wait3A_343 = arith.constant 0 : i32
        %dma_wait3A_344 = arith.constant 0 : i32
        %dma_wait3A_345 = tpu.memref_slice %arg7[%dma_wait3A_343, %dma_wait3A_344] : memref<50048x16xf32, #tpu.memory_space<vmem_shared>> -> memref<512x16xf32, #tpu.memory_space<vmem_shared>>
        %dma_wait3A_346 = arith.constant 0 : i32
        %dma_wait3A_347 = arith.constant 0 : i32
        %dma_wait3A_348 = tpu.memref_slice %arg11[%dma_wait3A_335, %dma_wait3A_346, %dma_wait3A_347] : memref<2x512x16xf32, #tpu.memory_space<vmem>> -> memref<1x512x16xf32, #tpu.memory_space<vmem>>
        %dma_wait3A_349 = tpu.memref_squeeze %dma_wait3A_348 : memref<1x512x16xf32, #tpu.memory_space<vmem>> -> memref<512x16xf32, #tpu.memory_space<vmem>>
        tpu.wait_dma2 semaphore(%arg15 : memref<!tpu.dma_semaphore, #tpu.memory_space<semaphore_mem>>) src(%dma_wait3A_349 : memref<512x16xf32, #tpu.memory_space<vmem>>) dst(%dma_wait3A_345 : memref<512x16xf32, #tpu.memory_space<vmem_shared>>)
      } else {
      }
      %add3A_86 = arith.constant 1 : i32
      %add3A_87 = arith.addi %mul3A_83, %add3A_86 : i32
      %mul3A_88 = arith.constant 4 : i32
      %mul3A_89 = arith.muli %add3A_87, %mul3A_88 : i32
      %add3A_90 = arith.constant 0 : i32
      %add3A_91 = arith.addi %mul3A_89, %add3A_90 : i32
      %dma_start3A_92 = arith.constant 1 : i32
      %dma_start3A_93 = arith.constant 0 : i32
      %dma_start3A_94 = arith.constant 0 : i32
      %dma_start3A_95 = tpu.memref_slice %arg10[%dma_start3A_92, %dma_start3A_93, %dma_start3A_94] : memref<2x512x8xi32, #tpu.memory_space<vmem>> -> memref<1x128x8xi32, #tpu.memory_space<vmem>>
      %dma_start3A_96 = tpu.memref_squeeze %dma_start3A_95 : memref<1x128x8xi32, #tpu.memory_space<vmem>> -> memref<128x8xi32, #tpu.memory_space<vmem>>
      %dma_start3A_97 = arith.constant 0 : i32
      %dma_start3A_98 = tpu.memref_slice %arg8[%add3A_91, %dma_start3A_97] : memref<200x128xi32, #tpu.memory_space<vmem>> -> memref<1x128xi32, #tpu.memory_space<vmem>>
      %dma_start3A_99 = tpu.memref_squeeze %dma_start3A_98 : memref<1x128xi32, #tpu.memory_space<vmem>> -> memref<128xi32, #tpu.memory_space<vmem>>
      %dma_start3A_100 = arith.constant 0 : i32
      %dma_start3A_101 = arith.constant 0 : i32
      %dma_start3A_102 = tpu.memref_slice %arg2[%dma_start3A_100, %dma_start3A_101] : memref<1350000x8xi32, #tpu.memory_space<hbm>> -> memref<1350000x8xi32, #tpu.memory_space<hbm>>
      tpu.enqueue_indirect_dma source(%dma_start3A_102 : memref<1350000x8xi32, #tpu.memory_space<hbm>>) target(%dma_start3A_96 : memref<128x8xi32, #tpu.memory_space<vmem>>) offsets(%dma_start3A_99 : memref<128xi32, #tpu.memory_space<vmem>>) semaphore(%arg13 : memref<!tpu.dma_semaphore, #tpu.memory_space<semaphore_mem>>)
      %mul3A_103 = arith.constant 4 : i32
      %mul3A_104 = arith.muli %add3A_87, %mul3A_103 : i32
      %add3A_105 = arith.constant 1 : i32
      %add3A_106 = arith.addi %mul3A_104, %add3A_105 : i32
      %dma_start3A_107 = arith.constant 1 : i32
      %dma_start3A_108 = arith.constant 128 : i32
      %dma_start3A_109 = arith.constant 0 : i32
      %dma_start3A_110 = tpu.memref_slice %arg10[%dma_start3A_107, %dma_start3A_108, %dma_start3A_109] : memref<2x512x8xi32, #tpu.memory_space<vmem>> -> memref<1x128x8xi32, #tpu.memory_space<vmem>>
      %dma_start3A_111 = tpu.memref_squeeze %dma_start3A_110 : memref<1x128x8xi32, #tpu.memory_space<vmem>> -> memref<128x8xi32, #tpu.memory_space<vmem>>
      %dma_start3A_112 = arith.constant 0 : i32
      %dma_start3A_113 = tpu.memref_slice %arg8[%add3A_106, %dma_start3A_112] : memref<200x128xi32, #tpu.memory_space<vmem>> -> memref<1x128xi32, #tpu.memory_space<vmem>>
      %dma_start3A_114 = tpu.memref_squeeze %dma_start3A_113 : memref<1x128xi32, #tpu.memory_space<vmem>> -> memref<128xi32, #tpu.memory_space<vmem>>
      %dma_start3A_115 = arith.constant 0 : i32
      %dma_start3A_116 = arith.constant 0 : i32
      %dma_start3A_117 = tpu.memref_slice %arg2[%dma_start3A_115, %dma_start3A_116] : memref<1350000x8xi32, #tpu.memory_space<hbm>> -> memref<1350000x8xi32, #tpu.memory_space<hbm>>
      tpu.enqueue_indirect_dma source(%dma_start3A_117 : memref<1350000x8xi32, #tpu.memory_space<hbm>>) target(%dma_start3A_111 : memref<128x8xi32, #tpu.memory_space<vmem>>) offsets(%dma_start3A_114 : memref<128xi32, #tpu.memory_space<vmem>>) semaphore(%arg13 : memref<!tpu.dma_semaphore, #tpu.memory_space<semaphore_mem>>)
      %mul3A_118 = arith.constant 4 : i32
      %mul3A_119 = arith.muli %add3A_87, %mul3A_118 : i32
      %add3A_120 = arith.constant 2 : i32
      %add3A_121 = arith.addi %mul3A_119, %add3A_120 : i32
      %dma_start3A_122 = arith.constant 1 : i32
      %dma_start3A_123 = arith.constant 256 : i32
      %dma_start3A_124 = arith.constant 0 : i32
      %dma_start3A_125 = tpu.memref_slice %arg10[%dma_start3A_122, %dma_start3A_123, %dma_start3A_124] : memref<2x512x8xi32, #tpu.memory_space<vmem>> -> memref<1x128x8xi32, #tpu.memory_space<vmem>>
      %dma_start3A_126 = tpu.memref_squeeze %dma_start3A_125 : memref<1x128x8xi32, #tpu.memory_space<vmem>> -> memref<128x8xi32, #tpu.memory_space<vmem>>
      %dma_start3A_127 = arith.constant 0 : i32
      %dma_start3A_128 = tpu.memref_slice %arg8[%add3A_121, %dma_start3A_127] : memref<200x128xi32, #tpu.memory_space<vmem>> -> memref<1x128xi32, #tpu.memory_space<vmem>>
      %dma_start3A_129 = tpu.memref_squeeze %dma_start3A_128 : memref<1x128xi32, #tpu.memory_space<vmem>> -> memref<128xi32, #tpu.memory_space<vmem>>
      %dma_start3A_130 = arith.constant 0 : i32
      %dma_start3A_131 = arith.constant 0 : i32
      %dma_start3A_132 = tpu.memref_slice %arg2[%dma_start3A_130, %dma_start3A_131] : memref<1350000x8xi32, #tpu.memory_space<hbm>> -> memref<1350000x8xi32, #tpu.memory_space<hbm>>
      tpu.enqueue_indirect_dma source(%dma_start3A_132 : memref<1350000x8xi32, #tpu.memory_space<hbm>>) target(%dma_start3A_126 : memref<128x8xi32, #tpu.memory_space<vmem>>) offsets(%dma_start3A_129 : memref<128xi32, #tpu.memory_space<vmem>>) semaphore(%arg13 : memref<!tpu.dma_semaphore, #tpu.memory_space<semaphore_mem>>)
      %mul3A_133 = arith.constant 4 : i32
      %mul3A_134 = arith.muli %add3A_87, %mul3A_133 : i32
      %add3A_135 = arith.constant 3 : i32
      %add3A_136 = arith.addi %mul3A_134, %add3A_135 : i32
      %dma_start3A_137 = arith.constant 1 : i32
      %dma_start3A_138 = arith.constant 384 : i32
      %dma_start3A_139 = arith.constant 0 : i32
      %dma_start3A_140 = tpu.memref_slice %arg10[%dma_start3A_137, %dma_start3A_138, %dma_start3A_139] : memref<2x512x8xi32, #tpu.memory_space<vmem>> -> memref<1x128x8xi32, #tpu.memory_space<vmem>>
      %dma_start3A_141 = tpu.memref_squeeze %dma_start3A_140 : memref<1x128x8xi32, #tpu.memory_space<vmem>> -> memref<128x8xi32, #tpu.memory_space<vmem>>
      %dma_start3A_142 = arith.constant 0 : i32
      %dma_start3A_143 = tpu.memref_slice %arg8[%add3A_136, %dma_start3A_142] : memref<200x128xi32, #tpu.memory_space<vmem>> -> memref<1x128xi32, #tpu.memory_space<vmem>>
      %dma_start3A_144 = tpu.memref_squeeze %dma_start3A_143 : memref<1x128xi32, #tpu.memory_space<vmem>> -> memref<128xi32, #tpu.memory_space<vmem>>
      %dma_start3A_145 = arith.constant 0 : i32
      %dma_start3A_146 = arith.constant 0 : i32
      %dma_start3A_147 = tpu.memref_slice %arg2[%dma_start3A_145, %dma_start3A_146] : memref<1350000x8xi32, #tpu.memory_space<hbm>> -> memref<1350000x8xi32, #tpu.memory_space<hbm>>
      tpu.enqueue_indirect_dma source(%dma_start3A_147 : memref<1350000x8xi32, #tpu.memory_space<hbm>>) target(%dma_start3A_141 : memref<128x8xi32, #tpu.memory_space<vmem>>) offsets(%dma_start3A_144 : memref<128xi32, #tpu.memory_space<vmem>>) semaphore(%arg13 : memref<!tpu.dma_semaphore, #tpu.memory_space<semaphore_mem>>)
      %dma_wait3A_148 = arith.constant 0 : i32
      %dma_wait3A_149 = arith.constant 0 : i32
      %dma_wait3A_150 = arith.constant 0 : i32
      %dma_wait3A_151 = tpu.memref_slice %arg10[%dma_wait3A_148, %dma_wait3A_149, %dma_wait3A_150] : memref<2x512x8xi32, #tpu.memory_space<vmem>> -> memref<1x512x8xi32, #tpu.memory_space<vmem>>
      %dma_wait3A_152 = tpu.memref_squeeze %dma_wait3A_151 : memref<1x512x8xi32, #tpu.memory_space<vmem>> -> memref<512x8xi32, #tpu.memory_space<vmem>>
      %dma_wait3A_153 = arith.constant 0 : i32
      %dma_wait3A_154 = arith.constant 0 : i32
      %dma_wait3A_155 = tpu.memref_slice %arg2[%dma_wait3A_153, %dma_wait3A_154] : memref<1350000x8xi32, #tpu.memory_space<hbm>> -> memref<512x8xi32, #tpu.memory_space<hbm>>
      %dma_wait3A_156 = arith.constant 0 : i32
      %dma_wait3A_157 = arith.constant 0 : i32
      %dma_wait3A_158 = tpu.memref_slice %arg10[%dma_wait3A_148, %dma_wait3A_156, %dma_wait3A_157] : memref<2x512x8xi32, #tpu.memory_space<vmem>> -> memref<1x512x8xi32, #tpu.memory_space<vmem>>
      %dma_wait3A_159 = tpu.memref_squeeze %dma_wait3A_158 : memref<1x512x8xi32, #tpu.memory_space<vmem>> -> memref<512x8xi32, #tpu.memory_space<vmem>>
      %dma_wait3A_160 = arith.constant 0 : i32
      %dma_wait3A_161 = arith.constant 0 : i32
      %dma_wait3A_162 = tpu.memref_slice %arg2[%dma_wait3A_160, %dma_wait3A_161] : memref<1350000x8xi32, #tpu.memory_space<hbm>> -> memref<512x8xi32, #tpu.memory_space<hbm>>
      tpu.wait_dma2 semaphore(%arg12 : memref<!tpu.dma_semaphore, #tpu.memory_space<semaphore_mem>>) src(%dma_wait3A_162 : memref<512x8xi32, #tpu.memory_space<hbm>>) dst(%dma_wait3A_159 : memref<512x8xi32, #tpu.memory_space<vmem>>)
      %scan3A_163 = arith.constant 0 : i32
      %scan3A_164 = arith.constant 0 : i32
      %scan3A_165 = arith.constant 0 : i32
      %scan3A_166 = arith.constant 0 : i32
      %scan3A_167 = arith.constant 64 : i32
      %scan3A_168 = arith.addi %scan3A_166, %scan3A_167 : i32
      %scan3A_169 = arith.constant 1 : i32
      scf.for %scan3A_335 = %scan3A_166 to %scan3A_168 step %scan3A_169  : i32 {
        %mul3A_336 = arith.constant 4 : i32
        %mul3A_337 = arith.muli %scan3A_335, %mul3A_336 : i32
        %add3A_338 = arith.constant 0 : i32
        %add3A_339 = arith.addi %mul3A_337, %add3A_338 : i32
        %mul3A_340 = arith.constant 2 : i32
        %mul3A_341 = arith.muli %add3A_339, %mul3A_340 : i32
        %add3A_342 = vector.broadcast %mul3A_341 : i32 to vector<16xi32>
        %add3A_343 = arith.addi %add3A_342, %shift_right_logical3A_4 : vector<16xi32>
        %gather3A = arith.constant 0 : i32
        %gather3A_344 = arith.constant 0 : i32
        %gather3A_345 = tpu.memref_slice %arg10[%scan3A_164, %gather3A, %gather3A_344] : memref<2x512x8xi32, #tpu.memory_space<vmem>> -> memref<1x512x8xi32, #tpu.memory_space<vmem>>
        %gather3A_346 = tpu.memref_squeeze %gather3A_345 : memref<1x512x8xi32, #tpu.memory_space<vmem>> -> memref<512x8xi32, #tpu.memory_space<vmem>>
        %gather3A_347 = tpu.vector_load_idx %gather3A_346[%add3A_343, %and3A_6] : memref<512x8xi32, #tpu.memory_space<vmem>>[vector<16xi32>, vector<16xi32>], vector<16xi32>,
        %shift_left3A = arith.constant 16 : i32
        %shift_left3A_348 = vector.broadcast %shift_left3A : i32 to vector<16xi32>
        %shift_left3A_349 = arith.shli %gather3A_347, %shift_left3A_348 : vector<16xi32>
        %bitcast3A = vector.bitcast %shift_left3A_349 : vector<16xi32> to vector<16xf32>
        %and3A_350 = vector.broadcast %scan3A_60 : i32 to vector<16xi32>
        %and3A_351 = arith.andi %gather3A_347, %and3A_350 : vector<16xi32>
        %bitcast3A_352 = vector.bitcast %and3A_351 : vector<16xi32> to vector<16xf32>
        %scatter3A = arith.constant 0 : i32
        %scatter3A_353 = arith.constant 0 : i32
        %scatter3A_354 = tpu.memref_slice %arg11[%scan3A_165, %scatter3A, %scatter3A_353] : memref<2x512x16xf32, #tpu.memory_space<vmem>> -> memref<1x512x16xf32, #tpu.memory_space<vmem>>
        %scatter3A_355 = tpu.memref_squeeze %scatter3A_354 : memref<1x512x16xf32, #tpu.memory_space<vmem>> -> memref<512x16xf32, #tpu.memory_space<vmem>>
        tpu.vector_store_idx %scatter3A_355[%add3A_343, %mul3A_9], %bitcast3A : memref<512x16xf32, #tpu.memory_space<vmem>>[vector<16xi32>, vector<16xi32>], vector<16xf32>,
        %scatter3A_356 = arith.constant 0 : i32
        %scatter3A_357 = arith.constant 0 : i32
        %scatter3A_358 = tpu.memref_slice %arg11[%scan3A_165, %scatter3A_356, %scatter3A_357] : memref<2x512x16xf32, #tpu.memory_space<vmem>> -> memref<1x512x16xf32, #tpu.memory_space<vmem>>
        %scatter3A_359 = tpu.memref_squeeze %scatter3A_358 : memref<1x512x16xf32, #tpu.memory_space<vmem>> -> memref<512x16xf32, #tpu.memory_space<vmem>>
        tpu.vector_store_idx %scatter3A_359[%add3A_343, %add3A_12], %bitcast3A_352 : memref<512x16xf32, #tpu.memory_space<vmem>>[vector<16xi32>, vector<16xi32>], vector<16xf32>,
        %mul3A_360 = arith.constant 4 : i32
        %mul3A_361 = arith.muli %scan3A_335, %mul3A_360 : i32
        %add3A_362 = arith.constant 1 : i32
        %add3A_363 = arith.addi %mul3A_361, %add3A_362 : i32
        %mul3A_364 = arith.constant 2 : i32
        %mul3A_365 = arith.muli %add3A_363, %mul3A_364 : i32
        %add3A_366 = vector.broadcast %mul3A_365 : i32 to vector<16xi32>
        %add3A_367 = arith.addi %add3A_366, %shift_right_logical3A_4 : vector<16xi32>
        %gather3A_368 = arith.constant 0 : i32
        %gather3A_369 = arith.constant 0 : i32
        %gather3A_370 = tpu.memref_slice %arg10[%scan3A_164, %gather3A_368, %gather3A_369] : memref<2x512x8xi32, #tpu.memory_space<vmem>> -> memref<1x512x8xi32, #tpu.memory_space<vmem>>
        %gather3A_371 = tpu.memref_squeeze %gather3A_370 : memref<1x512x8xi32, #tpu.memory_space<vmem>> -> memref<512x8xi32, #tpu.memory_space<vmem>>
        %gather3A_372 = tpu.vector_load_idx %gather3A_371[%add3A_367, %and3A_6] : memref<512x8xi32, #tpu.memory_space<vmem>>[vector<16xi32>, vector<16xi32>], vector<16xi32>,
        %shift_left3A_373 = arith.constant 16 : i32
        %shift_left3A_374 = vector.broadcast %shift_left3A_373 : i32 to vector<16xi32>
        %shift_left3A_375 = arith.shli %gather3A_372, %shift_left3A_374 : vector<16xi32>
        %bitcast3A_376 = vector.bitcast %shift_left3A_375 : vector<16xi32> to vector<16xf32>
        %and3A_377 = vector.broadcast %scan3A_60 : i32 to vector<16xi32>
        %and3A_378 = arith.andi %gather3A_372, %and3A_377 : vector<16xi32>
        %bitcast3A_379 = vector.bitcast %and3A_378 : vector<16xi32> to vector<16xf32>
        %scatter3A_380 = arith.constant 0 : i32
        %scatter3A_381 = arith.constant 0 : i32
        %scatter3A_382 = tpu.memref_slice %arg11[%scan3A_165, %scatter3A_380, %scatter3A_381] : memref<2x512x16xf32, #tpu.memory_space<vmem>> -> memref<1x512x16xf32, #tpu.memory_space<vmem>>
        %scatter3A_383 = tpu.memref_squeeze %scatter3A_382 : memref<1x512x16xf32, #tpu.memory_space<vmem>> -> memref<512x16xf32, #tpu.memory_space<vmem>>
        tpu.vector_store_idx %scatter3A_383[%add3A_367, %mul3A_9], %bitcast3A_376 : memref<512x16xf32, #tpu.memory_space<vmem>>[vector<16xi32>, vector<16xi32>], vector<16xf32>,
        %scatter3A_384 = arith.constant 0 : i32
        %scatter3A_385 = arith.constant 0 : i32
        %scatter3A_386 = tpu.memref_slice %arg11[%scan3A_165, %scatter3A_384, %scatter3A_385] : memref<2x512x16xf32, #tpu.memory_space<vmem>> -> memref<1x512x16xf32, #tpu.memory_space<vmem>>
        %scatter3A_387 = tpu.memref_squeeze %scatter3A_386 : memref<1x512x16xf32, #tpu.memory_space<vmem>> -> memref<512x16xf32, #tpu.memory_space<vmem>>
        tpu.vector_store_idx %scatter3A_387[%add3A_367, %add3A_12], %bitcast3A_379 : memref<512x16xf32, #tpu.memory_space<vmem>>[vector<16xi32>, vector<16xi32>], vector<16xf32>,
        %mul3A_388 = arith.constant 4 : i32
        %mul3A_389 = arith.muli %scan3A_335, %mul3A_388 : i32
        %add3A_390 = arith.constant 2 : i32
        %add3A_391 = arith.addi %mul3A_389, %add3A_390 : i32
        %mul3A_392 = arith.constant 2 : i32
        %mul3A_393 = arith.muli %add3A_391, %mul3A_392 : i32
        %add3A_394 = vector.broadcast %mul3A_393 : i32 to vector<16xi32>
        %add3A_395 = arith.addi %add3A_394, %shift_right_logical3A_4 : vector<16xi32>
        %gather3A_396 = arith.constant 0 : i32
        %gather3A_397 = arith.constant 0 : i32
        %gather3A_398 = tpu.memref_slice %arg10[%scan3A_164, %gather3A_396, %gather3A_397] : memref<2x512x8xi32, #tpu.memory_space<vmem>> -> memref<1x512x8xi32, #tpu.memory_space<vmem>>
        %gather3A_399 = tpu.memref_squeeze %gather3A_398 : memref<1x512x8xi32, #tpu.memory_space<vmem>> -> memref<512x8xi32, #tpu.memory_space<vmem>>
        %gather3A_400 = tpu.vector_load_idx %gather3A_399[%add3A_395, %and3A_6] : memref<512x8xi32, #tpu.memory_space<vmem>>[vector<16xi32>, vector<16xi32>], vector<16xi32>,
        %shift_left3A_401 = arith.constant 16 : i32
        %shift_left3A_402 = vector.broadcast %shift_left3A_401 : i32 to vector<16xi32>
        %shift_left3A_403 = arith.shli %gather3A_400, %shift_left3A_402 : vector<16xi32>
        %bitcast3A_404 = vector.bitcast %shift_left3A_403 : vector<16xi32> to vector<16xf32>
        %and3A_405 = vector.broadcast %scan3A_60 : i32 to vector<16xi32>
        %and3A_406 = arith.andi %gather3A_400, %and3A_405 : vector<16xi32>
        %bitcast3A_407 = vector.bitcast %and3A_406 : vector<16xi32> to vector<16xf32>
        %scatter3A_408 = arith.constant 0 : i32
        %scatter3A_409 = arith.constant 0 : i32
        %scatter3A_410 = tpu.memref_slice %arg11[%scan3A_165, %scatter3A_408, %scatter3A_409] : memref<2x512x16xf32, #tpu.memory_space<vmem>> -> memref<1x512x16xf32, #tpu.memory_space<vmem>>
        %scatter3A_411 = tpu.memref_squeeze %scatter3A_410 : memref<1x512x16xf32, #tpu.memory_space<vmem>> -> memref<512x16xf32, #tpu.memory_space<vmem>>
        tpu.vector_store_idx %scatter3A_411[%add3A_395, %mul3A_9], %bitcast3A_404 : memref<512x16xf32, #tpu.memory_space<vmem>>[vector<16xi32>, vector<16xi32>], vector<16xf32>,
        %scatter3A_412 = arith.constant 0 : i32
        %scatter3A_413 = arith.constant 0 : i32
        %scatter3A_414 = tpu.memref_slice %arg11[%scan3A_165, %scatter3A_412, %scatter3A_413] : memref<2x512x16xf32, #tpu.memory_space<vmem>> -> memref<1x512x16xf32, #tpu.memory_space<vmem>>
        %scatter3A_415 = tpu.memref_squeeze %scatter3A_414 : memref<1x512x16xf32, #tpu.memory_space<vmem>> -> memref<512x16xf32, #tpu.memory_space<vmem>>
        tpu.vector_store_idx %scatter3A_415[%add3A_395, %add3A_12], %bitcast3A_407 : memref<512x16xf32, #tpu.memory_space<vmem>>[vector<16xi32>, vector<16xi32>], vector<16xf32>,
        %mul3A_416 = arith.constant 4 : i32
        %mul3A_417 = arith.muli %scan3A_335, %mul3A_416 : i32
        %add3A_418 = arith.constant 3 : i32
        %add3A_419 = arith.addi %mul3A_417, %add3A_418 : i32
        %mul3A_420 = arith.constant 2 : i32
        %mul3A_421 = arith.muli %add3A_419, %mul3A_420 : i32
        %add3A_422 = vector.broadcast %mul3A_421 : i32 to vector<16xi32>
        %add3A_423 = arith.addi %add3A_422, %shift_right_logical3A_4 : vector<16xi32>
        %gather3A_424 = arith.constant 0 : i32
        %gather3A_425 = arith.constant 0 : i32
        %gather3A_426 = tpu.memref_slice %arg10[%scan3A_164, %gather3A_424, %gather3A_425] : memref<2x512x8xi32, #tpu.memory_space<vmem>> -> memref<1x512x8xi32, #tpu.memory_space<vmem>>
        %gather3A_427 = tpu.memref_squeeze %gather3A_426 : memref<1x512x8xi32, #tpu.memory_space<vmem>> -> memref<512x8xi32, #tpu.memory_space<vmem>>
        %gather3A_428 = tpu.vector_load_idx %gather3A_427[%add3A_423, %and3A_6] : memref<512x8xi32, #tpu.memory_space<vmem>>[vector<16xi32>, vector<16xi32>], vector<16xi32>,
        %shift_left3A_429 = arith.constant 16 : i32
        %shift_left3A_430 = vector.broadcast %shift_left3A_429 : i32 to vector<16xi32>
        %shift_left3A_431 = arith.shli %gather3A_428, %shift_left3A_430 : vector<16xi32>
        %bitcast3A_432 = vector.bitcast %shift_left3A_431 : vector<16xi32> to vector<16xf32>
        %and3A_433 = vector.broadcast %scan3A_60 : i32 to vector<16xi32>
        %and3A_434 = arith.andi %gather3A_428, %and3A_433 : vector<16xi32>
        %bitcast3A_435 = vector.bitcast %and3A_434 : vector<16xi32> to vector<16xf32>
        %scatter3A_436 = arith.constant 0 : i32
        %scatter3A_437 = arith.constant 0 : i32
        %scatter3A_438 = tpu.memref_slice %arg11[%scan3A_165, %scatter3A_436, %scatter3A_437] : memref<2x512x16xf32, #tpu.memory_space<vmem>> -> memref<1x512x16xf32, #tpu.memory_space<vmem>>
        %scatter3A_439 = tpu.memref_squeeze %scatter3A_438 : memref<1x512x16xf32, #tpu.memory_space<vmem>> -> memref<512x16xf32, #tpu.memory_space<vmem>>
        tpu.vector_store_idx %scatter3A_439[%add3A_423, %mul3A_9], %bitcast3A_432 : memref<512x16xf32, #tpu.memory_space<vmem>>[vector<16xi32>, vector<16xi32>], vector<16xf32>,
        %scatter3A_440 = arith.constant 0 : i32
        %scatter3A_441 = arith.constant 0 : i32
        %scatter3A_442 = tpu.memref_slice %arg11[%scan3A_165, %scatter3A_440, %scatter3A_441] : memref<2x512x16xf32, #tpu.memory_space<vmem>> -> memref<1x512x16xf32, #tpu.memory_space<vmem>>
        %scatter3A_443 = tpu.memref_squeeze %scatter3A_442 : memref<1x512x16xf32, #tpu.memory_space<vmem>> -> memref<512x16xf32, #tpu.memory_space<vmem>>
        tpu.vector_store_idx %scatter3A_443[%add3A_423, %add3A_12], %bitcast3A_435 : memref<512x16xf32, #tpu.memory_space<vmem>>[vector<16xi32>, vector<16xi32>], vector<16xf32>,
      }
      %scan3A_170 = arith.constant 64 : i32
      %mul3A_171 = arith.constant 4 : i32
      %mul3A_172 = arith.muli %mul3A_83, %mul3A_171 : i32
      %add3A_173 = arith.constant 0 : i32
      %add3A_174 = arith.addi %mul3A_172, %add3A_173 : i32
      %dma_start3A_175 = arith.constant 0 : i32
      %dma_start3A_176 = arith.constant 0 : i32
      %dma_start3A_177 = arith.constant 0 : i32
      %dma_start3A_178 = tpu.memref_slice %arg11[%dma_start3A_175, %dma_start3A_176, %dma_start3A_177] : memref<2x512x16xf32, #tpu.memory_space<vmem>> -> memref<1x128x16xf32, #tpu.memory_space<vmem>>
      %dma_start3A_179 = tpu.memref_squeeze %dma_start3A_178 : memref<1x128x16xf32, #tpu.memory_space<vmem>> -> memref<128x16xf32, #tpu.memory_space<vmem>>
      %dma_start3A_180 = arith.constant 0 : i32
      %dma_start3A_181 = tpu.memref_slice %arg9[%add3A_174, %dma_start3A_180] : memref<200x128xi32, #tpu.memory_space<vmem>> -> memref<1x128xi32, #tpu.memory_space<vmem>>
      %dma_start3A_182 = tpu.memref_squeeze %dma_start3A_181 : memref<1x128xi32, #tpu.memory_space<vmem>> -> memref<128xi32, #tpu.memory_space<vmem>>
      %dma_start3A_183 = arith.constant 0 : i32
      %dma_start3A_184 = arith.constant 0 : i32
      %dma_start3A_185 = tpu.memref_slice %arg7[%dma_start3A_183, %dma_start3A_184] : memref<50048x16xf32, #tpu.memory_space<vmem_shared>> -> memref<50048x16xf32, #tpu.memory_space<vmem_shared>>
      tpu.enqueue_indirect_dma source(%dma_start3A_179 : memref<128x16xf32, #tpu.memory_space<vmem>>) target(%dma_start3A_185 : memref<50048x16xf32, #tpu.memory_space<vmem_shared>>) offsets(%dma_start3A_182 : memref<128xi32, #tpu.memory_space<vmem>>) semaphore(%arg14 : memref<!tpu.dma_semaphore, #tpu.memory_space<semaphore_mem>>) {add = true}
      %mul3A_186 = arith.constant 4 : i32
      %mul3A_187 = arith.muli %mul3A_83, %mul3A_186 : i32
      %add3A_188 = arith.constant 1 : i32
      %add3A_189 = arith.addi %mul3A_187, %add3A_188 : i32
      %dma_start3A_190 = arith.constant 0 : i32
      %dma_start3A_191 = arith.constant 128 : i32
      %dma_start3A_192 = arith.constant 0 : i32
      %dma_start3A_193 = tpu.memref_slice %arg11[%dma_start3A_190, %dma_start3A_191, %dma_start3A_192] : memref<2x512x16xf32, #tpu.memory_space<vmem>> -> memref<1x128x16xf32, #tpu.memory_space<vmem>>
      %dma_start3A_194 = tpu.memref_squeeze %dma_start3A_193 : memref<1x128x16xf32, #tpu.memory_space<vmem>> -> memref<128x16xf32, #tpu.memory_space<vmem>>
      %dma_start3A_195 = arith.constant 0 : i32
      %dma_start3A_196 = tpu.memref_slice %arg9[%add3A_189, %dma_start3A_195] : memref<200x128xi32, #tpu.memory_space<vmem>> -> memref<1x128xi32, #tpu.memory_space<vmem>>
      %dma_start3A_197 = tpu.memref_squeeze %dma_start3A_196 : memref<1x128xi32, #tpu.memory_space<vmem>> -> memref<128xi32, #tpu.memory_space<vmem>>
      %dma_start3A_198 = arith.constant 0 : i32
      %dma_start3A_199 = arith.constant 0 : i32
      %dma_start3A_200 = tpu.memref_slice %arg7[%dma_start3A_198, %dma_start3A_199] : memref<50048x16xf32, #tpu.memory_space<vmem_shared>> -> memref<50048x16xf32, #tpu.memory_space<vmem_shared>>
      tpu.enqueue_indirect_dma source(%dma_start3A_194 : memref<128x16xf32, #tpu.memory_space<vmem>>) target(%dma_start3A_200 : memref<50048x16xf32, #tpu.memory_space<vmem_shared>>) offsets(%dma_start3A_197 : memref<128xi32, #tpu.memory_space<vmem>>) semaphore(%arg14 : memref<!tpu.dma_semaphore, #tpu.memory_space<semaphore_mem>>) {add = true}
      %mul3A_201 = arith.constant 4 : i32
      %mul3A_202 = arith.muli %mul3A_83, %mul3A_201 : i32
      %add3A_203 = arith.constant 2 : i32
      %add3A_204 = arith.addi %mul3A_202, %add3A_203 : i32
      %dma_start3A_205 = arith.constant 0 : i32
      %dma_start3A_206 = arith.constant 256 : i32
      %dma_start3A_207 = arith.constant 0 : i32
      %dma_start3A_208 = tpu.memref_slice %arg11[%dma_start3A_205, %dma_start3A_206, %dma_start3A_207] : memref<2x512x16xf32, #tpu.memory_space<vmem>> -> memref<1x128x16xf32, #tpu.memory_space<vmem>>
      %dma_start3A_209 = tpu.memref_squeeze %dma_start3A_208 : memref<1x128x16xf32, #tpu.memory_space<vmem>> -> memref<128x16xf32, #tpu.memory_space<vmem>>
      %dma_start3A_210 = arith.constant 0 : i32
      %dma_start3A_211 = tpu.memref_slice %arg9[%add3A_204, %dma_start3A_210] : memref<200x128xi32, #tpu.memory_space<vmem>> -> memref<1x128xi32, #tpu.memory_space<vmem>>
      %dma_start3A_212 = tpu.memref_squeeze %dma_start3A_211 : memref<1x128xi32, #tpu.memory_space<vmem>> -> memref<128xi32, #tpu.memory_space<vmem>>
      %dma_start3A_213 = arith.constant 0 : i32
      %dma_start3A_214 = arith.constant 0 : i32
      %dma_start3A_215 = tpu.memref_slice %arg7[%dma_start3A_213, %dma_start3A_214] : memref<50048x16xf32, #tpu.memory_space<vmem_shared>> -> memref<50048x16xf32, #tpu.memory_space<vmem_shared>>
      tpu.enqueue_indirect_dma source(%dma_start3A_209 : memref<128x16xf32, #tpu.memory_space<vmem>>) target(%dma_start3A_215 : memref<50048x16xf32, #tpu.memory_space<vmem_shared>>) offsets(%dma_start3A_212 : memref<128xi32, #tpu.memory_space<vmem>>) semaphore(%arg14 : memref<!tpu.dma_semaphore, #tpu.memory_space<semaphore_mem>>) {add = true}
      %mul3A_216 = arith.constant 4 : i32
      %mul3A_217 = arith.muli %mul3A_83, %mul3A_216 : i32
      %add3A_218 = arith.constant 3 : i32
      %add3A_219 = arith.addi %mul3A_217, %add3A_218 : i32
      %dma_start3A_220 = arith.constant 0 : i32
      %dma_start3A_221 = arith.constant 384 : i32
      %dma_start3A_222 = arith.constant 0 : i32
      %dma_start3A_223 = tpu.memref_slice %arg11[%dma_start3A_220, %dma_start3A_221, %dma_start3A_222] : memref<2x512x16xf32, #tpu.memory_space<vmem>> -> memref<1x128x16xf32, #tpu.memory_space<vmem>>
      %dma_start3A_224 = tpu.memref_squeeze %dma_start3A_223 : memref<1x128x16xf32, #tpu.memory_space<vmem>> -> memref<128x16xf32, #tpu.memory_space<vmem>>
      %dma_start3A_225 = arith.constant 0 : i32
      %dma_start3A_226 = tpu.memref_slice %arg9[%add3A_219, %dma_start3A_225] : memref<200x128xi32, #tpu.memory_space<vmem>> -> memref<1x128xi32, #tpu.memory_space<vmem>>
      %dma_start3A_227 = tpu.memref_squeeze %dma_start3A_226 : memref<1x128xi32, #tpu.memory_space<vmem>> -> memref<128xi32, #tpu.memory_space<vmem>>
      %dma_start3A_228 = arith.constant 0 : i32
      %dma_start3A_229 = arith.constant 0 : i32
      %dma_start3A_230 = tpu.memref_slice %arg7[%dma_start3A_228, %dma_start3A_229] : memref<50048x16xf32, #tpu.memory_space<vmem_shared>> -> memref<50048x16xf32, #tpu.memory_space<vmem_shared>>
      tpu.enqueue_indirect_dma source(%dma_start3A_224 : memref<128x16xf32, #tpu.memory_space<vmem>>) target(%dma_start3A_230 : memref<50048x16xf32, #tpu.memory_space<vmem_shared>>) offsets(%dma_start3A_227 : memref<128xi32, #tpu.memory_space<vmem>>) semaphore(%arg14 : memref<!tpu.dma_semaphore, #tpu.memory_space<semaphore_mem>>) {add = true}
      %dma_wait3A_231 = arith.constant 0 : i32
      %dma_wait3A_232 = arith.constant 0 : i32
      %dma_wait3A_233 = arith.constant 0 : i32
      %dma_wait3A_234 = tpu.memref_slice %arg10[%dma_wait3A_231, %dma_wait3A_232, %dma_wait3A_233] : memref<2x512x8xi32, #tpu.memory_space<vmem>> -> memref<1x512x8xi32, #tpu.memory_space<vmem>>
      %dma_wait3A_235 = tpu.memref_squeeze %dma_wait3A_234 : memref<1x512x8xi32, #tpu.memory_space<vmem>> -> memref<512x8xi32, #tpu.memory_space<vmem>>
      %dma_wait3A_236 = arith.constant 0 : i32
      %dma_wait3A_237 = arith.constant 0 : i32
      %dma_wait3A_238 = tpu.memref_slice %arg2[%dma_wait3A_236, %dma_wait3A_237] : memref<1350000x8xi32, #tpu.memory_space<hbm>> -> memref<512x8xi32, #tpu.memory_space<hbm>>
      %dma_wait3A_239 = arith.constant 0 : i32
      %dma_wait3A_240 = arith.constant 0 : i32
      %dma_wait3A_241 = tpu.memref_slice %arg10[%dma_wait3A_231, %dma_wait3A_239, %dma_wait3A_240] : memref<2x512x8xi32, #tpu.memory_space<vmem>> -> memref<1x512x8xi32, #tpu.memory_space<vmem>>
      %dma_wait3A_242 = tpu.memref_squeeze %dma_wait3A_241 : memref<1x512x8xi32, #tpu.memory_space<vmem>> -> memref<512x8xi32, #tpu.memory_space<vmem>>
      %dma_wait3A_243 = arith.constant 0 : i32
      %dma_wait3A_244 = arith.constant 0 : i32
      %dma_wait3A_245 = tpu.memref_slice %arg2[%dma_wait3A_243, %dma_wait3A_244] : memref<1350000x8xi32, #tpu.memory_space<hbm>> -> memref<512x8xi32, #tpu.memory_space<hbm>>
      tpu.wait_dma2 semaphore(%arg13 : memref<!tpu.dma_semaphore, #tpu.memory_space<semaphore_mem>>) src(%dma_wait3A_245 : memref<512x8xi32, #tpu.memory_space<hbm>>) dst(%dma_wait3A_242 : memref<512x8xi32, #tpu.memory_space<vmem>>)
      %scan3A_246 = arith.constant 0 : i32
      %scan3A_247 = arith.constant 1 : i32
      %scan3A_248 = arith.constant 1 : i32
      %scan3A_249 = arith.constant 0 : i32
      %scan3A_250 = arith.constant 64 : i32
      %scan3A_251 = arith.addi %scan3A_249, %scan3A_250 : i32
      %scan3A_252 = arith.constant 1 : i32
      scf.for %scan3A_335 = %scan3A_249 to %scan3A_251 step %scan3A_252  : i32 {
        %mul3A_336 = arith.constant 4 : i32
        %mul3A_337 = arith.muli %scan3A_335, %mul3A_336 : i32
        %add3A_338 = arith.constant 0 : i32
        %add3A_339 = arith.addi %mul3A_337, %add3A_338 : i32
        %mul3A_340 = arith.constant 2 : i32
        %mul3A_341 = arith.muli %add3A_339, %mul3A_340 : i32
        %add3A_342 = vector.broadcast %mul3A_341 : i32 to vector<16xi32>
        %add3A_343 = arith.addi %add3A_342, %shift_right_logical3A_4 : vector<16xi32>
        %gather3A = arith.constant 0 : i32
        %gather3A_344 = arith.constant 0 : i32
        %gather3A_345 = tpu.memref_slice %arg10[%scan3A_247, %gather3A, %gather3A_344] : memref<2x512x8xi32, #tpu.memory_space<vmem>> -> memref<1x512x8xi32, #tpu.memory_space<vmem>>
        %gather3A_346 = tpu.memref_squeeze %gather3A_345 : memref<1x512x8xi32, #tpu.memory_space<vmem>> -> memref<512x8xi32, #tpu.memory_space<vmem>>
        %gather3A_347 = tpu.vector_load_idx %gather3A_346[%add3A_343, %and3A_6] : memref<512x8xi32, #tpu.memory_space<vmem>>[vector<16xi32>, vector<16xi32>], vector<16xi32>,
        %shift_left3A = arith.constant 16 : i32
        %shift_left3A_348 = vector.broadcast %shift_left3A : i32 to vector<16xi32>
        %shift_left3A_349 = arith.shli %gather3A_347, %shift_left3A_348 : vector<16xi32>
        %bitcast3A = vector.bitcast %shift_left3A_349 : vector<16xi32> to vector<16xf32>
        %and3A_350 = vector.broadcast %scan3A_60 : i32 to vector<16xi32>
        %and3A_351 = arith.andi %gather3A_347, %and3A_350 : vector<16xi32>
        %bitcast3A_352 = vector.bitcast %and3A_351 : vector<16xi32> to vector<16xf32>
        %scatter3A = arith.constant 0 : i32
        %scatter3A_353 = arith.constant 0 : i32
        %scatter3A_354 = tpu.memref_slice %arg11[%scan3A_248, %scatter3A, %scatter3A_353] : memref<2x512x16xf32, #tpu.memory_space<vmem>> -> memref<1x512x16xf32, #tpu.memory_space<vmem>>
        %scatter3A_355 = tpu.memref_squeeze %scatter3A_354 : memref<1x512x16xf32, #tpu.memory_space<vmem>> -> memref<512x16xf32, #tpu.memory_space<vmem>>
        tpu.vector_store_idx %scatter3A_355[%add3A_343, %mul3A_9], %bitcast3A : memref<512x16xf32, #tpu.memory_space<vmem>>[vector<16xi32>, vector<16xi32>], vector<16xf32>,
        %scatter3A_356 = arith.constant 0 : i32
        %scatter3A_357 = arith.constant 0 : i32
        %scatter3A_358 = tpu.memref_slice %arg11[%scan3A_248, %scatter3A_356, %scatter3A_357] : memref<2x512x16xf32, #tpu.memory_space<vmem>> -> memref<1x512x16xf32, #tpu.memory_space<vmem>>
        %scatter3A_359 = tpu.memref_squeeze %scatter3A_358 : memref<1x512x16xf32, #tpu.memory_space<vmem>> -> memref<512x16xf32, #tpu.memory_space<vmem>>
        tpu.vector_store_idx %scatter3A_359[%add3A_343, %add3A_12], %bitcast3A_352 : memref<512x16xf32, #tpu.memory_space<vmem>>[vector<16xi32>, vector<16xi32>], vector<16xf32>,
        %mul3A_360 = arith.constant 4 : i32
        %mul3A_361 = arith.muli %scan3A_335, %mul3A_360 : i32
        %add3A_362 = arith.constant 1 : i32
        %add3A_363 = arith.addi %mul3A_361, %add3A_362 : i32
        %mul3A_364 = arith.constant 2 : i32
        %mul3A_365 = arith.muli %add3A_363, %mul3A_364 : i32
        %add3A_366 = vector.broadcast %mul3A_365 : i32 to vector<16xi32>
        %add3A_367 = arith.addi %add3A_366, %shift_right_logical3A_4 : vector<16xi32>
        %gather3A_368 = arith.constant 0 : i32
        %gather3A_369 = arith.constant 0 : i32
        %gather3A_370 = tpu.memref_slice %arg10[%scan3A_247, %gather3A_368, %gather3A_369] : memref<2x512x8xi32, #tpu.memory_space<vmem>> -> memref<1x512x8xi32, #tpu.memory_space<vmem>>
        %gather3A_371 = tpu.memref_squeeze %gather3A_370 : memref<1x512x8xi32, #tpu.memory_space<vmem>> -> memref<512x8xi32, #tpu.memory_space<vmem>>
        %gather3A_372 = tpu.vector_load_idx %gather3A_371[%add3A_367, %and3A_6] : memref<512x8xi32, #tpu.memory_space<vmem>>[vector<16xi32>, vector<16xi32>], vector<16xi32>,
        %shift_left3A_373 = arith.constant 16 : i32
        %shift_left3A_374 = vector.broadcast %shift_left3A_373 : i32 to vector<16xi32>
        %shift_left3A_375 = arith.shli %gather3A_372, %shift_left3A_374 : vector<16xi32>
        %bitcast3A_376 = vector.bitcast %shift_left3A_375 : vector<16xi32> to vector<16xf32>
        %and3A_377 = vector.broadcast %scan3A_60 : i32 to vector<16xi32>
        %and3A_378 = arith.andi %gather3A_372, %and3A_377 : vector<16xi32>
        %bitcast3A_379 = vector.bitcast %and3A_378 : vector<16xi32> to vector<16xf32>
        %scatter3A_380 = arith.constant 0 : i32
        %scatter3A_381 = arith.constant 0 : i32
        %scatter3A_382 = tpu.memref_slice %arg11[%scan3A_248, %scatter3A_380, %scatter3A_381] : memref<2x512x16xf32, #tpu.memory_space<vmem>> -> memref<1x512x16xf32, #tpu.memory_space<vmem>>
        %scatter3A_383 = tpu.memref_squeeze %scatter3A_382 : memref<1x512x16xf32, #tpu.memory_space<vmem>> -> memref<512x16xf32, #tpu.memory_space<vmem>>
        tpu.vector_store_idx %scatter3A_383[%add3A_367, %mul3A_9], %bitcast3A_376 : memref<512x16xf32, #tpu.memory_space<vmem>>[vector<16xi32>, vector<16xi32>], vector<16xf32>,
        %scatter3A_384 = arith.constant 0 : i32
        %scatter3A_385 = arith.constant 0 : i32
        %scatter3A_386 = tpu.memref_slice %arg11[%scan3A_248, %scatter3A_384, %scatter3A_385] : memref<2x512x16xf32, #tpu.memory_space<vmem>> -> memref<1x512x16xf32, #tpu.memory_space<vmem>>
        %scatter3A_387 = tpu.memref_squeeze %scatter3A_386 : memref<1x512x16xf32, #tpu.memory_space<vmem>> -> memref<512x16xf32, #tpu.memory_space<vmem>>
        tpu.vector_store_idx %scatter3A_387[%add3A_367, %add3A_12], %bitcast3A_379 : memref<512x16xf32, #tpu.memory_space<vmem>>[vector<16xi32>, vector<16xi32>], vector<16xf32>,
        %mul3A_388 = arith.constant 4 : i32
        %mul3A_389 = arith.muli %scan3A_335, %mul3A_388 : i32
        %add3A_390 = arith.constant 2 : i32
        %add3A_391 = arith.addi %mul3A_389, %add3A_390 : i32
        %mul3A_392 = arith.constant 2 : i32
        %mul3A_393 = arith.muli %add3A_391, %mul3A_392 : i32
        %add3A_394 = vector.broadcast %mul3A_393 : i32 to vector<16xi32>
        %add3A_395 = arith.addi %add3A_394, %shift_right_logical3A_4 : vector<16xi32>
        %gather3A_396 = arith.constant 0 : i32
        %gather3A_397 = arith.constant 0 : i32
        %gather3A_398 = tpu.memref_slice %arg10[%scan3A_247, %gather3A_396, %gather3A_397] : memref<2x512x8xi32, #tpu.memory_space<vmem>> -> memref<1x512x8xi32, #tpu.memory_space<vmem>>
        %gather3A_399 = tpu.memref_squeeze %gather3A_398 : memref<1x512x8xi32, #tpu.memory_space<vmem>> -> memref<512x8xi32, #tpu.memory_space<vmem>>
        %gather3A_400 = tpu.vector_load_idx %gather3A_399[%add3A_395, %and3A_6] : memref<512x8xi32, #tpu.memory_space<vmem>>[vector<16xi32>, vector<16xi32>], vector<16xi32>,
        %shift_left3A_401 = arith.constant 16 : i32
        %shift_left3A_402 = vector.broadcast %shift_left3A_401 : i32 to vector<16xi32>
        %shift_left3A_403 = arith.shli %gather3A_400, %shift_left3A_402 : vector<16xi32>
        %bitcast3A_404 = vector.bitcast %shift_left3A_403 : vector<16xi32> to vector<16xf32>
        %and3A_405 = vector.broadcast %scan3A_60 : i32 to vector<16xi32>
        %and3A_406 = arith.andi %gather3A_400, %and3A_405 : vector<16xi32>
        %bitcast3A_407 = vector.bitcast %and3A_406 : vector<16xi32> to vector<16xf32>
        %scatter3A_408 = arith.constant 0 : i32
        %scatter3A_409 = arith.constant 0 : i32
        %scatter3A_410 = tpu.memref_slice %arg11[%scan3A_248, %scatter3A_408, %scatter3A_409] : memref<2x512x16xf32, #tpu.memory_space<vmem>> -> memref<1x512x16xf32, #tpu.memory_space<vmem>>
        %scatter3A_411 = tpu.memref_squeeze %scatter3A_410 : memref<1x512x16xf32, #tpu.memory_space<vmem>> -> memref<512x16xf32, #tpu.memory_space<vmem>>
        tpu.vector_store_idx %scatter3A_411[%add3A_395, %mul3A_9], %bitcast3A_404 : memref<512x16xf32, #tpu.memory_space<vmem>>[vector<16xi32>, vector<16xi32>], vector<16xf32>,
        %scatter3A_412 = arith.constant 0 : i32
        %scatter3A_413 = arith.constant 0 : i32
        %scatter3A_414 = tpu.memref_slice %arg11[%scan3A_248, %scatter3A_412, %scatter3A_413] : memref<2x512x16xf32, #tpu.memory_space<vmem>> -> memref<1x512x16xf32, #tpu.memory_space<vmem>>
        %scatter3A_415 = tpu.memref_squeeze %scatter3A_414 : memref<1x512x16xf32, #tpu.memory_space<vmem>> -> memref<512x16xf32, #tpu.memory_space<vmem>>
        tpu.vector_store_idx %scatter3A_415[%add3A_395, %add3A_12], %bitcast3A_407 : memref<512x16xf32, #tpu.memory_space<vmem>>[vector<16xi32>, vector<16xi32>], vector<16xf32>,
        %mul3A_416 = arith.constant 4 : i32
        %mul3A_417 = arith.muli %scan3A_335, %mul3A_416 : i32
        %add3A_418 = arith.constant 3 : i32
        %add3A_419 = arith.addi %mul3A_417, %add3A_418 : i32
        %mul3A_420 = arith.constant 2 : i32
        %mul3A_421 = arith.muli %add3A_419, %mul3A_420 : i32
        %add3A_422 = vector.broadcast %mul3A_421 : i32 to vector<16xi32>
        %add3A_423 = arith.addi %add3A_422, %shift_right_logical3A_4 : vector<16xi32>
        %gather3A_424 = arith.constant 0 : i32
        %gather3A_425 = arith.constant 0 : i32
        %gather3A_426 = tpu.memref_slice %arg10[%scan3A_247, %gather3A_424, %gather3A_425] : memref<2x512x8xi32, #tpu.memory_space<vmem>> -> memref<1x512x8xi32, #tpu.memory_space<vmem>>
        %gather3A_427 = tpu.memref_squeeze %gather3A_426 : memref<1x512x8xi32, #tpu.memory_space<vmem>> -> memref<512x8xi32, #tpu.memory_space<vmem>>
        %gather3A_428 = tpu.vector_load_idx %gather3A_427[%add3A_423, %and3A_6] : memref<512x8xi32, #tpu.memory_space<vmem>>[vector<16xi32>, vector<16xi32>], vector<16xi32>,
        %shift_left3A_429 = arith.constant 16 : i32
        %shift_left3A_430 = vector.broadcast %shift_left3A_429 : i32 to vector<16xi32>
        %shift_left3A_431 = arith.shli %gather3A_428, %shift_left3A_430 : vector<16xi32>
        %bitcast3A_432 = vector.bitcast %shift_left3A_431 : vector<16xi32> to vector<16xf32>
        %and3A_433 = vector.broadcast %scan3A_60 : i32 to vector<16xi32>
        %and3A_434 = arith.andi %gather3A_428, %and3A_433 : vector<16xi32>
        %bitcast3A_435 = vector.bitcast %and3A_434 : vector<16xi32> to vector<16xf32>
        %scatter3A_436 = arith.constant 0 : i32
        %scatter3A_437 = arith.constant 0 : i32
        %scatter3A_438 = tpu.memref_slice %arg11[%scan3A_248, %scatter3A_436, %scatter3A_437] : memref<2x512x16xf32, #tpu.memory_space<vmem>> -> memref<1x512x16xf32, #tpu.memory_space<vmem>>
        %scatter3A_439 = tpu.memref_squeeze %scatter3A_438 : memref<1x512x16xf32, #tpu.memory_space<vmem>> -> memref<512x16xf32, #tpu.memory_space<vmem>>
        tpu.vector_store_idx %scatter3A_439[%add3A_423, %mul3A_9], %bitcast3A_432 : memref<512x16xf32, #tpu.memory_space<vmem>>[vector<16xi32>, vector<16xi32>], vector<16xf32>,
        %scatter3A_440 = arith.constant 0 : i32
        %scatter3A_441 = arith.constant 0 : i32
        %scatter3A_442 = tpu.memref_slice %arg11[%scan3A_248, %scatter3A_440, %scatter3A_441] : memref<2x512x16xf32, #tpu.memory_space<vmem>> -> memref<1x512x16xf32, #tpu.memory_space<vmem>>
        %scatter3A_443 = tpu.memref_squeeze %scatter3A_442 : memref<1x512x16xf32, #tpu.memory_space<vmem>> -> memref<512x16xf32, #tpu.memory_space<vmem>>
        tpu.vector_store_idx %scatter3A_443[%add3A_423, %add3A_12], %bitcast3A_435 : memref<512x16xf32, #tpu.memory_space<vmem>>[vector<16xi32>, vector<16xi32>], vector<16xf32>,
      }
      %scan3A_253 = arith.constant 64 : i32
      %dma_wait3A_254 = arith.constant 0 : i32
      %dma_wait3A_255 = arith.constant 0 : i32
      %dma_wait3A_256 = arith.constant 0 : i32
      %dma_wait3A_257 = tpu.memref_slice %arg11[%dma_wait3A_254, %dma_wait3A_255, %dma_wait3A_256] : memref<2x512x16xf32, #tpu.memory_space<vmem>> -> memref<1x512x16xf32, #tpu.memory_space<vmem>>
      %dma_wait3A_258 = tpu.memref_squeeze %dma_wait3A_257 : memref<1x512x16xf32, #tpu.memory_space<vmem>> -> memref<512x16xf32, #tpu.memory_space<vmem>>
      %dma_wait3A_259 = arith.constant 0 : i32
      %dma_wait3A_260 = arith.constant 0 : i32
      %dma_wait3A_261 = tpu.memref_slice %arg7[%dma_wait3A_259, %dma_wait3A_260] : memref<50048x16xf32, #tpu.memory_space<vmem_shared>> -> memref<512x16xf32, #tpu.memory_space<vmem_shared>>
      %dma_wait3A_262 = arith.constant 0 : i32
      %dma_wait3A_263 = arith.constant 0 : i32
      %dma_wait3A_264 = tpu.memref_slice %arg7[%dma_wait3A_262, %dma_wait3A_263] : memref<50048x16xf32, #tpu.memory_space<vmem_shared>> -> memref<512x16xf32, #tpu.memory_space<vmem_shared>>
      %dma_wait3A_265 = arith.constant 0 : i32
      %dma_wait3A_266 = arith.constant 0 : i32
      %dma_wait3A_267 = tpu.memref_slice %arg11[%dma_wait3A_254, %dma_wait3A_265, %dma_wait3A_266] : memref<2x512x16xf32, #tpu.memory_space<vmem>> -> memref<1x512x16xf32, #tpu.memory_space<vmem>>
      %dma_wait3A_268 = tpu.memref_squeeze %dma_wait3A_267 : memref<1x512x16xf32, #tpu.memory_space<vmem>> -> memref<512x16xf32, #tpu.memory_space<vmem>>
      tpu.wait_dma2 semaphore(%arg14 : memref<!tpu.dma_semaphore, #tpu.memory_space<semaphore_mem>>) src(%dma_wait3A_268 : memref<512x16xf32, #tpu.memory_space<vmem>>) dst(%dma_wait3A_264 : memref<512x16xf32, #tpu.memory_space<vmem_shared>>)
      %lt3A = arith.constant 24 : i32
      %lt3A_269 = arith.cmpi slt, %scan3A_81, %lt3A : i32
      %convert_element_type3A_270 = arith.extui %lt3A_269 : i1 to i32
      %cond3A_271 = arith.constant 0 : i32
      %cond3A_272 = arith.cmpi ne, %convert_element_type3A_270, %cond3A_271 : i32
      scf.if %cond3A_272 {
        %add3A_335 = arith.constant 2 : i32
        %add3A_336 = arith.addi %mul3A_83, %add3A_335 : i32
        %mul3A_337 = arith.constant 4 : i32
        %mul3A_338 = arith.muli %add3A_336, %mul3A_337 : i32
        %add3A_339 = arith.constant 0 : i32
        %add3A_340 = arith.addi %mul3A_338, %add3A_339 : i32
        %dma_start3A_341 = arith.constant 0 : i32
        %dma_start3A_342 = arith.constant 0 : i32
        %dma_start3A_343 = arith.constant 0 : i32
        %dma_start3A_344 = tpu.memref_slice %arg10[%dma_start3A_341, %dma_start3A_342, %dma_start3A_343] : memref<2x512x8xi32, #tpu.memory_space<vmem>> -> memref<1x128x8xi32, #tpu.memory_space<vmem>>
        %dma_start3A_345 = tpu.memref_squeeze %dma_start3A_344 : memref<1x128x8xi32, #tpu.memory_space<vmem>> -> memref<128x8xi32, #tpu.memory_space<vmem>>
        %dma_start3A_346 = arith.constant 0 : i32
        %dma_start3A_347 = tpu.memref_slice %arg8[%add3A_340, %dma_start3A_346] : memref<200x128xi32, #tpu.memory_space<vmem>> -> memref<1x128xi32, #tpu.memory_space<vmem>>
        %dma_start3A_348 = tpu.memref_squeeze %dma_start3A_347 : memref<1x128xi32, #tpu.memory_space<vmem>> -> memref<128xi32, #tpu.memory_space<vmem>>
        %dma_start3A_349 = arith.constant 0 : i32
        %dma_start3A_350 = arith.constant 0 : i32
        %dma_start3A_351 = tpu.memref_slice %arg2[%dma_start3A_349, %dma_start3A_350] : memref<1350000x8xi32, #tpu.memory_space<hbm>> -> memref<1350000x8xi32, #tpu.memory_space<hbm>>
        tpu.enqueue_indirect_dma source(%dma_start3A_351 : memref<1350000x8xi32, #tpu.memory_space<hbm>>) target(%dma_start3A_345 : memref<128x8xi32, #tpu.memory_space<vmem>>) offsets(%dma_start3A_348 : memref<128xi32, #tpu.memory_space<vmem>>) semaphore(%arg12 : memref<!tpu.dma_semaphore, #tpu.memory_space<semaphore_mem>>)
        %mul3A_352 = arith.constant 4 : i32
        %mul3A_353 = arith.muli %add3A_336, %mul3A_352 : i32
        %add3A_354 = arith.constant 1 : i32
        %add3A_355 = arith.addi %mul3A_353, %add3A_354 : i32
        %dma_start3A_356 = arith.constant 0 : i32
        %dma_start3A_357 = arith.constant 128 : i32
        %dma_start3A_358 = arith.constant 0 : i32
        %dma_start3A_359 = tpu.memref_slice %arg10[%dma_start3A_356, %dma_start3A_357, %dma_start3A_358] : memref<2x512x8xi32, #tpu.memory_space<vmem>> -> memref<1x128x8xi32, #tpu.memory_space<vmem>>
        %dma_start3A_360 = tpu.memref_squeeze %dma_start3A_359 : memref<1x128x8xi32, #tpu.memory_space<vmem>> -> memref<128x8xi32, #tpu.memory_space<vmem>>
        %dma_start3A_361 = arith.constant 0 : i32
        %dma_start3A_362 = tpu.memref_slice %arg8[%add3A_355, %dma_start3A_361] : memref<200x128xi32, #tpu.memory_space<vmem>> -> memref<1x128xi32, #tpu.memory_space<vmem>>
        %dma_start3A_363 = tpu.memref_squeeze %dma_start3A_362 : memref<1x128xi32, #tpu.memory_space<vmem>> -> memref<128xi32, #tpu.memory_space<vmem>>
        %dma_start3A_364 = arith.constant 0 : i32
        %dma_start3A_365 = arith.constant 0 : i32
        %dma_start3A_366 = tpu.memref_slice %arg2[%dma_start3A_364, %dma_start3A_365] : memref<1350000x8xi32, #tpu.memory_space<hbm>> -> memref<1350000x8xi32, #tpu.memory_space<hbm>>
        tpu.enqueue_indirect_dma source(%dma_start3A_366 : memref<1350000x8xi32, #tpu.memory_space<hbm>>) target(%dma_start3A_360 : memref<128x8xi32, #tpu.memory_space<vmem>>) offsets(%dma_start3A_363 : memref<128xi32, #tpu.memory_space<vmem>>) semaphore(%arg12 : memref<!tpu.dma_semaphore, #tpu.memory_space<semaphore_mem>>)
        %mul3A_367 = arith.constant 4 : i32
        %mul3A_368 = arith.muli %add3A_336, %mul3A_367 : i32
        %add3A_369 = arith.constant 2 : i32
        %add3A_370 = arith.addi %mul3A_368, %add3A_369 : i32
        %dma_start3A_371 = arith.constant 0 : i32
        %dma_start3A_372 = arith.constant 256 : i32
        %dma_start3A_373 = arith.constant 0 : i32
        %dma_start3A_374 = tpu.memref_slice %arg10[%dma_start3A_371, %dma_start3A_372, %dma_start3A_373] : memref<2x512x8xi32, #tpu.memory_space<vmem>> -> memref<1x128x8xi32, #tpu.memory_space<vmem>>
        %dma_start3A_375 = tpu.memref_squeeze %dma_start3A_374 : memref<1x128x8xi32, #tpu.memory_space<vmem>> -> memref<128x8xi32, #tpu.memory_space<vmem>>
        %dma_start3A_376 = arith.constant 0 : i32
        %dma_start3A_377 = tpu.memref_slice %arg8[%add3A_370, %dma_start3A_376] : memref<200x128xi32, #tpu.memory_space<vmem>> -> memref<1x128xi32, #tpu.memory_space<vmem>>
        %dma_start3A_378 = tpu.memref_squeeze %dma_start3A_377 : memref<1x128xi32, #tpu.memory_space<vmem>> -> memref<128xi32, #tpu.memory_space<vmem>>
        %dma_start3A_379 = arith.constant 0 : i32
        %dma_start3A_380 = arith.constant 0 : i32
        %dma_start3A_381 = tpu.memref_slice %arg2[%dma_start3A_379, %dma_start3A_380] : memref<1350000x8xi32, #tpu.memory_space<hbm>> -> memref<1350000x8xi32, #tpu.memory_space<hbm>>
        tpu.enqueue_indirect_dma source(%dma_start3A_381 : memref<1350000x8xi32, #tpu.memory_space<hbm>>) target(%dma_start3A_375 : memref<128x8xi32, #tpu.memory_space<vmem>>) offsets(%dma_start3A_378 : memref<128xi32, #tpu.memory_space<vmem>>) semaphore(%arg12 : memref<!tpu.dma_semaphore, #tpu.memory_space<semaphore_mem>>)
        %mul3A_382 = arith.constant 4 : i32
        %mul3A_383 = arith.muli %add3A_336, %mul3A_382 : i32
        %add3A_384 = arith.constant 3 : i32
        %add3A_385 = arith.addi %mul3A_383, %add3A_384 : i32
        %dma_start3A_386 = arith.constant 0 : i32
        %dma_start3A_387 = arith.constant 384 : i32
        %dma_start3A_388 = arith.constant 0 : i32
        %dma_start3A_389 = tpu.memref_slice %arg10[%dma_start3A_386, %dma_start3A_387, %dma_start3A_388] : memref<2x512x8xi32, #tpu.memory_space<vmem>> -> memref<1x128x8xi32, #tpu.memory_space<vmem>>
        %dma_start3A_390 = tpu.memref_squeeze %dma_start3A_389 : memref<1x128x8xi32, #tpu.memory_space<vmem>> -> memref<128x8xi32, #tpu.memory_space<vmem>>
        %dma_start3A_391 = arith.constant 0 : i32
        %dma_start3A_392 = tpu.memref_slice %arg8[%add3A_385, %dma_start3A_391] : memref<200x128xi32, #tpu.memory_space<vmem>> -> memref<1x128xi32, #tpu.memory_space<vmem>>
        %dma_start3A_393 = tpu.memref_squeeze %dma_start3A_392 : memref<1x128xi32, #tpu.memory_space<vmem>> -> memref<128xi32, #tpu.memory_space<vmem>>
        %dma_start3A_394 = arith.constant 0 : i32
        %dma_start3A_395 = arith.constant 0 : i32
        %dma_start3A_396 = tpu.memref_slice %arg2[%dma_start3A_394, %dma_start3A_395] : memref<1350000x8xi32, #tpu.memory_space<hbm>> -> memref<1350000x8xi32, #tpu.memory_space<hbm>>
        tpu.enqueue_indirect_dma source(%dma_start3A_396 : memref<1350000x8xi32, #tpu.memory_space<hbm>>) target(%dma_start3A_390 : memref<128x8xi32, #tpu.memory_space<vmem>>) offsets(%dma_start3A_393 : memref<128xi32, #tpu.memory_space<vmem>>) semaphore(%arg12 : memref<!tpu.dma_semaphore, #tpu.memory_space<semaphore_mem>>)
      } else {
      }
      %add3A_273 = arith.constant 1 : i32
      %add3A_274 = arith.addi %mul3A_83, %add3A_273 : i32
      %mul3A_275 = arith.constant 4 : i32
      %mul3A_276 = arith.muli %add3A_274, %mul3A_275 : i32
      %add3A_277 = arith.constant 0 : i32
      %add3A_278 = arith.addi %mul3A_276, %add3A_277 : i32
      %dma_start3A_279 = arith.constant 1 : i32
      %dma_start3A_280 = arith.constant 0 : i32
      %dma_start3A_281 = arith.constant 0 : i32
      %dma_start3A_282 = tpu.memref_slice %arg11[%dma_start3A_279, %dma_start3A_280, %dma_start3A_281] : memref<2x512x16xf32, #tpu.memory_space<vmem>> -> memref<1x128x16xf32, #tpu.memory_space<vmem>>
      %dma_start3A_283 = tpu.memref_squeeze %dma_start3A_282 : memref<1x128x16xf32, #tpu.memory_space<vmem>> -> memref<128x16xf32, #tpu.memory_space<vmem>>
      %dma_start3A_284 = arith.constant 0 : i32
      %dma_start3A_285 = tpu.memref_slice %arg9[%add3A_278, %dma_start3A_284] : memref<200x128xi32, #tpu.memory_space<vmem>> -> memref<1x128xi32, #tpu.memory_space<vmem>>
      %dma_start3A_286 = tpu.memref_squeeze %dma_start3A_285 : memref<1x128xi32, #tpu.memory_space<vmem>> -> memref<128xi32, #tpu.memory_space<vmem>>
      %dma_start3A_287 = arith.constant 0 : i32
      %dma_start3A_288 = arith.constant 0 : i32
      %dma_start3A_289 = tpu.memref_slice %arg7[%dma_start3A_287, %dma_start3A_288] : memref<50048x16xf32, #tpu.memory_space<vmem_shared>> -> memref<50048x16xf32, #tpu.memory_space<vmem_shared>>
      tpu.enqueue_indirect_dma source(%dma_start3A_283 : memref<128x16xf32, #tpu.memory_space<vmem>>) target(%dma_start3A_289 : memref<50048x16xf32, #tpu.memory_space<vmem_shared>>) offsets(%dma_start3A_286 : memref<128xi32, #tpu.memory_space<vmem>>) semaphore(%arg15 : memref<!tpu.dma_semaphore, #tpu.memory_space<semaphore_mem>>) {add = true}
      %mul3A_290 = arith.constant 4 : i32
      %mul3A_291 = arith.muli %add3A_274, %mul3A_290 : i32
      %add3A_292 = arith.constant 1 : i32
      %add3A_293 = arith.addi %mul3A_291, %add3A_292 : i32
      %dma_start3A_294 = arith.constant 1 : i32
      %dma_start3A_295 = arith.constant 128 : i32
      %dma_start3A_296 = arith.constant 0 : i32
      %dma_start3A_297 = tpu.memref_slice %arg11[%dma_start3A_294, %dma_start3A_295, %dma_start3A_296] : memref<2x512x16xf32, #tpu.memory_space<vmem>> -> memref<1x128x16xf32, #tpu.memory_space<vmem>>
      %dma_start3A_298 = tpu.memref_squeeze %dma_start3A_297 : memref<1x128x16xf32, #tpu.memory_space<vmem>> -> memref<128x16xf32, #tpu.memory_space<vmem>>
      %dma_start3A_299 = arith.constant 0 : i32
      %dma_start3A_300 = tpu.memref_slice %arg9[%add3A_293, %dma_start3A_299] : memref<200x128xi32, #tpu.memory_space<vmem>> -> memref<1x128xi32, #tpu.memory_space<vmem>>
      %dma_start3A_301 = tpu.memref_squeeze %dma_start3A_300 : memref<1x128xi32, #tpu.memory_space<vmem>> -> memref<128xi32, #tpu.memory_space<vmem>>
      %dma_start3A_302 = arith.constant 0 : i32
      %dma_start3A_303 = arith.constant 0 : i32
      %dma_start3A_304 = tpu.memref_slice %arg7[%dma_start3A_302, %dma_start3A_303] : memref<50048x16xf32, #tpu.memory_space<vmem_shared>> -> memref<50048x16xf32, #tpu.memory_space<vmem_shared>>
      tpu.enqueue_indirect_dma source(%dma_start3A_298 : memref<128x16xf32, #tpu.memory_space<vmem>>) target(%dma_start3A_304 : memref<50048x16xf32, #tpu.memory_space<vmem_shared>>) offsets(%dma_start3A_301 : memref<128xi32, #tpu.memory_space<vmem>>) semaphore(%arg15 : memref<!tpu.dma_semaphore, #tpu.memory_space<semaphore_mem>>) {add = true}
      %mul3A_305 = arith.constant 4 : i32
      %mul3A_306 = arith.muli %add3A_274, %mul3A_305 : i32
      %add3A_307 = arith.constant 2 : i32
      %add3A_308 = arith.addi %mul3A_306, %add3A_307 : i32
      %dma_start3A_309 = arith.constant 1 : i32
      %dma_start3A_310 = arith.constant 256 : i32
      %dma_start3A_311 = arith.constant 0 : i32
      %dma_start3A_312 = tpu.memref_slice %arg11[%dma_start3A_309, %dma_start3A_310, %dma_start3A_311] : memref<2x512x16xf32, #tpu.memory_space<vmem>> -> memref<1x128x16xf32, #tpu.memory_space<vmem>>
      %dma_start3A_313 = tpu.memref_squeeze %dma_start3A_312 : memref<1x128x16xf32, #tpu.memory_space<vmem>> -> memref<128x16xf32, #tpu.memory_space<vmem>>
      %dma_start3A_314 = arith.constant 0 : i32
      %dma_start3A_315 = tpu.memref_slice %arg9[%add3A_308, %dma_start3A_314] : memref<200x128xi32, #tpu.memory_space<vmem>> -> memref<1x128xi32, #tpu.memory_space<vmem>>
      %dma_start3A_316 = tpu.memref_squeeze %dma_start3A_315 : memref<1x128xi32, #tpu.memory_space<vmem>> -> memref<128xi32, #tpu.memory_space<vmem>>
      %dma_start3A_317 = arith.constant 0 : i32
      %dma_start3A_318 = arith.constant 0 : i32
      %dma_start3A_319 = tpu.memref_slice %arg7[%dma_start3A_317, %dma_start3A_318] : memref<50048x16xf32, #tpu.memory_space<vmem_shared>> -> memref<50048x16xf32, #tpu.memory_space<vmem_shared>>
      tpu.enqueue_indirect_dma source(%dma_start3A_313 : memref<128x16xf32, #tpu.memory_space<vmem>>) target(%dma_start3A_319 : memref<50048x16xf32, #tpu.memory_space<vmem_shared>>) offsets(%dma_start3A_316 : memref<128xi32, #tpu.memory_space<vmem>>) semaphore(%arg15 : memref<!tpu.dma_semaphore, #tpu.memory_space<semaphore_mem>>) {add = true}
      %mul3A_320 = arith.constant 4 : i32
      %mul3A_321 = arith.muli %add3A_274, %mul3A_320 : i32
      %add3A_322 = arith.constant 3 : i32
      %add3A_323 = arith.addi %mul3A_321, %add3A_322 : i32
      %dma_start3A_324 = arith.constant 1 : i32
      %dma_start3A_325 = arith.constant 384 : i32
      %dma_start3A_326 = arith.constant 0 : i32
      %dma_start3A_327 = tpu.memref_slice %arg11[%dma_start3A_324, %dma_start3A_325, %dma_start3A_326] : memref<2x512x16xf32, #tpu.memory_space<vmem>> -> memref<1x128x16xf32, #tpu.memory_space<vmem>>
      %dma_start3A_328 = tpu.memref_squeeze %dma_start3A_327 : memref<1x128x16xf32, #tpu.memory_space<vmem>> -> memref<128x16xf32, #tpu.memory_space<vmem>>
      %dma_start3A_329 = arith.constant 0 : i32
      %dma_start3A_330 = tpu.memref_slice %arg9[%add3A_323, %dma_start3A_329] : memref<200x128xi32, #tpu.memory_space<vmem>> -> memref<1x128xi32, #tpu.memory_space<vmem>>
      %dma_start3A_331 = tpu.memref_squeeze %dma_start3A_330 : memref<1x128xi32, #tpu.memory_space<vmem>> -> memref<128xi32, #tpu.memory_space<vmem>>
      %dma_start3A_332 = arith.constant 0 : i32
      %dma_start3A_333 = arith.constant 0 : i32
      %dma_start3A_334 = tpu.memref_slice %arg7[%dma_start3A_332, %dma_start3A_333] : memref<50048x16xf32, #tpu.memory_space<vmem_shared>> -> memref<50048x16xf32, #tpu.memory_space<vmem_shared>>
      tpu.enqueue_indirect_dma source(%dma_start3A_328 : memref<128x16xf32, #tpu.memory_space<vmem>>) target(%dma_start3A_334 : memref<50048x16xf32, #tpu.memory_space<vmem_shared>>) offsets(%dma_start3A_331 : memref<128xi32, #tpu.memory_space<vmem>>) semaphore(%arg15 : memref<!tpu.dma_semaphore, #tpu.memory_space<semaphore_mem>>) {add = true}
    }
    %scan3A_65 = arith.constant 25 : i32
    %dma_wait3A = arith.constant 0 : i32
    %dma_wait3A_66 = arith.constant 0 : i32
    %dma_wait3A_67 = arith.constant 0 : i32
    %dma_wait3A_68 = tpu.memref_slice %arg11[%dma_wait3A, %dma_wait3A_66, %dma_wait3A_67] : memref<2x512x16xf32, #tpu.memory_space<vmem>> -> memref<1x512x16xf32, #tpu.memory_space<vmem>>
    %dma_wait3A_69 = tpu.memref_squeeze %dma_wait3A_68 : memref<1x512x16xf32, #tpu.memory_space<vmem>> -> memref<512x16xf32, #tpu.memory_space<vmem>>
    %dma_wait3A_70 = arith.constant 0 : i32
    %dma_wait3A_71 = arith.constant 0 : i32
    %dma_wait3A_72 = tpu.memref_slice %arg7[%dma_wait3A_70, %dma_wait3A_71] : memref<50048x16xf32, #tpu.memory_space<vmem_shared>> -> memref<512x16xf32, #tpu.memory_space<vmem_shared>>
    %dma_wait3A_73 = arith.constant 0 : i32
    %dma_wait3A_74 = arith.constant 0 : i32
    %dma_wait3A_75 = tpu.memref_slice %arg7[%dma_wait3A_73, %dma_wait3A_74] : memref<50048x16xf32, #tpu.memory_space<vmem_shared>> -> memref<512x16xf32, #tpu.memory_space<vmem_shared>>
    %dma_wait3A_76 = arith.constant 0 : i32
    %dma_wait3A_77 = arith.constant 0 : i32
    %dma_wait3A_78 = tpu.memref_slice %arg11[%dma_wait3A, %dma_wait3A_76, %dma_wait3A_77] : memref<2x512x16xf32, #tpu.memory_space<vmem>> -> memref<1x512x16xf32, #tpu.memory_space<vmem>>
    %dma_wait3A_79 = tpu.memref_squeeze %dma_wait3A_78 : memref<1x512x16xf32, #tpu.memory_space<vmem>> -> memref<512x16xf32, #tpu.memory_space<vmem>>
    tpu.wait_dma2 semaphore(%arg15 : memref<!tpu.dma_semaphore, #tpu.memory_space<semaphore_mem>>) src(%dma_wait3A_79 : memref<512x16xf32, #tpu.memory_space<vmem>>) dst(%dma_wait3A_75 : memref<512x16xf32, #tpu.memory_space<vmem_shared>>)
    %barrier3A_80 = arith.constant 0 : index
    tpu.barrier barrier_id(%barrier3A_80)
    "tpu.region"() ({
      %run_scoped3A = tpu.sem_alloc : memref<!tpu.dma_semaphore, #tpu.memory_space<semaphore_mem>>
      %dma_start3A_81 = arith.constant 0 : i32
      %dma_start3A_82 = tpu.memref_slice %arg6[%arg0, %mul3A_2, %dma_start3A_81] : memref<2x50048x16xf32, #tpu.memory_space<hbm>> -> memref<1x3128x16xf32, #tpu.memory_space<hbm>>
      %dma_start3A_83 = tpu.memref_squeeze %dma_start3A_82 : memref<1x3128x16xf32, #tpu.memory_space<hbm>> -> memref<3128x16xf32, #tpu.memory_space<hbm>>
      %dma_start3A_84 = arith.constant 0 : i32
      %dma_start3A_85 = tpu.memref_slice %arg7[%mul3A_2, %dma_start3A_84] : memref<50048x16xf32, #tpu.memory_space<vmem_shared>> -> memref<3128x16xf32, #tpu.memory_space<vmem_shared>>
      tpu.enqueue_dma source(%dma_start3A_85 : memref<3128x16xf32, #tpu.memory_space<vmem_shared>>) target(%dma_start3A_83 : memref<3128x16xf32, #tpu.memory_space<hbm>>) target_semaphore(%run_scoped3A : memref<!tpu.dma_semaphore, #tpu.memory_space<semaphore_mem>>)
      %dma_wait3A_86 = arith.constant 0 : i32
      %dma_wait3A_87 = tpu.memref_slice %arg6[%arg0, %mul3A_2, %dma_wait3A_86] : memref<2x50048x16xf32, #tpu.memory_space<hbm>> -> memref<1x3128x16xf32, #tpu.memory_space<hbm>>
      %dma_wait3A_88 = tpu.memref_squeeze %dma_wait3A_87 : memref<1x3128x16xf32, #tpu.memory_space<hbm>> -> memref<3128x16xf32, #tpu.memory_space<hbm>>
      %dma_wait3A_89 = arith.constant 0 : i32
      %dma_wait3A_90 = tpu.memref_slice %arg7[%mul3A_2, %dma_wait3A_89] : memref<50048x16xf32, #tpu.memory_space<vmem_shared>> -> memref<3128x16xf32, #tpu.memory_space<vmem_shared>>
      tpu.wait_dma2 semaphore(%run_scoped3A : memref<!tpu.dma_semaphore, #tpu.memory_space<semaphore_mem>>) src(%dma_wait3A_90 : memref<3128x16xf32, #tpu.memory_space<vmem_shared>>) dst(%dma_wait3A_88 : memref<3128x16xf32, #tpu.memory_space<hbm>>)
      tpu.yield
    }) : () -> ()
    return
  }
}

#map = affine_map<(d0, d1) -> (0, 0)>
#map1 = affine_map<(d0, d1) -> (0, 0, 0)>
module attributes {stable_mosaic.version = 14 : i64} {
  func.func @sc_scatter(%arg0: i32, %arg1: i32, %arg2: memref<1350000x8xi32, #tpu.memory_space<hbm>>, %arg3: memref<32x200x128xi32, #tpu.memory_space<hbm>>, %arg4: memref<32x200x128xi32, #tpu.memory_space<hbm>>, %arg5: memref<50048x16xf32, #tpu.memory_space<hbm>>, %arg6: memref<2x50048x16xf32, #tpu.memory_space<hbm>>, %arg7: memref<50048x16xf32, #tpu.memory_space<vmem_shared>>, %arg8: memref<200x128xi32, #tpu.memory_space<vmem>>, %arg9: memref<200x128xi32, #tpu.memory_space<vmem>>, %arg10: memref<2x512x8xi32, #tpu.memory_space<vmem>>, %arg11: memref<2x512x16xf32, #tpu.memory_space<vmem>>, %arg12: memref<!tpu.dma_semaphore, #tpu.memory_space<semaphore_mem>>, %arg13: memref<!tpu.dma_semaphore, #tpu.memory_space<semaphore_mem>>, %arg14: memref<!tpu.dma_semaphore, #tpu.memory_space<semaphore_mem>>, %arg15: memref<!tpu.dma_semaphore, #tpu.memory_space<semaphore_mem>>) attributes {dimension_semantics = [#tpu.dimension_semantics<core_parallel>, #tpu.dimension_semantics<subcore_parallel>], iteration_bounds = array<i64: 2, 16>, scalar_prefetch = 0 : i64, scratch_operands = 9 : i64, tpu.core_type = #tpu.core_type<sc_vector_subcore>, window_params = [{transform_indices = #map}, {transform_indices = #map1}, {transform_indices = #map1}, {transform_indices = #map}, {transform_indices = #map1}]} {
    %mul3A = arith.constant 16 : i32
    %mul3A_0 = arith.muli %arg0, %mul3A : i32
    %add3A = arith.addi %mul3A_0, %arg1 : i32
    %mul3A_1 = arith.constant 3128 : i32
    %mul3A_2 = arith.muli %arg1, %mul3A_1 : i32
    "tpu.region"() ({
      %run_scoped3A = tpu.sem_alloc : memref<!tpu.dma_semaphore, #tpu.memory_space<semaphore_mem>>
      %dma_start3A_81 = arith.constant 0 : i32
      %dma_start3A_82 = tpu.memref_slice %arg7[%mul3A_2, %dma_start3A_81] : memref<50048x16xf32, #tpu.memory_space<vmem_shared>> -> memref<3128x16xf32, #tpu.memory_space<vmem_shared>>
      %dma_start3A_83 = arith.constant 0 : i32
      %dma_start3A_84 = tpu.memref_slice %arg5[%mul3A_2, %dma_start3A_83] : memref<50048x16xf32, #tpu.memory_space<hbm>> -> memref<3128x16xf32, #tpu.memory_space<hbm>>
      tpu.enqueue_dma source(%dma_start3A_84 : memref<3128x16xf32, #tpu.memory_space<hbm>>) target(%dma_start3A_82 : memref<3128x16xf32, #tpu.memory_space<vmem_shared>>) target_semaphore(%run_scoped3A : memref<!tpu.dma_semaphore, #tpu.memory_space<semaphore_mem>>)
      %dma_wait3A_85 = arith.constant 0 : i32
      %dma_wait3A_86 = tpu.memref_slice %arg7[%mul3A_2, %dma_wait3A_85] : memref<50048x16xf32, #tpu.memory_space<vmem_shared>> -> memref<3128x16xf32, #tpu.memory_space<vmem_shared>>
      %dma_wait3A_87 = arith.constant 0 : i32
      %dma_wait3A_88 = tpu.memref_slice %arg5[%mul3A_2, %dma_wait3A_87] : memref<50048x16xf32, #tpu.memory_space<hbm>> -> memref<3128x16xf32, #tpu.memory_space<hbm>>
      tpu.wait_dma2 semaphore(%run_scoped3A : memref<!tpu.dma_semaphore, #tpu.memory_space<semaphore_mem>>) src(%dma_wait3A_88 : memref<3128x16xf32, #tpu.memory_space<hbm>>) dst(%dma_wait3A_86 : memref<3128x16xf32, #tpu.memory_space<vmem_shared>>)
      tpu.yield
    }) : () -> ()
    "tpu.region"() ({
      %run_scoped3A = tpu.sem_alloc : memref<!tpu.dma_semaphore, #tpu.memory_space<semaphore_mem>>
      %dma_start3A_81 = arith.constant 0 : i32
      %dma_start3A_82 = arith.constant 0 : i32
      %dma_start3A_83 = tpu.memref_slice %arg3[%add3A, %dma_start3A_81, %dma_start3A_82] : memref<32x200x128xi32, #tpu.memory_space<hbm>> -> memref<1x200x128xi32, #tpu.memory_space<hbm>>
      %dma_start3A_84 = tpu.memref_squeeze %dma_start3A_83 : memref<1x200x128xi32, #tpu.memory_space<hbm>> -> memref<200x128xi32, #tpu.memory_space<hbm>>
      %dma_start3A_85 = arith.constant 0 : i32
      %dma_start3A_86 = arith.constant 0 : i32
      %dma_start3A_87 = tpu.memref_slice %arg3[%add3A, %dma_start3A_85, %dma_start3A_86] : memref<32x200x128xi32, #tpu.memory_space<hbm>> -> memref<1x200x128xi32, #tpu.memory_space<hbm>>
      %dma_start3A_88 = tpu.memref_squeeze %dma_start3A_87 : memref<1x200x128xi32, #tpu.memory_space<hbm>> -> memref<200x128xi32, #tpu.memory_space<hbm>>
      tpu.enqueue_dma source(%dma_start3A_88 : memref<200x128xi32, #tpu.memory_space<hbm>>) target(%arg8 : memref<200x128xi32, #tpu.memory_space<vmem>>) target_semaphore(%run_scoped3A : memref<!tpu.dma_semaphore, #tpu.memory_space<semaphore_mem>>)
      %dma_wait3A_89 = arith.constant 0 : i32
      %dma_wait3A_90 = arith.constant 0 : i32
      %dma_wait3A_91 = tpu.memref_slice %arg3[%add3A, %dma_wait3A_89, %dma_wait3A_90] : memref<32x200x128xi32, #tpu.memory_space<hbm>> -> memref<1x200x128xi32, #tpu.memory_space<hbm>>
      %dma_wait3A_92 = tpu.memref_squeeze %dma_wait3A_91 : memref<1x200x128xi32, #tpu.memory_space<hbm>> -> memref<200x128xi32, #tpu.memory_space<hbm>>
      %dma_wait3A_93 = arith.constant 0 : i32
      %dma_wait3A_94 = arith.constant 0 : i32
      %dma_wait3A_95 = tpu.memref_slice %arg3[%add3A, %dma_wait3A_93, %dma_wait3A_94] : memref<32x200x128xi32, #tpu.memory_space<hbm>> -> memref<1x200x128xi32, #tpu.memory_space<hbm>>
      %dma_wait3A_96 = tpu.memref_squeeze %dma_wait3A_95 : memref<1x200x128xi32, #tpu.memory_space<hbm>> -> memref<200x128xi32, #tpu.memory_space<hbm>>
      tpu.wait_dma2 semaphore(%run_scoped3A : memref<!tpu.dma_semaphore, #tpu.memory_space<semaphore_mem>>) src(%dma_wait3A_96 : memref<200x128xi32, #tpu.memory_space<hbm>>) dst(%arg8 : memref<200x128xi32, #tpu.memory_space<vmem>>)
      tpu.yield
    }) : () -> ()
    "tpu.region"() ({
      %run_scoped3A = tpu.sem_alloc : memref<!tpu.dma_semaphore, #tpu.memory_space<semaphore_mem>>
      %dma_start3A_81 = arith.constant 0 : i32
      %dma_start3A_82 = arith.constant 0 : i32
      %dma_start3A_83 = tpu.memref_slice %arg4[%add3A, %dma_start3A_81, %dma_start3A_82] : memref<32x200x128xi32, #tpu.memory_space<hbm>> -> memref<1x200x128xi32, #tpu.memory_space<hbm>>
      %dma_start3A_84 = tpu.memref_squeeze %dma_start3A_83 : memref<1x200x128xi32, #tpu.memory_space<hbm>> -> memref<200x128xi32, #tpu.memory_space<hbm>>
      %dma_start3A_85 = arith.constant 0 : i32
      %dma_start3A_86 = arith.constant 0 : i32
      %dma_start3A_87 = tpu.memref_slice %arg4[%add3A, %dma_start3A_85, %dma_start3A_86] : memref<32x200x128xi32, #tpu.memory_space<hbm>> -> memref<1x200x128xi32, #tpu.memory_space<hbm>>
      %dma_start3A_88 = tpu.memref_squeeze %dma_start3A_87 : memref<1x200x128xi32, #tpu.memory_space<hbm>> -> memref<200x128xi32, #tpu.memory_space<hbm>>
      tpu.enqueue_dma source(%dma_start3A_88 : memref<200x128xi32, #tpu.memory_space<hbm>>) target(%arg9 : memref<200x128xi32, #tpu.memory_space<vmem>>) target_semaphore(%run_scoped3A : memref<!tpu.dma_semaphore, #tpu.memory_space<semaphore_mem>>)
      %dma_wait3A_89 = arith.constant 0 : i32
      %dma_wait3A_90 = arith.constant 0 : i32
      %dma_wait3A_91 = tpu.memref_slice %arg4[%add3A, %dma_wait3A_89, %dma_wait3A_90] : memref<32x200x128xi32, #tpu.memory_space<hbm>> -> memref<1x200x128xi32, #tpu.memory_space<hbm>>
      %dma_wait3A_92 = tpu.memref_squeeze %dma_wait3A_91 : memref<1x200x128xi32, #tpu.memory_space<hbm>> -> memref<200x128xi32, #tpu.memory_space<hbm>>
      %dma_wait3A_93 = arith.constant 0 : i32
      %dma_wait3A_94 = arith.constant 0 : i32
      %dma_wait3A_95 = tpu.memref_slice %arg4[%add3A, %dma_wait3A_93, %dma_wait3A_94] : memref<32x200x128xi32, #tpu.memory_space<hbm>> -> memref<1x200x128xi32, #tpu.memory_space<hbm>>
      %dma_wait3A_96 = tpu.memref_squeeze %dma_wait3A_95 : memref<1x200x128xi32, #tpu.memory_space<hbm>> -> memref<200x128xi32, #tpu.memory_space<hbm>>
      tpu.wait_dma2 semaphore(%run_scoped3A : memref<!tpu.dma_semaphore, #tpu.memory_space<semaphore_mem>>) src(%dma_wait3A_96 : memref<200x128xi32, #tpu.memory_space<hbm>>) dst(%arg9 : memref<200x128xi32, #tpu.memory_space<vmem>>)
      tpu.yield
    }) : () -> ()
    %barrier3A = arith.constant 0 : index
    tpu.barrier barrier_id(%barrier3A)
    %iota3A = tpu.iota {dimensions = array<i32: 0>} : vector<16xi32>
    %shift_right_logical3A = arith.constant 3 : i32
    %shift_right_logical3A_3 = vector.broadcast %shift_right_logical3A : i32 to vector<16xi32>
    %shift_right_logical3A_4 = arith.shrui %iota3A, %shift_right_logical3A_3 : vector<16xi32>
    %and3A = arith.constant 7 : i32
    %and3A_5 = vector.broadcast %and3A : i32 to vector<16xi32>
    %and3A_6 = arith.andi %iota3A, %and3A_5 : vector<16xi32>
    %mul3A_7 = arith.constant 2 : i32
    %mul3A_8 = vector.broadcast %mul3A_7 : i32 to vector<16xi32>
    %mul3A_9 = arith.muli %and3A_6, %mul3A_8 : vector<16xi32>
    %add3A_10 = arith.constant 1 : i32
    %add3A_11 = vector.broadcast %add3A_10 : i32 to vector<16xi32>
    %add3A_12 = arith.addi %mul3A_9, %add3A_11 : vector<16xi32>
    %dma_start3A = arith.constant 0 : i32
    %dma_start3A_13 = arith.constant 0 : i32
    %dma_start3A_14 = arith.constant 0 : i32
    %dma_start3A_15 = arith.constant 0 : i32
    %dma_start3A_16 = tpu.memref_slice %arg10[%dma_start3A_13, %dma_start3A_14, %dma_start3A_15] : memref<2x512x8xi32, #tpu.memory_space<vmem>> -> memref<1x128x8xi32, #tpu.memory_space<vmem>>
    %dma_start3A_17 = tpu.memref_squeeze %dma_start3A_16 : memref<1x128x8xi32, #tpu.memory_space<vmem>> -> memref<128x8xi32, #tpu.memory_space<vmem>>
    %dma_start3A_18 = arith.constant 0 : i32
    %dma_start3A_19 = tpu.memref_slice %arg8[%dma_start3A, %dma_start3A_18] : memref<200x128xi32, #tpu.memory_space<vmem>> -> memref<1x128xi32, #tpu.memory_space<vmem>>
    %dma_start3A_20 = tpu.memref_squeeze %dma_start3A_19 : memref<1x128xi32, #tpu.memory_space<vmem>> -> memref<128xi32, #tpu.memory_space<vmem>>
    %dma_start3A_21 = arith.constant 0 : i32
    %dma_start3A_22 = arith.constant 0 : i32
    %dma_start3A_23 = tpu.memref_slice %arg2[%dma_start3A_21, %dma_start3A_22] : memref<1350000x8xi32, #tpu.memory_space<hbm>> -> memref<1350000x8xi32, #tpu.memory_space<hbm>>
    tpu.enqueue_indirect_dma source(%dma_start3A_23 : memref<1350000x8xi32, #tpu.memory_space<hbm>>) target(%dma_start3A_17 : memref<128x8xi32, #tpu.memory_space<vmem>>) offsets(%dma_start3A_20 : memref<128xi32, #tpu.memory_space<vmem>>) semaphore(%arg12 : memref<!tpu.dma_semaphore, #tpu.memory_space<semaphore_mem>>)
    %dma_start3A_24 = arith.constant 1 : i32
    %dma_start3A_25 = arith.constant 0 : i32
    %dma_start3A_26 = arith.constant 128 : i32
    %dma_start3A_27 = arith.constant 0 : i32
    %dma_start3A_28 = tpu.memref_slice %arg10[%dma_start3A_25, %dma_start3A_26, %dma_start3A_27] : memref<2x512x8xi32, #tpu.memory_space<vmem>> -> memref<1x128x8xi32, #tpu.memory_space<vmem>>
    %dma_start3A_29 = tpu.memref_squeeze %dma_start3A_28 : memref<1x128x8xi32, #tpu.memory_space<vmem>> -> memref<128x8xi32, #tpu.memory_space<vmem>>
    %dma_start3A_30 = arith.constant 0 : i32
    %dma_start3A_31 = tpu.memref_slice %arg8[%dma_start3A_24, %dma_start3A_30] : memref<200x128xi32, #tpu.memory_space<vmem>> -> memref<1x128xi32, #tpu.memory_space<vmem>>
    %dma_start3A_32 = tpu.memref_squeeze %dma_start3A_31 : memref<1x128xi32, #tpu.memory_space<vmem>> -> memref<128xi32, #tpu.memory_space<vmem>>
    %dma_start3A_33 = arith.constant 0 : i32
    %dma_start3A_34 = arith.constant 0 : i32
    %dma_start3A_35 = tpu.memref_slice %arg2[%dma_start3A_33, %dma_start3A_34] : memref<1350000x8xi32, #tpu.memory_space<hbm>> -> memref<1350000x8xi32, #tpu.memory_space<hbm>>
    tpu.enqueue_indirect_dma source(%dma_start3A_35 : memref<1350000x8xi32, #tpu.memory_space<hbm>>) target(%dma_start3A_29 : memref<128x8xi32, #tpu.memory_space<vmem>>) offsets(%dma_start3A_32 : memref<128xi32, #tpu.memory_space<vmem>>) semaphore(%arg12 : memref<!tpu.dma_semaphore, #tpu.memory_space<semaphore_mem>>)
    %dma_start3A_36 = arith.constant 2 : i32
    %dma_start3A_37 = arith.constant 0 : i32
    %dma_start3A_38 = arith.constant 256 : i32
    %dma_start3A_39 = arith.constant 0 : i32
    %dma_start3A_40 = tpu.memref_slice %arg10[%dma_start3A_37, %dma_start3A_38, %dma_start3A_39] : memref<2x512x8xi32, #tpu.memory_space<vmem>> -> memref<1x128x8xi32, #tpu.memory_space<vmem>>
    %dma_start3A_41 = tpu.memref_squeeze %dma_start3A_40 : memref<1x128x8xi32, #tpu.memory_space<vmem>> -> memref<128x8xi32, #tpu.memory_space<vmem>>
    %dma_start3A_42 = arith.constant 0 : i32
    %dma_start3A_43 = tpu.memref_slice %arg8[%dma_start3A_36, %dma_start3A_42] : memref<200x128xi32, #tpu.memory_space<vmem>> -> memref<1x128xi32, #tpu.memory_space<vmem>>
    %dma_start3A_44 = tpu.memref_squeeze %dma_start3A_43 : memref<1x128xi32, #tpu.memory_space<vmem>> -> memref<128xi32, #tpu.memory_space<vmem>>
    %dma_start3A_45 = arith.constant 0 : i32
    %dma_start3A_46 = arith.constant 0 : i32
    %dma_start3A_47 = tpu.memref_slice %arg2[%dma_start3A_45, %dma_start3A_46] : memref<1350000x8xi32, #tpu.memory_space<hbm>> -> memref<1350000x8xi32, #tpu.memory_space<hbm>>
    tpu.enqueue_indirect_dma source(%dma_start3A_47 : memref<1350000x8xi32, #tpu.memory_space<hbm>>) target(%dma_start3A_41 : memref<128x8xi32, #tpu.memory_space<vmem>>) offsets(%dma_start3A_44 : memref<128xi32, #tpu.memory_space<vmem>>) semaphore(%arg12 : memref<!tpu.dma_semaphore, #tpu.memory_space<semaphore_mem>>)
    %dma_start3A_48 = arith.constant 3 : i32
    %dma_start3A_49 = arith.constant 0 : i32
    %dma_start3A_50 = arith.constant 384 : i32
    %dma_start3A_51 = arith.constant 0 : i32
    %dma_start3A_52 = tpu.memref_slice %arg10[%dma_start3A_49, %dma_start3A_50, %dma_start3A_51] : memref<2x512x8xi32, #tpu.memory_space<vmem>> -> memref<1x128x8xi32, #tpu.memory_space<vmem>>
    %dma_start3A_53 = tpu.memref_squeeze %dma_start3A_52 : memref<1x128x8xi32, #tpu.memory_space<vmem>> -> memref<128x8xi32, #tpu.memory_space<vmem>>
    %dma_start3A_54 = arith.constant 0 : i32
    %dma_start3A_55 = tpu.memref_slice %arg8[%dma_start3A_48, %dma_start3A_54] : memref<200x128xi32, #tpu.memory_space<vmem>> -> memref<1x128xi32, #tpu.memory_space<vmem>>
    %dma_start3A_56 = tpu.memref_squeeze %dma_start3A_55 : memref<1x128xi32, #tpu.memory_space<vmem>> -> memref<128xi32, #tpu.memory_space<vmem>>
    %dma_start3A_57 = arith.constant 0 : i32
    %dma_start3A_58 = arith.constant 0 : i32
    %dma_start3A_59 = tpu.memref_slice %arg2[%dma_start3A_57, %dma_start3A_58] : memref<1350000x8xi32, #tpu.memory_space<hbm>> -> memref<1350000x8xi32, #tpu.memory_space<hbm>>
    tpu.enqueue_indirect_dma source(%dma_start3A_59 : memref<1350000x8xi32, #tpu.memory_space<hbm>>) target(%dma_start3A_53 : memref<128x8xi32, #tpu.memory_space<vmem>>) offsets(%dma_start3A_56 : memref<128xi32, #tpu.memory_space<vmem>>) semaphore(%arg12 : memref<!tpu.dma_semaphore, #tpu.memory_space<semaphore_mem>>)
    %scan3A = arith.constant 0 : i32
    %scan3A_60 = arith.constant -65536 : i32
    %scan3A_61 = arith.constant 0 : i32
    %scan3A_62 = arith.constant 25 : i32
    %scan3A_63 = arith.addi %scan3A_61, %scan3A_62 : i32
    %scan3A_64 = arith.constant 1 : i32
    scf.for %scan3A_81 = %scan3A_61 to %scan3A_63 step %scan3A_64  : i32 {
      %mul3A_82 = arith.constant 2 : i32
      %mul3A_83 = arith.muli %mul3A_82, %scan3A_81 : i32
      %gt3A = arith.constant 0 : i32
      %gt3A_84 = arith.cmpi sgt, %scan3A_81, %gt3A : i32
      %convert_element_type3A = arith.extui %gt3A_84 : i1 to i32
      %cond3A = arith.constant 0 : i32
      %cond3A_85 = arith.cmpi ne, %convert_element_type3A, %cond3A : i32
      scf.if %cond3A_85 {
        %dma_wait3A_335 = arith.constant 0 : i32
        %dma_wait3A_336 = arith.constant 0 : i32
        %dma_wait3A_337 = arith.constant 0 : i32
        %dma_wait3A_338 = tpu.memref_slice %arg11[%dma_wait3A_335, %dma_wait3A_336, %dma_wait3A_337] : memref<2x512x16xf32, #tpu.memory_space<vmem>> -> memref<1x512x16xf32, #tpu.memory_space<vmem>>
        %dma_wait3A_339 = tpu.memref_squeeze %dma_wait3A_338 : memref<1x512x16xf32, #tpu.memory_space<vmem>> -> memref<512x16xf32, #tpu.memory_space<vmem>>
        %dma_wait3A_340 = arith.constant 0 : i32
        %dma_wait3A_341 = arith.constant 0 : i32
        %dma_wait3A_342 = tpu.memref_slice %arg7[%dma_wait3A_340, %dma_wait3A_341] : memref<50048x16xf32, #tpu.memory_space<vmem_shared>> -> memref<512x16xf32, #tpu.memory_space<vmem_shared>>
        %dma_wait3A_343 = arith.constant 0 : i32
        %dma_wait3A_344 = arith.constant 0 : i32
        %dma_wait3A_345 = tpu.memref_slice %arg7[%dma_wait3A_343, %dma_wait3A_344] : memref<50048x16xf32, #tpu.memory_space<vmem_shared>> -> memref<512x16xf32, #tpu.memory_space<vmem_shared>>
        %dma_wait3A_346 = arith.constant 0 : i32
        %dma_wait3A_347 = arith.constant 0 : i32
        %dma_wait3A_348 = tpu.memref_slice %arg11[%dma_wait3A_335, %dma_wait3A_346, %dma_wait3A_347] : memref<2x512x16xf32, #tpu.memory_space<vmem>> -> memref<1x512x16xf32, #tpu.memory_space<vmem>>
        %dma_wait3A_349 = tpu.memref_squeeze %dma_wait3A_348 : memref<1x512x16xf32, #tpu.memory_space<vmem>> -> memref<512x16xf32, #tpu.memory_space<vmem>>
        tpu.wait_dma2 semaphore(%arg15 : memref<!tpu.dma_semaphore, #tpu.memory_space<semaphore_mem>>) src(%dma_wait3A_349 : memref<512x16xf32, #tpu.memory_space<vmem>>) dst(%dma_wait3A_345 : memref<512x16xf32, #tpu.memory_space<vmem_shared>>)
      } else {
      }
      %add3A_86 = arith.constant 1 : i32
      %add3A_87 = arith.addi %mul3A_83, %add3A_86 : i32
      %mul3A_88 = arith.constant 4 : i32
      %mul3A_89 = arith.muli %add3A_87, %mul3A_88 : i32
      %add3A_90 = arith.constant 0 : i32
      %add3A_91 = arith.addi %mul3A_89, %add3A_90 : i32
      %dma_start3A_92 = arith.constant 1 : i32
      %dma_start3A_93 = arith.constant 0 : i32
      %dma_start3A_94 = arith.constant 0 : i32
      %dma_start3A_95 = tpu.memref_slice %arg10[%dma_start3A_92, %dma_start3A_93, %dma_start3A_94] : memref<2x512x8xi32, #tpu.memory_space<vmem>> -> memref<1x128x8xi32, #tpu.memory_space<vmem>>
      %dma_start3A_96 = tpu.memref_squeeze %dma_start3A_95 : memref<1x128x8xi32, #tpu.memory_space<vmem>> -> memref<128x8xi32, #tpu.memory_space<vmem>>
      %dma_start3A_97 = arith.constant 0 : i32
      %dma_start3A_98 = tpu.memref_slice %arg8[%add3A_91, %dma_start3A_97] : memref<200x128xi32, #tpu.memory_space<vmem>> -> memref<1x128xi32, #tpu.memory_space<vmem>>
      %dma_start3A_99 = tpu.memref_squeeze %dma_start3A_98 : memref<1x128xi32, #tpu.memory_space<vmem>> -> memref<128xi32, #tpu.memory_space<vmem>>
      %dma_start3A_100 = arith.constant 0 : i32
      %dma_start3A_101 = arith.constant 0 : i32
      %dma_start3A_102 = tpu.memref_slice %arg2[%dma_start3A_100, %dma_start3A_101] : memref<1350000x8xi32, #tpu.memory_space<hbm>> -> memref<1350000x8xi32, #tpu.memory_space<hbm>>
      tpu.enqueue_indirect_dma source(%dma_start3A_102 : memref<1350000x8xi32, #tpu.memory_space<hbm>>) target(%dma_start3A_96 : memref<128x8xi32, #tpu.memory_space<vmem>>) offsets(%dma_start3A_99 : memref<128xi32, #tpu.memory_space<vmem>>) semaphore(%arg13 : memref<!tpu.dma_semaphore, #tpu.memory_space<semaphore_mem>>)
      %mul3A_103 = arith.constant 4 : i32
      %mul3A_104 = arith.muli %add3A_87, %mul3A_103 : i32
      %add3A_105 = arith.constant 1 : i32
      %add3A_106 = arith.addi %mul3A_104, %add3A_105 : i32
      %dma_start3A_107 = arith.constant 1 : i32
      %dma_start3A_108 = arith.constant 128 : i32
      %dma_start3A_109 = arith.constant 0 : i32
      %dma_start3A_110 = tpu.memref_slice %arg10[%dma_start3A_107, %dma_start3A_108, %dma_start3A_109] : memref<2x512x8xi32, #tpu.memory_space<vmem>> -> memref<1x128x8xi32, #tpu.memory_space<vmem>>
      %dma_start3A_111 = tpu.memref_squeeze %dma_start3A_110 : memref<1x128x8xi32, #tpu.memory_space<vmem>> -> memref<128x8xi32, #tpu.memory_space<vmem>>
      %dma_start3A_112 = arith.constant 0 : i32
      %dma_start3A_113 = tpu.memref_slice %arg8[%add3A_106, %dma_start3A_112] : memref<200x128xi32, #tpu.memory_space<vmem>> -> memref<1x128xi32, #tpu.memory_space<vmem>>
      %dma_start3A_114 = tpu.memref_squeeze %dma_start3A_113 : memref<1x128xi32, #tpu.memory_space<vmem>> -> memref<128xi32, #tpu.memory_space<vmem>>
      %dma_start3A_115 = arith.constant 0 : i32
      %dma_start3A_116 = arith.constant 0 : i32
      %dma_start3A_117 = tpu.memref_slice %arg2[%dma_start3A_115, %dma_start3A_116] : memref<1350000x8xi32, #tpu.memory_space<hbm>> -> memref<1350000x8xi32, #tpu.memory_space<hbm>>
      tpu.enqueue_indirect_dma source(%dma_start3A_117 : memref<1350000x8xi32, #tpu.memory_space<hbm>>) target(%dma_start3A_111 : memref<128x8xi32, #tpu.memory_space<vmem>>) offsets(%dma_start3A_114 : memref<128xi32, #tpu.memory_space<vmem>>) semaphore(%arg13 : memref<!tpu.dma_semaphore, #tpu.memory_space<semaphore_mem>>)
      %mul3A_118 = arith.constant 4 : i32
      %mul3A_119 = arith.muli %add3A_87, %mul3A_118 : i32
      %add3A_120 = arith.constant 2 : i32
      %add3A_121 = arith.addi %mul3A_119, %add3A_120 : i32
      %dma_start3A_122 = arith.constant 1 : i32
      %dma_start3A_123 = arith.constant 256 : i32
      %dma_start3A_124 = arith.constant 0 : i32
      %dma_start3A_125 = tpu.memref_slice %arg10[%dma_start3A_122, %dma_start3A_123, %dma_start3A_124] : memref<2x512x8xi32, #tpu.memory_space<vmem>> -> memref<1x128x8xi32, #tpu.memory_space<vmem>>
      %dma_start3A_126 = tpu.memref_squeeze %dma_start3A_125 : memref<1x128x8xi32, #tpu.memory_space<vmem>> -> memref<128x8xi32, #tpu.memory_space<vmem>>
      %dma_start3A_127 = arith.constant 0 : i32
      %dma_start3A_128 = tpu.memref_slice %arg8[%add3A_121, %dma_start3A_127] : memref<200x128xi32, #tpu.memory_space<vmem>> -> memref<1x128xi32, #tpu.memory_space<vmem>>
      %dma_start3A_129 = tpu.memref_squeeze %dma_start3A_128 : memref<1x128xi32, #tpu.memory_space<vmem>> -> memref<128xi32, #tpu.memory_space<vmem>>
      %dma_start3A_130 = arith.constant 0 : i32
      %dma_start3A_131 = arith.constant 0 : i32
      %dma_start3A_132 = tpu.memref_slice %arg2[%dma_start3A_130, %dma_start3A_131] : memref<1350000x8xi32, #tpu.memory_space<hbm>> -> memref<1350000x8xi32, #tpu.memory_space<hbm>>
      tpu.enqueue_indirect_dma source(%dma_start3A_132 : memref<1350000x8xi32, #tpu.memory_space<hbm>>) target(%dma_start3A_126 : memref<128x8xi32, #tpu.memory_space<vmem>>) offsets(%dma_start3A_129 : memref<128xi32, #tpu.memory_space<vmem>>) semaphore(%arg13 : memref<!tpu.dma_semaphore, #tpu.memory_space<semaphore_mem>>)
      %mul3A_133 = arith.constant 4 : i32
      %mul3A_134 = arith.muli %add3A_87, %mul3A_133 : i32
      %add3A_135 = arith.constant 3 : i32
      %add3A_136 = arith.addi %mul3A_134, %add3A_135 : i32
      %dma_start3A_137 = arith.constant 1 : i32
      %dma_start3A_138 = arith.constant 384 : i32
      %dma_start3A_139 = arith.constant 0 : i32
      %dma_start3A_140 = tpu.memref_slice %arg10[%dma_start3A_137, %dma_start3A_138, %dma_start3A_139] : memref<2x512x8xi32, #tpu.memory_space<vmem>> -> memref<1x128x8xi32, #tpu.memory_space<vmem>>
      %dma_start3A_141 = tpu.memref_squeeze %dma_start3A_140 : memref<1x128x8xi32, #tpu.memory_space<vmem>> -> memref<128x8xi32, #tpu.memory_space<vmem>>
      %dma_start3A_142 = arith.constant 0 : i32
      %dma_start3A_143 = tpu.memref_slice %arg8[%add3A_136, %dma_start3A_142] : memref<200x128xi32, #tpu.memory_space<vmem>> -> memref<1x128xi32, #tpu.memory_space<vmem>>
      %dma_start3A_144 = tpu.memref_squeeze %dma_start3A_143 : memref<1x128xi32, #tpu.memory_space<vmem>> -> memref<128xi32, #tpu.memory_space<vmem>>
      %dma_start3A_145 = arith.constant 0 : i32
      %dma_start3A_146 = arith.constant 0 : i32
      %dma_start3A_147 = tpu.memref_slice %arg2[%dma_start3A_145, %dma_start3A_146] : memref<1350000x8xi32, #tpu.memory_space<hbm>> -> memref<1350000x8xi32, #tpu.memory_space<hbm>>
      tpu.enqueue_indirect_dma source(%dma_start3A_147 : memref<1350000x8xi32, #tpu.memory_space<hbm>>) target(%dma_start3A_141 : memref<128x8xi32, #tpu.memory_space<vmem>>) offsets(%dma_start3A_144 : memref<128xi32, #tpu.memory_space<vmem>>) semaphore(%arg13 : memref<!tpu.dma_semaphore, #tpu.memory_space<semaphore_mem>>)
      %dma_wait3A_148 = arith.constant 0 : i32
      %dma_wait3A_149 = arith.constant 0 : i32
      %dma_wait3A_150 = arith.constant 0 : i32
      %dma_wait3A_151 = tpu.memref_slice %arg10[%dma_wait3A_148, %dma_wait3A_149, %dma_wait3A_150] : memref<2x512x8xi32, #tpu.memory_space<vmem>> -> memref<1x512x8xi32, #tpu.memory_space<vmem>>
      %dma_wait3A_152 = tpu.memref_squeeze %dma_wait3A_151 : memref<1x512x8xi32, #tpu.memory_space<vmem>> -> memref<512x8xi32, #tpu.memory_space<vmem>>
      %dma_wait3A_153 = arith.constant 0 : i32
      %dma_wait3A_154 = arith.constant 0 : i32
      %dma_wait3A_155 = tpu.memref_slice %arg2[%dma_wait3A_153, %dma_wait3A_154] : memref<1350000x8xi32, #tpu.memory_space<hbm>> -> memref<512x8xi32, #tpu.memory_space<hbm>>
      %dma_wait3A_156 = arith.constant 0 : i32
      %dma_wait3A_157 = arith.constant 0 : i32
      %dma_wait3A_158 = tpu.memref_slice %arg10[%dma_wait3A_148, %dma_wait3A_156, %dma_wait3A_157] : memref<2x512x8xi32, #tpu.memory_space<vmem>> -> memref<1x512x8xi32, #tpu.memory_space<vmem>>
      %dma_wait3A_159 = tpu.memref_squeeze %dma_wait3A_158 : memref<1x512x8xi32, #tpu.memory_space<vmem>> -> memref<512x8xi32, #tpu.memory_space<vmem>>
      %dma_wait3A_160 = arith.constant 0 : i32
      %dma_wait3A_161 = arith.constant 0 : i32
      %dma_wait3A_162 = tpu.memref_slice %arg2[%dma_wait3A_160, %dma_wait3A_161] : memref<1350000x8xi32, #tpu.memory_space<hbm>> -> memref<512x8xi32, #tpu.memory_space<hbm>>
      tpu.wait_dma2 semaphore(%arg12 : memref<!tpu.dma_semaphore, #tpu.memory_space<semaphore_mem>>) src(%dma_wait3A_162 : memref<512x8xi32, #tpu.memory_space<hbm>>) dst(%dma_wait3A_159 : memref<512x8xi32, #tpu.memory_space<vmem>>)
      %scan3A_163 = arith.constant 0 : i32
      %scan3A_164 = arith.constant 0 : i32
      %scan3A_165 = arith.constant 0 : i32
      %scan3A_166 = arith.constant 0 : i32
      %scan3A_167 = arith.constant 64 : i32
      %scan3A_168 = arith.addi %scan3A_166, %scan3A_167 : i32
      %scan3A_169 = arith.constant 1 : i32
      scf.for %scan3A_335 = %scan3A_166 to %scan3A_168 step %scan3A_169  : i32 {
        %mul3A_336 = arith.constant 4 : i32
        %mul3A_337 = arith.muli %scan3A_335, %mul3A_336 : i32
        %add3A_338 = arith.constant 0 : i32
        %add3A_339 = arith.addi %mul3A_337, %add3A_338 : i32
        %mul3A_340 = arith.constant 2 : i32
        %mul3A_341 = arith.muli %add3A_339, %mul3A_340 : i32
        %add3A_342 = vector.broadcast %mul3A_341 : i32 to vector<16xi32>
        %add3A_343 = arith.addi %add3A_342, %shift_right_logical3A_4 : vector<16xi32>
        %gather3A = arith.constant 0 : i32
        %gather3A_344 = arith.constant 0 : i32
        %gather3A_345 = tpu.memref_slice %arg10[%scan3A_164, %gather3A, %gather3A_344] : memref<2x512x8xi32, #tpu.memory_space<vmem>> -> memref<1x512x8xi32, #tpu.memory_space<vmem>>
        %gather3A_346 = tpu.memref_squeeze %gather3A_345 : memref<1x512x8xi32, #tpu.memory_space<vmem>> -> memref<512x8xi32, #tpu.memory_space<vmem>>
        %gather3A_347 = tpu.vector_load_idx %gather3A_346[%add3A_343, %and3A_6] : memref<512x8xi32, #tpu.memory_space<vmem>>[vector<16xi32>, vector<16xi32>], vector<16xi32>,
        %shift_left3A = arith.constant 16 : i32
        %shift_left3A_348 = vector.broadcast %shift_left3A : i32 to vector<16xi32>
        %shift_left3A_349 = arith.shli %gather3A_347, %shift_left3A_348 : vector<16xi32>
        %bitcast3A = vector.bitcast %shift_left3A_349 : vector<16xi32> to vector<16xf32>
        %and3A_350 = vector.broadcast %scan3A_60 : i32 to vector<16xi32>
        %and3A_351 = arith.andi %gather3A_347, %and3A_350 : vector<16xi32>
        %bitcast3A_352 = vector.bitcast %and3A_351 : vector<16xi32> to vector<16xf32>
        %scatter3A = arith.constant 0 : i32
        %scatter3A_353 = arith.constant 0 : i32
        %scatter3A_354 = tpu.memref_slice %arg11[%scan3A_165, %scatter3A, %scatter3A_353] : memref<2x512x16xf32, #tpu.memory_space<vmem>> -> memref<1x512x16xf32, #tpu.memory_space<vmem>>
        %scatter3A_355 = tpu.memref_squeeze %scatter3A_354 : memref<1x512x16xf32, #tpu.memory_space<vmem>> -> memref<512x16xf32, #tpu.memory_space<vmem>>
        tpu.vector_store_idx %scatter3A_355[%add3A_343, %mul3A_9], %bitcast3A : memref<512x16xf32, #tpu.memory_space<vmem>>[vector<16xi32>, vector<16xi32>], vector<16xf32>,
        %scatter3A_356 = arith.constant 0 : i32
        %scatter3A_357 = arith.constant 0 : i32
        %scatter3A_358 = tpu.memref_slice %arg11[%scan3A_165, %scatter3A_356, %scatter3A_357] : memref<2x512x16xf32, #tpu.memory_space<vmem>> -> memref<1x512x16xf32, #tpu.memory_space<vmem>>
        %scatter3A_359 = tpu.memref_squeeze %scatter3A_358 : memref<1x512x16xf32, #tpu.memory_space<vmem>> -> memref<512x16xf32, #tpu.memory_space<vmem>>
        tpu.vector_store_idx %scatter3A_359[%add3A_343, %add3A_12], %bitcast3A_352 : memref<512x16xf32, #tpu.memory_space<vmem>>[vector<16xi32>, vector<16xi32>], vector<16xf32>,
        %mul3A_360 = arith.constant 4 : i32
        %mul3A_361 = arith.muli %scan3A_335, %mul3A_360 : i32
        %add3A_362 = arith.constant 1 : i32
        %add3A_363 = arith.addi %mul3A_361, %add3A_362 : i32
        %mul3A_364 = arith.constant 2 : i32
        %mul3A_365 = arith.muli %add3A_363, %mul3A_364 : i32
        %add3A_366 = vector.broadcast %mul3A_365 : i32 to vector<16xi32>
        %add3A_367 = arith.addi %add3A_366, %shift_right_logical3A_4 : vector<16xi32>
        %gather3A_368 = arith.constant 0 : i32
        %gather3A_369 = arith.constant 0 : i32
        %gather3A_370 = tpu.memref_slice %arg10[%scan3A_164, %gather3A_368, %gather3A_369] : memref<2x512x8xi32, #tpu.memory_space<vmem>> -> memref<1x512x8xi32, #tpu.memory_space<vmem>>
        %gather3A_371 = tpu.memref_squeeze %gather3A_370 : memref<1x512x8xi32, #tpu.memory_space<vmem>> -> memref<512x8xi32, #tpu.memory_space<vmem>>
        %gather3A_372 = tpu.vector_load_idx %gather3A_371[%add3A_367, %and3A_6] : memref<512x8xi32, #tpu.memory_space<vmem>>[vector<16xi32>, vector<16xi32>], vector<16xi32>,
        %shift_left3A_373 = arith.constant 16 : i32
        %shift_left3A_374 = vector.broadcast %shift_left3A_373 : i32 to vector<16xi32>
        %shift_left3A_375 = arith.shli %gather3A_372, %shift_left3A_374 : vector<16xi32>
        %bitcast3A_376 = vector.bitcast %shift_left3A_375 : vector<16xi32> to vector<16xf32>
        %and3A_377 = vector.broadcast %scan3A_60 : i32 to vector<16xi32>
        %and3A_378 = arith.andi %gather3A_372, %and3A_377 : vector<16xi32>
        %bitcast3A_379 = vector.bitcast %and3A_378 : vector<16xi32> to vector<16xf32>
        %scatter3A_380 = arith.constant 0 : i32
        %scatter3A_381 = arith.constant 0 : i32
        %scatter3A_382 = tpu.memref_slice %arg11[%scan3A_165, %scatter3A_380, %scatter3A_381] : memref<2x512x16xf32, #tpu.memory_space<vmem>> -> memref<1x512x16xf32, #tpu.memory_space<vmem>>
        %scatter3A_383 = tpu.memref_squeeze %scatter3A_382 : memref<1x512x16xf32, #tpu.memory_space<vmem>> -> memref<512x16xf32, #tpu.memory_space<vmem>>
        tpu.vector_store_idx %scatter3A_383[%add3A_367, %mul3A_9], %bitcast3A_376 : memref<512x16xf32, #tpu.memory_space<vmem>>[vector<16xi32>, vector<16xi32>], vector<16xf32>,
        %scatter3A_384 = arith.constant 0 : i32
        %scatter3A_385 = arith.constant 0 : i32
        %scatter3A_386 = tpu.memref_slice %arg11[%scan3A_165, %scatter3A_384, %scatter3A_385] : memref<2x512x16xf32, #tpu.memory_space<vmem>> -> memref<1x512x16xf32, #tpu.memory_space<vmem>>
        %scatter3A_387 = tpu.memref_squeeze %scatter3A_386 : memref<1x512x16xf32, #tpu.memory_space<vmem>> -> memref<512x16xf32, #tpu.memory_space<vmem>>
        tpu.vector_store_idx %scatter3A_387[%add3A_367, %add3A_12], %bitcast3A_379 : memref<512x16xf32, #tpu.memory_space<vmem>>[vector<16xi32>, vector<16xi32>], vector<16xf32>,
        %mul3A_388 = arith.constant 4 : i32
        %mul3A_389 = arith.muli %scan3A_335, %mul3A_388 : i32
        %add3A_390 = arith.constant 2 : i32
        %add3A_391 = arith.addi %mul3A_389, %add3A_390 : i32
        %mul3A_392 = arith.constant 2 : i32
        %mul3A_393 = arith.muli %add3A_391, %mul3A_392 : i32
        %add3A_394 = vector.broadcast %mul3A_393 : i32 to vector<16xi32>
        %add3A_395 = arith.addi %add3A_394, %shift_right_logical3A_4 : vector<16xi32>
        %gather3A_396 = arith.constant 0 : i32
        %gather3A_397 = arith.constant 0 : i32
        %gather3A_398 = tpu.memref_slice %arg10[%scan3A_164, %gather3A_396, %gather3A_397] : memref<2x512x8xi32, #tpu.memory_space<vmem>> -> memref<1x512x8xi32, #tpu.memory_space<vmem>>
        %gather3A_399 = tpu.memref_squeeze %gather3A_398 : memref<1x512x8xi32, #tpu.memory_space<vmem>> -> memref<512x8xi32, #tpu.memory_space<vmem>>
        %gather3A_400 = tpu.vector_load_idx %gather3A_399[%add3A_395, %and3A_6] : memref<512x8xi32, #tpu.memory_space<vmem>>[vector<16xi32>, vector<16xi32>], vector<16xi32>,
        %shift_left3A_401 = arith.constant 16 : i32
        %shift_left3A_402 = vector.broadcast %shift_left3A_401 : i32 to vector<16xi32>
        %shift_left3A_403 = arith.shli %gather3A_400, %shift_left3A_402 : vector<16xi32>
        %bitcast3A_404 = vector.bitcast %shift_left3A_403 : vector<16xi32> to vector<16xf32>
        %and3A_405 = vector.broadcast %scan3A_60 : i32 to vector<16xi32>
        %and3A_406 = arith.andi %gather3A_400, %and3A_405 : vector<16xi32>
        %bitcast3A_407 = vector.bitcast %and3A_406 : vector<16xi32> to vector<16xf32>
        %scatter3A_408 = arith.constant 0 : i32
        %scatter3A_409 = arith.constant 0 : i32
        %scatter3A_410 = tpu.memref_slice %arg11[%scan3A_165, %scatter3A_408, %scatter3A_409] : memref<2x512x16xf32, #tpu.memory_space<vmem>> -> memref<1x512x16xf32, #tpu.memory_space<vmem>>
        %scatter3A_411 = tpu.memref_squeeze %scatter3A_410 : memref<1x512x16xf32, #tpu.memory_space<vmem>> -> memref<512x16xf32, #tpu.memory_space<vmem>>
        tpu.vector_store_idx %scatter3A_411[%add3A_395, %mul3A_9], %bitcast3A_404 : memref<512x16xf32, #tpu.memory_space<vmem>>[vector<16xi32>, vector<16xi32>], vector<16xf32>,
        %scatter3A_412 = arith.constant 0 : i32
        %scatter3A_413 = arith.constant 0 : i32
        %scatter3A_414 = tpu.memref_slice %arg11[%scan3A_165, %scatter3A_412, %scatter3A_413] : memref<2x512x16xf32, #tpu.memory_space<vmem>> -> memref<1x512x16xf32, #tpu.memory_space<vmem>>
        %scatter3A_415 = tpu.memref_squeeze %scatter3A_414 : memref<1x512x16xf32, #tpu.memory_space<vmem>> -> memref<512x16xf32, #tpu.memory_space<vmem>>
        tpu.vector_store_idx %scatter3A_415[%add3A_395, %add3A_12], %bitcast3A_407 : memref<512x16xf32, #tpu.memory_space<vmem>>[vector<16xi32>, vector<16xi32>], vector<16xf32>,
        %mul3A_416 = arith.constant 4 : i32
        %mul3A_417 = arith.muli %scan3A_335, %mul3A_416 : i32
        %add3A_418 = arith.constant 3 : i32
        %add3A_419 = arith.addi %mul3A_417, %add3A_418 : i32
        %mul3A_420 = arith.constant 2 : i32
        %mul3A_421 = arith.muli %add3A_419, %mul3A_420 : i32
        %add3A_422 = vector.broadcast %mul3A_421 : i32 to vector<16xi32>
        %add3A_423 = arith.addi %add3A_422, %shift_right_logical3A_4 : vector<16xi32>
        %gather3A_424 = arith.constant 0 : i32
        %gather3A_425 = arith.constant 0 : i32
        %gather3A_426 = tpu.memref_slice %arg10[%scan3A_164, %gather3A_424, %gather3A_425] : memref<2x512x8xi32, #tpu.memory_space<vmem>> -> memref<1x512x8xi32, #tpu.memory_space<vmem>>
        %gather3A_427 = tpu.memref_squeeze %gather3A_426 : memref<1x512x8xi32, #tpu.memory_space<vmem>> -> memref<512x8xi32, #tpu.memory_space<vmem>>
        %gather3A_428 = tpu.vector_load_idx %gather3A_427[%add3A_423, %and3A_6] : memref<512x8xi32, #tpu.memory_space<vmem>>[vector<16xi32>, vector<16xi32>], vector<16xi32>,
        %shift_left3A_429 = arith.constant 16 : i32
        %shift_left3A_430 = vector.broadcast %shift_left3A_429 : i32 to vector<16xi32>
        %shift_left3A_431 = arith.shli %gather3A_428, %shift_left3A_430 : vector<16xi32>
        %bitcast3A_432 = vector.bitcast %shift_left3A_431 : vector<16xi32> to vector<16xf32>
        %and3A_433 = vector.broadcast %scan3A_60 : i32 to vector<16xi32>
        %and3A_434 = arith.andi %gather3A_428, %and3A_433 : vector<16xi32>
        %bitcast3A_435 = vector.bitcast %and3A_434 : vector<16xi32> to vector<16xf32>
        %scatter3A_436 = arith.constant 0 : i32
        %scatter3A_437 = arith.constant 0 : i32
        %scatter3A_438 = tpu.memref_slice %arg11[%scan3A_165, %scatter3A_436, %scatter3A_437] : memref<2x512x16xf32, #tpu.memory_space<vmem>> -> memref<1x512x16xf32, #tpu.memory_space<vmem>>
        %scatter3A_439 = tpu.memref_squeeze %scatter3A_438 : memref<1x512x16xf32, #tpu.memory_space<vmem>> -> memref<512x16xf32, #tpu.memory_space<vmem>>
        tpu.vector_store_idx %scatter3A_439[%add3A_423, %mul3A_9], %bitcast3A_432 : memref<512x16xf32, #tpu.memory_space<vmem>>[vector<16xi32>, vector<16xi32>], vector<16xf32>,
        %scatter3A_440 = arith.constant 0 : i32
        %scatter3A_441 = arith.constant 0 : i32
        %scatter3A_442 = tpu.memref_slice %arg11[%scan3A_165, %scatter3A_440, %scatter3A_441] : memref<2x512x16xf32, #tpu.memory_space<vmem>> -> memref<1x512x16xf32, #tpu.memory_space<vmem>>
        %scatter3A_443 = tpu.memref_squeeze %scatter3A_442 : memref<1x512x16xf32, #tpu.memory_space<vmem>> -> memref<512x16xf32, #tpu.memory_space<vmem>>
        tpu.vector_store_idx %scatter3A_443[%add3A_423, %add3A_12], %bitcast3A_435 : memref<512x16xf32, #tpu.memory_space<vmem>>[vector<16xi32>, vector<16xi32>], vector<16xf32>,
      }
      %scan3A_170 = arith.constant 64 : i32
      %mul3A_171 = arith.constant 4 : i32
      %mul3A_172 = arith.muli %mul3A_83, %mul3A_171 : i32
      %add3A_173 = arith.constant 0 : i32
      %add3A_174 = arith.addi %mul3A_172, %add3A_173 : i32
      %dma_start3A_175 = arith.constant 0 : i32
      %dma_start3A_176 = arith.constant 0 : i32
      %dma_start3A_177 = arith.constant 0 : i32
      %dma_start3A_178 = tpu.memref_slice %arg11[%dma_start3A_175, %dma_start3A_176, %dma_start3A_177] : memref<2x512x16xf32, #tpu.memory_space<vmem>> -> memref<1x128x16xf32, #tpu.memory_space<vmem>>
      %dma_start3A_179 = tpu.memref_squeeze %dma_start3A_178 : memref<1x128x16xf32, #tpu.memory_space<vmem>> -> memref<128x16xf32, #tpu.memory_space<vmem>>
      %dma_start3A_180 = arith.constant 0 : i32
      %dma_start3A_181 = tpu.memref_slice %arg9[%add3A_174, %dma_start3A_180] : memref<200x128xi32, #tpu.memory_space<vmem>> -> memref<1x128xi32, #tpu.memory_space<vmem>>
      %dma_start3A_182 = tpu.memref_squeeze %dma_start3A_181 : memref<1x128xi32, #tpu.memory_space<vmem>> -> memref<128xi32, #tpu.memory_space<vmem>>
      %dma_start3A_183 = arith.constant 0 : i32
      %dma_start3A_184 = arith.constant 0 : i32
      %dma_start3A_185 = tpu.memref_slice %arg7[%dma_start3A_183, %dma_start3A_184] : memref<50048x16xf32, #tpu.memory_space<vmem_shared>> -> memref<50048x16xf32, #tpu.memory_space<vmem_shared>>
      tpu.enqueue_indirect_dma source(%dma_start3A_179 : memref<128x16xf32, #tpu.memory_space<vmem>>) target(%dma_start3A_185 : memref<50048x16xf32, #tpu.memory_space<vmem_shared>>) offsets(%dma_start3A_182 : memref<128xi32, #tpu.memory_space<vmem>>) semaphore(%arg14 : memref<!tpu.dma_semaphore, #tpu.memory_space<semaphore_mem>>) {add = true}
      %mul3A_186 = arith.constant 4 : i32
      %mul3A_187 = arith.muli %mul3A_83, %mul3A_186 : i32
      %add3A_188 = arith.constant 1 : i32
      %add3A_189 = arith.addi %mul3A_187, %add3A_188 : i32
      %dma_start3A_190 = arith.constant 0 : i32
      %dma_start3A_191 = arith.constant 128 : i32
      %dma_start3A_192 = arith.constant 0 : i32
      %dma_start3A_193 = tpu.memref_slice %arg11[%dma_start3A_190, %dma_start3A_191, %dma_start3A_192] : memref<2x512x16xf32, #tpu.memory_space<vmem>> -> memref<1x128x16xf32, #tpu.memory_space<vmem>>
      %dma_start3A_194 = tpu.memref_squeeze %dma_start3A_193 : memref<1x128x16xf32, #tpu.memory_space<vmem>> -> memref<128x16xf32, #tpu.memory_space<vmem>>
      %dma_start3A_195 = arith.constant 0 : i32
      %dma_start3A_196 = tpu.memref_slice %arg9[%add3A_189, %dma_start3A_195] : memref<200x128xi32, #tpu.memory_space<vmem>> -> memref<1x128xi32, #tpu.memory_space<vmem>>
      %dma_start3A_197 = tpu.memref_squeeze %dma_start3A_196 : memref<1x128xi32, #tpu.memory_space<vmem>> -> memref<128xi32, #tpu.memory_space<vmem>>
      %dma_start3A_198 = arith.constant 0 : i32
      %dma_start3A_199 = arith.constant 0 : i32
      %dma_start3A_200 = tpu.memref_slice %arg7[%dma_start3A_198, %dma_start3A_199] : memref<50048x16xf32, #tpu.memory_space<vmem_shared>> -> memref<50048x16xf32, #tpu.memory_space<vmem_shared>>
      tpu.enqueue_indirect_dma source(%dma_start3A_194 : memref<128x16xf32, #tpu.memory_space<vmem>>) target(%dma_start3A_200 : memref<50048x16xf32, #tpu.memory_space<vmem_shared>>) offsets(%dma_start3A_197 : memref<128xi32, #tpu.memory_space<vmem>>) semaphore(%arg14 : memref<!tpu.dma_semaphore, #tpu.memory_space<semaphore_mem>>) {add = true}
      %mul3A_201 = arith.constant 4 : i32
      %mul3A_202 = arith.muli %mul3A_83, %mul3A_201 : i32
      %add3A_203 = arith.constant 2 : i32
      %add3A_204 = arith.addi %mul3A_202, %add3A_203 : i32
      %dma_start3A_205 = arith.constant 0 : i32
      %dma_start3A_206 = arith.constant 256 : i32
      %dma_start3A_207 = arith.constant 0 : i32
      %dma_start3A_208 = tpu.memref_slice %arg11[%dma_start3A_205, %dma_start3A_206, %dma_start3A_207] : memref<2x512x16xf32, #tpu.memory_space<vmem>> -> memref<1x128x16xf32, #tpu.memory_space<vmem>>
      %dma_start3A_209 = tpu.memref_squeeze %dma_start3A_208 : memref<1x128x16xf32, #tpu.memory_space<vmem>> -> memref<128x16xf32, #tpu.memory_space<vmem>>
      %dma_start3A_210 = arith.constant 0 : i32
      %dma_start3A_211 = tpu.memref_slice %arg9[%add3A_204, %dma_start3A_210] : memref<200x128xi32, #tpu.memory_space<vmem>> -> memref<1x128xi32, #tpu.memory_space<vmem>>
      %dma_start3A_212 = tpu.memref_squeeze %dma_start3A_211 : memref<1x128xi32, #tpu.memory_space<vmem>> -> memref<128xi32, #tpu.memory_space<vmem>>
      %dma_start3A_213 = arith.constant 0 : i32
      %dma_start3A_214 = arith.constant 0 : i32
      %dma_start3A_215 = tpu.memref_slice %arg7[%dma_start3A_213, %dma_start3A_214] : memref<50048x16xf32, #tpu.memory_space<vmem_shared>> -> memref<50048x16xf32, #tpu.memory_space<vmem_shared>>
      tpu.enqueue_indirect_dma source(%dma_start3A_209 : memref<128x16xf32, #tpu.memory_space<vmem>>) target(%dma_start3A_215 : memref<50048x16xf32, #tpu.memory_space<vmem_shared>>) offsets(%dma_start3A_212 : memref<128xi32, #tpu.memory_space<vmem>>) semaphore(%arg14 : memref<!tpu.dma_semaphore, #tpu.memory_space<semaphore_mem>>) {add = true}
      %mul3A_216 = arith.constant 4 : i32
      %mul3A_217 = arith.muli %mul3A_83, %mul3A_216 : i32
      %add3A_218 = arith.constant 3 : i32
      %add3A_219 = arith.addi %mul3A_217, %add3A_218 : i32
      %dma_start3A_220 = arith.constant 0 : i32
      %dma_start3A_221 = arith.constant 384 : i32
      %dma_start3A_222 = arith.constant 0 : i32
      %dma_start3A_223 = tpu.memref_slice %arg11[%dma_start3A_220, %dma_start3A_221, %dma_start3A_222] : memref<2x512x16xf32, #tpu.memory_space<vmem>> -> memref<1x128x16xf32, #tpu.memory_space<vmem>>
      %dma_start3A_224 = tpu.memref_squeeze %dma_start3A_223 : memref<1x128x16xf32, #tpu.memory_space<vmem>> -> memref<128x16xf32, #tpu.memory_space<vmem>>
      %dma_start3A_225 = arith.constant 0 : i32
      %dma_start3A_226 = tpu.memref_slice %arg9[%add3A_219, %dma_start3A_225] : memref<200x128xi32, #tpu.memory_space<vmem>> -> memref<1x128xi32, #tpu.memory_space<vmem>>
      %dma_start3A_227 = tpu.memref_squeeze %dma_start3A_226 : memref<1x128xi32, #tpu.memory_space<vmem>> -> memref<128xi32, #tpu.memory_space<vmem>>
      %dma_start3A_228 = arith.constant 0 : i32
      %dma_start3A_229 = arith.constant 0 : i32
      %dma_start3A_230 = tpu.memref_slice %arg7[%dma_start3A_228, %dma_start3A_229] : memref<50048x16xf32, #tpu.memory_space<vmem_shared>> -> memref<50048x16xf32, #tpu.memory_space<vmem_shared>>
      tpu.enqueue_indirect_dma source(%dma_start3A_224 : memref<128x16xf32, #tpu.memory_space<vmem>>) target(%dma_start3A_230 : memref<50048x16xf32, #tpu.memory_space<vmem_shared>>) offsets(%dma_start3A_227 : memref<128xi32, #tpu.memory_space<vmem>>) semaphore(%arg14 : memref<!tpu.dma_semaphore, #tpu.memory_space<semaphore_mem>>) {add = true}
      %dma_wait3A_231 = arith.constant 0 : i32
      %dma_wait3A_232 = arith.constant 0 : i32
      %dma_wait3A_233 = arith.constant 0 : i32
      %dma_wait3A_234 = tpu.memref_slice %arg10[%dma_wait3A_231, %dma_wait3A_232, %dma_wait3A_233] : memref<2x512x8xi32, #tpu.memory_space<vmem>> -> memref<1x512x8xi32, #tpu.memory_space<vmem>>
      %dma_wait3A_235 = tpu.memref_squeeze %dma_wait3A_234 : memref<1x512x8xi32, #tpu.memory_space<vmem>> -> memref<512x8xi32, #tpu.memory_space<vmem>>
      %dma_wait3A_236 = arith.constant 0 : i32
      %dma_wait3A_237 = arith.constant 0 : i32
      %dma_wait3A_238 = tpu.memref_slice %arg2[%dma_wait3A_236, %dma_wait3A_237] : memref<1350000x8xi32, #tpu.memory_space<hbm>> -> memref<512x8xi32, #tpu.memory_space<hbm>>
      %dma_wait3A_239 = arith.constant 0 : i32
      %dma_wait3A_240 = arith.constant 0 : i32
      %dma_wait3A_241 = tpu.memref_slice %arg10[%dma_wait3A_231, %dma_wait3A_239, %dma_wait3A_240] : memref<2x512x8xi32, #tpu.memory_space<vmem>> -> memref<1x512x8xi32, #tpu.memory_space<vmem>>
      %dma_wait3A_242 = tpu.memref_squeeze %dma_wait3A_241 : memref<1x512x8xi32, #tpu.memory_space<vmem>> -> memref<512x8xi32, #tpu.memory_space<vmem>>
      %dma_wait3A_243 = arith.constant 0 : i32
      %dma_wait3A_244 = arith.constant 0 : i32
      %dma_wait3A_245 = tpu.memref_slice %arg2[%dma_wait3A_243, %dma_wait3A_244] : memref<1350000x8xi32, #tpu.memory_space<hbm>> -> memref<512x8xi32, #tpu.memory_space<hbm>>
      tpu.wait_dma2 semaphore(%arg13 : memref<!tpu.dma_semaphore, #tpu.memory_space<semaphore_mem>>) src(%dma_wait3A_245 : memref<512x8xi32, #tpu.memory_space<hbm>>) dst(%dma_wait3A_242 : memref<512x8xi32, #tpu.memory_space<vmem>>)
      %scan3A_246 = arith.constant 0 : i32
      %scan3A_247 = arith.constant 1 : i32
      %scan3A_248 = arith.constant 1 : i32
      %scan3A_249 = arith.constant 0 : i32
      %scan3A_250 = arith.constant 64 : i32
      %scan3A_251 = arith.addi %scan3A_249, %scan3A_250 : i32
      %scan3A_252 = arith.constant 1 : i32
      scf.for %scan3A_335 = %scan3A_249 to %scan3A_251 step %scan3A_252  : i32 {
        %mul3A_336 = arith.constant 4 : i32
        %mul3A_337 = arith.muli %scan3A_335, %mul3A_336 : i32
        %add3A_338 = arith.constant 0 : i32
        %add3A_339 = arith.addi %mul3A_337, %add3A_338 : i32
        %mul3A_340 = arith.constant 2 : i32
        %mul3A_341 = arith.muli %add3A_339, %mul3A_340 : i32
        %add3A_342 = vector.broadcast %mul3A_341 : i32 to vector<16xi32>
        %add3A_343 = arith.addi %add3A_342, %shift_right_logical3A_4 : vector<16xi32>
        %gather3A = arith.constant 0 : i32
        %gather3A_344 = arith.constant 0 : i32
        %gather3A_345 = tpu.memref_slice %arg10[%scan3A_247, %gather3A, %gather3A_344] : memref<2x512x8xi32, #tpu.memory_space<vmem>> -> memref<1x512x8xi32, #tpu.memory_space<vmem>>
        %gather3A_346 = tpu.memref_squeeze %gather3A_345 : memref<1x512x8xi32, #tpu.memory_space<vmem>> -> memref<512x8xi32, #tpu.memory_space<vmem>>
        %gather3A_347 = tpu.vector_load_idx %gather3A_346[%add3A_343, %and3A_6] : memref<512x8xi32, #tpu.memory_space<vmem>>[vector<16xi32>, vector<16xi32>], vector<16xi32>,
        %shift_left3A = arith.constant 16 : i32
        %shift_left3A_348 = vector.broadcast %shift_left3A : i32 to vector<16xi32>
        %shift_left3A_349 = arith.shli %gather3A_347, %shift_left3A_348 : vector<16xi32>
        %bitcast3A = vector.bitcast %shift_left3A_349 : vector<16xi32> to vector<16xf32>
        %and3A_350 = vector.broadcast %scan3A_60 : i32 to vector<16xi32>
        %and3A_351 = arith.andi %gather3A_347, %and3A_350 : vector<16xi32>
        %bitcast3A_352 = vector.bitcast %and3A_351 : vector<16xi32> to vector<16xf32>
        %scatter3A = arith.constant 0 : i32
        %scatter3A_353 = arith.constant 0 : i32
        %scatter3A_354 = tpu.memref_slice %arg11[%scan3A_248, %scatter3A, %scatter3A_353] : memref<2x512x16xf32, #tpu.memory_space<vmem>> -> memref<1x512x16xf32, #tpu.memory_space<vmem>>
        %scatter3A_355 = tpu.memref_squeeze %scatter3A_354 : memref<1x512x16xf32, #tpu.memory_space<vmem>> -> memref<512x16xf32, #tpu.memory_space<vmem>>
        tpu.vector_store_idx %scatter3A_355[%add3A_343, %mul3A_9], %bitcast3A : memref<512x16xf32, #tpu.memory_space<vmem>>[vector<16xi32>, vector<16xi32>], vector<16xf32>,
        %scatter3A_356 = arith.constant 0 : i32
        %scatter3A_357 = arith.constant 0 : i32
        %scatter3A_358 = tpu.memref_slice %arg11[%scan3A_248, %scatter3A_356, %scatter3A_357] : memref<2x512x16xf32, #tpu.memory_space<vmem>> -> memref<1x512x16xf32, #tpu.memory_space<vmem>>
        %scatter3A_359 = tpu.memref_squeeze %scatter3A_358 : memref<1x512x16xf32, #tpu.memory_space<vmem>> -> memref<512x16xf32, #tpu.memory_space<vmem>>
        tpu.vector_store_idx %scatter3A_359[%add3A_343, %add3A_12], %bitcast3A_352 : memref<512x16xf32, #tpu.memory_space<vmem>>[vector<16xi32>, vector<16xi32>], vector<16xf32>,
        %mul3A_360 = arith.constant 4 : i32
        %mul3A_361 = arith.muli %scan3A_335, %mul3A_360 : i32
        %add3A_362 = arith.constant 1 : i32
        %add3A_363 = arith.addi %mul3A_361, %add3A_362 : i32
        %mul3A_364 = arith.constant 2 : i32
        %mul3A_365 = arith.muli %add3A_363, %mul3A_364 : i32
        %add3A_366 = vector.broadcast %mul3A_365 : i32 to vector<16xi32>
        %add3A_367 = arith.addi %add3A_366, %shift_right_logical3A_4 : vector<16xi32>
        %gather3A_368 = arith.constant 0 : i32
        %gather3A_369 = arith.constant 0 : i32
        %gather3A_370 = tpu.memref_slice %arg10[%scan3A_247, %gather3A_368, %gather3A_369] : memref<2x512x8xi32, #tpu.memory_space<vmem>> -> memref<1x512x8xi32, #tpu.memory_space<vmem>>
        %gather3A_371 = tpu.memref_squeeze %gather3A_370 : memref<1x512x8xi32, #tpu.memory_space<vmem>> -> memref<512x8xi32, #tpu.memory_space<vmem>>
        %gather3A_372 = tpu.vector_load_idx %gather3A_371[%add3A_367, %and3A_6] : memref<512x8xi32, #tpu.memory_space<vmem>>[vector<16xi32>, vector<16xi32>], vector<16xi32>,
        %shift_left3A_373 = arith.constant 16 : i32
        %shift_left3A_374 = vector.broadcast %shift_left3A_373 : i32 to vector<16xi32>
        %shift_left3A_375 = arith.shli %gather3A_372, %shift_left3A_374 : vector<16xi32>
        %bitcast3A_376 = vector.bitcast %shift_left3A_375 : vector<16xi32> to vector<16xf32>
        %and3A_377 = vector.broadcast %scan3A_60 : i32 to vector<16xi32>
        %and3A_378 = arith.andi %gather3A_372, %and3A_377 : vector<16xi32>
        %bitcast3A_379 = vector.bitcast %and3A_378 : vector<16xi32> to vector<16xf32>
        %scatter3A_380 = arith.constant 0 : i32
        %scatter3A_381 = arith.constant 0 : i32
        %scatter3A_382 = tpu.memref_slice %arg11[%scan3A_248, %scatter3A_380, %scatter3A_381] : memref<2x512x16xf32, #tpu.memory_space<vmem>> -> memref<1x512x16xf32, #tpu.memory_space<vmem>>
        %scatter3A_383 = tpu.memref_squeeze %scatter3A_382 : memref<1x512x16xf32, #tpu.memory_space<vmem>> -> memref<512x16xf32, #tpu.memory_space<vmem>>
        tpu.vector_store_idx %scatter3A_383[%add3A_367, %mul3A_9], %bitcast3A_376 : memref<512x16xf32, #tpu.memory_space<vmem>>[vector<16xi32>, vector<16xi32>], vector<16xf32>,
        %scatter3A_384 = arith.constant 0 : i32
        %scatter3A_385 = arith.constant 0 : i32
        %scatter3A_386 = tpu.memref_slice %arg11[%scan3A_248, %scatter3A_384, %scatter3A_385] : memref<2x512x16xf32, #tpu.memory_space<vmem>> -> memref<1x512x16xf32, #tpu.memory_space<vmem>>
        %scatter3A_387 = tpu.memref_squeeze %scatter3A_386 : memref<1x512x16xf32, #tpu.memory_space<vmem>> -> memref<512x16xf32, #tpu.memory_space<vmem>>
        tpu.vector_store_idx %scatter3A_387[%add3A_367, %add3A_12], %bitcast3A_379 : memref<512x16xf32, #tpu.memory_space<vmem>>[vector<16xi32>, vector<16xi32>], vector<16xf32>,
        %mul3A_388 = arith.constant 4 : i32
        %mul3A_389 = arith.muli %scan3A_335, %mul3A_388 : i32
        %add3A_390 = arith.constant 2 : i32
        %add3A_391 = arith.addi %mul3A_389, %add3A_390 : i32
        %mul3A_392 = arith.constant 2 : i32
        %mul3A_393 = arith.muli %add3A_391, %mul3A_392 : i32
        %add3A_394 = vector.broadcast %mul3A_393 : i32 to vector<16xi32>
        %add3A_395 = arith.addi %add3A_394, %shift_right_logical3A_4 : vector<16xi32>
        %gather3A_396 = arith.constant 0 : i32
        %gather3A_397 = arith.constant 0 : i32
        %gather3A_398 = tpu.memref_slice %arg10[%scan3A_247, %gather3A_396, %gather3A_397] : memref<2x512x8xi32, #tpu.memory_space<vmem>> -> memref<1x512x8xi32, #tpu.memory_space<vmem>>
        %gather3A_399 = tpu.memref_squeeze %gather3A_398 : memref<1x512x8xi32, #tpu.memory_space<vmem>> -> memref<512x8xi32, #tpu.memory_space<vmem>>
        %gather3A_400 = tpu.vector_load_idx %gather3A_399[%add3A_395, %and3A_6] : memref<512x8xi32, #tpu.memory_space<vmem>>[vector<16xi32>, vector<16xi32>], vector<16xi32>,
        %shift_left3A_401 = arith.constant 16 : i32
        %shift_left3A_402 = vector.broadcast %shift_left3A_401 : i32 to vector<16xi32>
        %shift_left3A_403 = arith.shli %gather3A_400, %shift_left3A_402 : vector<16xi32>
        %bitcast3A_404 = vector.bitcast %shift_left3A_403 : vector<16xi32> to vector<16xf32>
        %and3A_405 = vector.broadcast %scan3A_60 : i32 to vector<16xi32>
        %and3A_406 = arith.andi %gather3A_400, %and3A_405 : vector<16xi32>
        %bitcast3A_407 = vector.bitcast %and3A_406 : vector<16xi32> to vector<16xf32>
        %scatter3A_408 = arith.constant 0 : i32
        %scatter3A_409 = arith.constant 0 : i32
        %scatter3A_410 = tpu.memref_slice %arg11[%scan3A_248, %scatter3A_408, %scatter3A_409] : memref<2x512x16xf32, #tpu.memory_space<vmem>> -> memref<1x512x16xf32, #tpu.memory_space<vmem>>
        %scatter3A_411 = tpu.memref_squeeze %scatter3A_410 : memref<1x512x16xf32, #tpu.memory_space<vmem>> -> memref<512x16xf32, #tpu.memory_space<vmem>>
        tpu.vector_store_idx %scatter3A_411[%add3A_395, %mul3A_9], %bitcast3A_404 : memref<512x16xf32, #tpu.memory_space<vmem>>[vector<16xi32>, vector<16xi32>], vector<16xf32>,
        %scatter3A_412 = arith.constant 0 : i32
        %scatter3A_413 = arith.constant 0 : i32
        %scatter3A_414 = tpu.memref_slice %arg11[%scan3A_248, %scatter3A_412, %scatter3A_413] : memref<2x512x16xf32, #tpu.memory_space<vmem>> -> memref<1x512x16xf32, #tpu.memory_space<vmem>>
        %scatter3A_415 = tpu.memref_squeeze %scatter3A_414 : memref<1x512x16xf32, #tpu.memory_space<vmem>> -> memref<512x16xf32, #tpu.memory_space<vmem>>
        tpu.vector_store_idx %scatter3A_415[%add3A_395, %add3A_12], %bitcast3A_407 : memref<512x16xf32, #tpu.memory_space<vmem>>[vector<16xi32>, vector<16xi32>], vector<16xf32>,
        %mul3A_416 = arith.constant 4 : i32
        %mul3A_417 = arith.muli %scan3A_335, %mul3A_416 : i32
        %add3A_418 = arith.constant 3 : i32
        %add3A_419 = arith.addi %mul3A_417, %add3A_418 : i32
        %mul3A_420 = arith.constant 2 : i32
        %mul3A_421 = arith.muli %add3A_419, %mul3A_420 : i32
        %add3A_422 = vector.broadcast %mul3A_421 : i32 to vector<16xi32>
        %add3A_423 = arith.addi %add3A_422, %shift_right_logical3A_4 : vector<16xi32>
        %gather3A_424 = arith.constant 0 : i32
        %gather3A_425 = arith.constant 0 : i32
        %gather3A_426 = tpu.memref_slice %arg10[%scan3A_247, %gather3A_424, %gather3A_425] : memref<2x512x8xi32, #tpu.memory_space<vmem>> -> memref<1x512x8xi32, #tpu.memory_space<vmem>>
        %gather3A_427 = tpu.memref_squeeze %gather3A_426 : memref<1x512x8xi32, #tpu.memory_space<vmem>> -> memref<512x8xi32, #tpu.memory_space<vmem>>
        %gather3A_428 = tpu.vector_load_idx %gather3A_427[%add3A_423, %and3A_6] : memref<512x8xi32, #tpu.memory_space<vmem>>[vector<16xi32>, vector<16xi32>], vector<16xi32>,
        %shift_left3A_429 = arith.constant 16 : i32
        %shift_left3A_430 = vector.broadcast %shift_left3A_429 : i32 to vector<16xi32>
        %shift_left3A_431 = arith.shli %gather3A_428, %shift_left3A_430 : vector<16xi32>
        %bitcast3A_432 = vector.bitcast %shift_left3A_431 : vector<16xi32> to vector<16xf32>
        %and3A_433 = vector.broadcast %scan3A_60 : i32 to vector<16xi32>
        %and3A_434 = arith.andi %gather3A_428, %and3A_433 : vector<16xi32>
        %bitcast3A_435 = vector.bitcast %and3A_434 : vector<16xi32> to vector<16xf32>
        %scatter3A_436 = arith.constant 0 : i32
        %scatter3A_437 = arith.constant 0 : i32
        %scatter3A_438 = tpu.memref_slice %arg11[%scan3A_248, %scatter3A_436, %scatter3A_437] : memref<2x512x16xf32, #tpu.memory_space<vmem>> -> memref<1x512x16xf32, #tpu.memory_space<vmem>>
        %scatter3A_439 = tpu.memref_squeeze %scatter3A_438 : memref<1x512x16xf32, #tpu.memory_space<vmem>> -> memref<512x16xf32, #tpu.memory_space<vmem>>
        tpu.vector_store_idx %scatter3A_439[%add3A_423, %mul3A_9], %bitcast3A_432 : memref<512x16xf32, #tpu.memory_space<vmem>>[vector<16xi32>, vector<16xi32>], vector<16xf32>,
        %scatter3A_440 = arith.constant 0 : i32
        %scatter3A_441 = arith.constant 0 : i32
        %scatter3A_442 = tpu.memref_slice %arg11[%scan3A_248, %scatter3A_440, %scatter3A_441] : memref<2x512x16xf32, #tpu.memory_space<vmem>> -> memref<1x512x16xf32, #tpu.memory_space<vmem>>
        %scatter3A_443 = tpu.memref_squeeze %scatter3A_442 : memref<1x512x16xf32, #tpu.memory_space<vmem>> -> memref<512x16xf32, #tpu.memory_space<vmem>>
        tpu.vector_store_idx %scatter3A_443[%add3A_423, %add3A_12], %bitcast3A_435 : memref<512x16xf32, #tpu.memory_space<vmem>>[vector<16xi32>, vector<16xi32>], vector<16xf32>,
      }
      %scan3A_253 = arith.constant 64 : i32
      %dma_wait3A_254 = arith.constant 0 : i32
      %dma_wait3A_255 = arith.constant 0 : i32
      %dma_wait3A_256 = arith.constant 0 : i32
      %dma_wait3A_257 = tpu.memref_slice %arg11[%dma_wait3A_254, %dma_wait3A_255, %dma_wait3A_256] : memref<2x512x16xf32, #tpu.memory_space<vmem>> -> memref<1x512x16xf32, #tpu.memory_space<vmem>>
      %dma_wait3A_258 = tpu.memref_squeeze %dma_wait3A_257 : memref<1x512x16xf32, #tpu.memory_space<vmem>> -> memref<512x16xf32, #tpu.memory_space<vmem>>
      %dma_wait3A_259 = arith.constant 0 : i32
      %dma_wait3A_260 = arith.constant 0 : i32
      %dma_wait3A_261 = tpu.memref_slice %arg7[%dma_wait3A_259, %dma_wait3A_260] : memref<50048x16xf32, #tpu.memory_space<vmem_shared>> -> memref<512x16xf32, #tpu.memory_space<vmem_shared>>
      %dma_wait3A_262 = arith.constant 0 : i32
      %dma_wait3A_263 = arith.constant 0 : i32
      %dma_wait3A_264 = tpu.memref_slice %arg7[%dma_wait3A_262, %dma_wait3A_263] : memref<50048x16xf32, #tpu.memory_space<vmem_shared>> -> memref<512x16xf32, #tpu.memory_space<vmem_shared>>
      %dma_wait3A_265 = arith.constant 0 : i32
      %dma_wait3A_266 = arith.constant 0 : i32
      %dma_wait3A_267 = tpu.memref_slice %arg11[%dma_wait3A_254, %dma_wait3A_265, %dma_wait3A_266] : memref<2x512x16xf32, #tpu.memory_space<vmem>> -> memref<1x512x16xf32, #tpu.memory_space<vmem>>
      %dma_wait3A_268 = tpu.memref_squeeze %dma_wait3A_267 : memref<1x512x16xf32, #tpu.memory_space<vmem>> -> memref<512x16xf32, #tpu.memory_space<vmem>>
      tpu.wait_dma2 semaphore(%arg14 : memref<!tpu.dma_semaphore, #tpu.memory_space<semaphore_mem>>) src(%dma_wait3A_268 : memref<512x16xf32, #tpu.memory_space<vmem>>) dst(%dma_wait3A_264 : memref<512x16xf32, #tpu.memory_space<vmem_shared>>)
      %lt3A = arith.constant 24 : i32
      %lt3A_269 = arith.cmpi slt, %scan3A_81, %lt3A : i32
      %convert_element_type3A_270 = arith.extui %lt3A_269 : i1 to i32
      %cond3A_271 = arith.constant 0 : i32
      %cond3A_272 = arith.cmpi ne, %convert_element_type3A_270, %cond3A_271 : i32
      scf.if %cond3A_272 {
        %add3A_335 = arith.constant 2 : i32
        %add3A_336 = arith.addi %mul3A_83, %add3A_335 : i32
        %mul3A_337 = arith.constant 4 : i32
        %mul3A_338 = arith.muli %add3A_336, %mul3A_337 : i32
        %add3A_339 = arith.constant 0 : i32
        %add3A_340 = arith.addi %mul3A_338, %add3A_339 : i32
        %dma_start3A_341 = arith.constant 0 : i32
        %dma_start3A_342 = arith.constant 0 : i32
        %dma_start3A_343 = arith.constant 0 : i32
        %dma_start3A_344 = tpu.memref_slice %arg10[%dma_start3A_341, %dma_start3A_342, %dma_start3A_343] : memref<2x512x8xi32, #tpu.memory_space<vmem>> -> memref<1x128x8xi32, #tpu.memory_space<vmem>>
        %dma_start3A_345 = tpu.memref_squeeze %dma_start3A_344 : memref<1x128x8xi32, #tpu.memory_space<vmem>> -> memref<128x8xi32, #tpu.memory_space<vmem>>
        %dma_start3A_346 = arith.constant 0 : i32
        %dma_start3A_347 = tpu.memref_slice %arg8[%add3A_340, %dma_start3A_346] : memref<200x128xi32, #tpu.memory_space<vmem>> -> memref<1x128xi32, #tpu.memory_space<vmem>>
        %dma_start3A_348 = tpu.memref_squeeze %dma_start3A_347 : memref<1x128xi32, #tpu.memory_space<vmem>> -> memref<128xi32, #tpu.memory_space<vmem>>
        %dma_start3A_349 = arith.constant 0 : i32
        %dma_start3A_350 = arith.constant 0 : i32
        %dma_start3A_351 = tpu.memref_slice %arg2[%dma_start3A_349, %dma_start3A_350] : memref<1350000x8xi32, #tpu.memory_space<hbm>> -> memref<1350000x8xi32, #tpu.memory_space<hbm>>
        tpu.enqueue_indirect_dma source(%dma_start3A_351 : memref<1350000x8xi32, #tpu.memory_space<hbm>>) target(%dma_start3A_345 : memref<128x8xi32, #tpu.memory_space<vmem>>) offsets(%dma_start3A_348 : memref<128xi32, #tpu.memory_space<vmem>>) semaphore(%arg12 : memref<!tpu.dma_semaphore, #tpu.memory_space<semaphore_mem>>)
        %mul3A_352 = arith.constant 4 : i32
        %mul3A_353 = arith.muli %add3A_336, %mul3A_352 : i32
        %add3A_354 = arith.constant 1 : i32
        %add3A_355 = arith.addi %mul3A_353, %add3A_354 : i32
        %dma_start3A_356 = arith.constant 0 : i32
        %dma_start3A_357 = arith.constant 128 : i32
        %dma_start3A_358 = arith.constant 0 : i32
        %dma_start3A_359 = tpu.memref_slice %arg10[%dma_start3A_356, %dma_start3A_357, %dma_start3A_358] : memref<2x512x8xi32, #tpu.memory_space<vmem>> -> memref<1x128x8xi32, #tpu.memory_space<vmem>>
        %dma_start3A_360 = tpu.memref_squeeze %dma_start3A_359 : memref<1x128x8xi32, #tpu.memory_space<vmem>> -> memref<128x8xi32, #tpu.memory_space<vmem>>
        %dma_start3A_361 = arith.constant 0 : i32
        %dma_start3A_362 = tpu.memref_slice %arg8[%add3A_355, %dma_start3A_361] : memref<200x128xi32, #tpu.memory_space<vmem>> -> memref<1x128xi32, #tpu.memory_space<vmem>>
        %dma_start3A_363 = tpu.memref_squeeze %dma_start3A_362 : memref<1x128xi32, #tpu.memory_space<vmem>> -> memref<128xi32, #tpu.memory_space<vmem>>
        %dma_start3A_364 = arith.constant 0 : i32
        %dma_start3A_365 = arith.constant 0 : i32
        %dma_start3A_366 = tpu.memref_slice %arg2[%dma_start3A_364, %dma_start3A_365] : memref<1350000x8xi32, #tpu.memory_space<hbm>> -> memref<1350000x8xi32, #tpu.memory_space<hbm>>
        tpu.enqueue_indirect_dma source(%dma_start3A_366 : memref<1350000x8xi32, #tpu.memory_space<hbm>>) target(%dma_start3A_360 : memref<128x8xi32, #tpu.memory_space<vmem>>) offsets(%dma_start3A_363 : memref<128xi32, #tpu.memory_space<vmem>>) semaphore(%arg12 : memref<!tpu.dma_semaphore, #tpu.memory_space<semaphore_mem>>)
        %mul3A_367 = arith.constant 4 : i32
        %mul3A_368 = arith.muli %add3A_336, %mul3A_367 : i32
        %add3A_369 = arith.constant 2 : i32
        %add3A_370 = arith.addi %mul3A_368, %add3A_369 : i32
        %dma_start3A_371 = arith.constant 0 : i32
        %dma_start3A_372 = arith.constant 256 : i32
        %dma_start3A_373 = arith.constant 0 : i32
        %dma_start3A_374 = tpu.memref_slice %arg10[%dma_start3A_371, %dma_start3A_372, %dma_start3A_373] : memref<2x512x8xi32, #tpu.memory_space<vmem>> -> memref<1x128x8xi32, #tpu.memory_space<vmem>>
        %dma_start3A_375 = tpu.memref_squeeze %dma_start3A_374 : memref<1x128x8xi32, #tpu.memory_space<vmem>> -> memref<128x8xi32, #tpu.memory_space<vmem>>
        %dma_start3A_376 = arith.constant 0 : i32
        %dma_start3A_377 = tpu.memref_slice %arg8[%add3A_370, %dma_start3A_376] : memref<200x128xi32, #tpu.memory_space<vmem>> -> memref<1x128xi32, #tpu.memory_space<vmem>>
        %dma_start3A_378 = tpu.memref_squeeze %dma_start3A_377 : memref<1x128xi32, #tpu.memory_space<vmem>> -> memref<128xi32, #tpu.memory_space<vmem>>
        %dma_start3A_379 = arith.constant 0 : i32
        %dma_start3A_380 = arith.constant 0 : i32
        %dma_start3A_381 = tpu.memref_slice %arg2[%dma_start3A_379, %dma_start3A_380] : memref<1350000x8xi32, #tpu.memory_space<hbm>> -> memref<1350000x8xi32, #tpu.memory_space<hbm>>
        tpu.enqueue_indirect_dma source(%dma_start3A_381 : memref<1350000x8xi32, #tpu.memory_space<hbm>>) target(%dma_start3A_375 : memref<128x8xi32, #tpu.memory_space<vmem>>) offsets(%dma_start3A_378 : memref<128xi32, #tpu.memory_space<vmem>>) semaphore(%arg12 : memref<!tpu.dma_semaphore, #tpu.memory_space<semaphore_mem>>)
        %mul3A_382 = arith.constant 4 : i32
        %mul3A_383 = arith.muli %add3A_336, %mul3A_382 : i32
        %add3A_384 = arith.constant 3 : i32
        %add3A_385 = arith.addi %mul3A_383, %add3A_384 : i32
        %dma_start3A_386 = arith.constant 0 : i32
        %dma_start3A_387 = arith.constant 384 : i32
        %dma_start3A_388 = arith.constant 0 : i32
        %dma_start3A_389 = tpu.memref_slice %arg10[%dma_start3A_386, %dma_start3A_387, %dma_start3A_388] : memref<2x512x8xi32, #tpu.memory_space<vmem>> -> memref<1x128x8xi32, #tpu.memory_space<vmem>>
        %dma_start3A_390 = tpu.memref_squeeze %dma_start3A_389 : memref<1x128x8xi32, #tpu.memory_space<vmem>> -> memref<128x8xi32, #tpu.memory_space<vmem>>
        %dma_start3A_391 = arith.constant 0 : i32
        %dma_start3A_392 = tpu.memref_slice %arg8[%add3A_385, %dma_start3A_391] : memref<200x128xi32, #tpu.memory_space<vmem>> -> memref<1x128xi32, #tpu.memory_space<vmem>>
        %dma_start3A_393 = tpu.memref_squeeze %dma_start3A_392 : memref<1x128xi32, #tpu.memory_space<vmem>> -> memref<128xi32, #tpu.memory_space<vmem>>
        %dma_start3A_394 = arith.constant 0 : i32
        %dma_start3A_395 = arith.constant 0 : i32
        %dma_start3A_396 = tpu.memref_slice %arg2[%dma_start3A_394, %dma_start3A_395] : memref<1350000x8xi32, #tpu.memory_space<hbm>> -> memref<1350000x8xi32, #tpu.memory_space<hbm>>
        tpu.enqueue_indirect_dma source(%dma_start3A_396 : memref<1350000x8xi32, #tpu.memory_space<hbm>>) target(%dma_start3A_390 : memref<128x8xi32, #tpu.memory_space<vmem>>) offsets(%dma_start3A_393 : memref<128xi32, #tpu.memory_space<vmem>>) semaphore(%arg12 : memref<!tpu.dma_semaphore, #tpu.memory_space<semaphore_mem>>)
      } else {
      }
      %add3A_273 = arith.constant 1 : i32
      %add3A_274 = arith.addi %mul3A_83, %add3A_273 : i32
      %mul3A_275 = arith.constant 4 : i32
      %mul3A_276 = arith.muli %add3A_274, %mul3A_275 : i32
      %add3A_277 = arith.constant 0 : i32
      %add3A_278 = arith.addi %mul3A_276, %add3A_277 : i32
      %dma_start3A_279 = arith.constant 1 : i32
      %dma_start3A_280 = arith.constant 0 : i32
      %dma_start3A_281 = arith.constant 0 : i32
      %dma_start3A_282 = tpu.memref_slice %arg11[%dma_start3A_279, %dma_start3A_280, %dma_start3A_281] : memref<2x512x16xf32, #tpu.memory_space<vmem>> -> memref<1x128x16xf32, #tpu.memory_space<vmem>>
      %dma_start3A_283 = tpu.memref_squeeze %dma_start3A_282 : memref<1x128x16xf32, #tpu.memory_space<vmem>> -> memref<128x16xf32, #tpu.memory_space<vmem>>
      %dma_start3A_284 = arith.constant 0 : i32
      %dma_start3A_285 = tpu.memref_slice %arg9[%add3A_278, %dma_start3A_284] : memref<200x128xi32, #tpu.memory_space<vmem>> -> memref<1x128xi32, #tpu.memory_space<vmem>>
      %dma_start3A_286 = tpu.memref_squeeze %dma_start3A_285 : memref<1x128xi32, #tpu.memory_space<vmem>> -> memref<128xi32, #tpu.memory_space<vmem>>
      %dma_start3A_287 = arith.constant 0 : i32
      %dma_start3A_288 = arith.constant 0 : i32
      %dma_start3A_289 = tpu.memref_slice %arg7[%dma_start3A_287, %dma_start3A_288] : memref<50048x16xf32, #tpu.memory_space<vmem_shared>> -> memref<50048x16xf32, #tpu.memory_space<vmem_shared>>
      tpu.enqueue_indirect_dma source(%dma_start3A_283 : memref<128x16xf32, #tpu.memory_space<vmem>>) target(%dma_start3A_289 : memref<50048x16xf32, #tpu.memory_space<vmem_shared>>) offsets(%dma_start3A_286 : memref<128xi32, #tpu.memory_space<vmem>>) semaphore(%arg15 : memref<!tpu.dma_semaphore, #tpu.memory_space<semaphore_mem>>) {add = true}
      %mul3A_290 = arith.constant 4 : i32
      %mul3A_291 = arith.muli %add3A_274, %mul3A_290 : i32
      %add3A_292 = arith.constant 1 : i32
      %add3A_293 = arith.addi %mul3A_291, %add3A_292 : i32
      %dma_start3A_294 = arith.constant 1 : i32
      %dma_start3A_295 = arith.constant 128 : i32
      %dma_start3A_296 = arith.constant 0 : i32
      %dma_start3A_297 = tpu.memref_slice %arg11[%dma_start3A_294, %dma_start3A_295, %dma_start3A_296] : memref<2x512x16xf32, #tpu.memory_space<vmem>> -> memref<1x128x16xf32, #tpu.memory_space<vmem>>
      %dma_start3A_298 = tpu.memref_squeeze %dma_start3A_297 : memref<1x128x16xf32, #tpu.memory_space<vmem>> -> memref<128x16xf32, #tpu.memory_space<vmem>>
      %dma_start3A_299 = arith.constant 0 : i32
      %dma_start3A_300 = tpu.memref_slice %arg9[%add3A_293, %dma_start3A_299] : memref<200x128xi32, #tpu.memory_space<vmem>> -> memref<1x128xi32, #tpu.memory_space<vmem>>
      %dma_start3A_301 = tpu.memref_squeeze %dma_start3A_300 : memref<1x128xi32, #tpu.memory_space<vmem>> -> memref<128xi32, #tpu.memory_space<vmem>>
      %dma_start3A_302 = arith.constant 0 : i32
      %dma_start3A_303 = arith.constant 0 : i32
      %dma_start3A_304 = tpu.memref_slice %arg7[%dma_start3A_302, %dma_start3A_303] : memref<50048x16xf32, #tpu.memory_space<vmem_shared>> -> memref<50048x16xf32, #tpu.memory_space<vmem_shared>>
      tpu.enqueue_indirect_dma source(%dma_start3A_298 : memref<128x16xf32, #tpu.memory_space<vmem>>) target(%dma_start3A_304 : memref<50048x16xf32, #tpu.memory_space<vmem_shared>>) offsets(%dma_start3A_301 : memref<128xi32, #tpu.memory_space<vmem>>) semaphore(%arg15 : memref<!tpu.dma_semaphore, #tpu.memory_space<semaphore_mem>>) {add = true}
      %mul3A_305 = arith.constant 4 : i32
      %mul3A_306 = arith.muli %add3A_274, %mul3A_305 : i32
      %add3A_307 = arith.constant 2 : i32
      %add3A_308 = arith.addi %mul3A_306, %add3A_307 : i32
      %dma_start3A_309 = arith.constant 1 : i32
      %dma_start3A_310 = arith.constant 256 : i32
      %dma_start3A_311 = arith.constant 0 : i32
      %dma_start3A_312 = tpu.memref_slice %arg11[%dma_start3A_309, %dma_start3A_310, %dma_start3A_311] : memref<2x512x16xf32, #tpu.memory_space<vmem>> -> memref<1x128x16xf32, #tpu.memory_space<vmem>>
      %dma_start3A_313 = tpu.memref_squeeze %dma_start3A_312 : memref<1x128x16xf32, #tpu.memory_space<vmem>> -> memref<128x16xf32, #tpu.memory_space<vmem>>
      %dma_start3A_314 = arith.constant 0 : i32
      %dma_start3A_315 = tpu.memref_slice %arg9[%add3A_308, %dma_start3A_314] : memref<200x128xi32, #tpu.memory_space<vmem>> -> memref<1x128xi32, #tpu.memory_space<vmem>>
      %dma_start3A_316 = tpu.memref_squeeze %dma_start3A_315 : memref<1x128xi32, #tpu.memory_space<vmem>> -> memref<128xi32, #tpu.memory_space<vmem>>
      %dma_start3A_317 = arith.constant 0 : i32
      %dma_start3A_318 = arith.constant 0 : i32
      %dma_start3A_319 = tpu.memref_slice %arg7[%dma_start3A_317, %dma_start3A_318] : memref<50048x16xf32, #tpu.memory_space<vmem_shared>> -> memref<50048x16xf32, #tpu.memory_space<vmem_shared>>
      tpu.enqueue_indirect_dma source(%dma_start3A_313 : memref<128x16xf32, #tpu.memory_space<vmem>>) target(%dma_start3A_319 : memref<50048x16xf32, #tpu.memory_space<vmem_shared>>) offsets(%dma_start3A_316 : memref<128xi32, #tpu.memory_space<vmem>>) semaphore(%arg15 : memref<!tpu.dma_semaphore, #tpu.memory_space<semaphore_mem>>) {add = true}
      %mul3A_320 = arith.constant 4 : i32
      %mul3A_321 = arith.muli %add3A_274, %mul3A_320 : i32
      %add3A_322 = arith.constant 3 : i32
      %add3A_323 = arith.addi %mul3A_321, %add3A_322 : i32
      %dma_start3A_324 = arith.constant 1 : i32
      %dma_start3A_325 = arith.constant 384 : i32
      %dma_start3A_326 = arith.constant 0 : i32
      %dma_start3A_327 = tpu.memref_slice %arg11[%dma_start3A_324, %dma_start3A_325, %dma_start3A_326] : memref<2x512x16xf32, #tpu.memory_space<vmem>> -> memref<1x128x16xf32, #tpu.memory_space<vmem>>
      %dma_start3A_328 = tpu.memref_squeeze %dma_start3A_327 : memref<1x128x16xf32, #tpu.memory_space<vmem>> -> memref<128x16xf32, #tpu.memory_space<vmem>>
      %dma_start3A_329 = arith.constant 0 : i32
      %dma_start3A_330 = tpu.memref_slice %arg9[%add3A_323, %dma_start3A_329] : memref<200x128xi32, #tpu.memory_space<vmem>> -> memref<1x128xi32, #tpu.memory_space<vmem>>
      %dma_start3A_331 = tpu.memref_squeeze %dma_start3A_330 : memref<1x128xi32, #tpu.memory_space<vmem>> -> memref<128xi32, #tpu.memory_space<vmem>>
      %dma_start3A_332 = arith.constant 0 : i32
      %dma_start3A_333 = arith.constant 0 : i32
      %dma_start3A_334 = tpu.memref_slice %arg7[%dma_start3A_332, %dma_start3A_333] : memref<50048x16xf32, #tpu.memory_space<vmem_shared>> -> memref<50048x16xf32, #tpu.memory_space<vmem_shared>>
      tpu.enqueue_indirect_dma source(%dma_start3A_328 : memref<128x16xf32, #tpu.memory_space<vmem>>) target(%dma_start3A_334 : memref<50048x16xf32, #tpu.memory_space<vmem_shared>>) offsets(%dma_start3A_331 : memref<128xi32, #tpu.memory_space<vmem>>) semaphore(%arg15 : memref<!tpu.dma_semaphore, #tpu.memory_space<semaphore_mem>>) {add = true}
    }
    %scan3A_65 = arith.constant 25 : i32
    %dma_wait3A = arith.constant 0 : i32
    %dma_wait3A_66 = arith.constant 0 : i32
    %dma_wait3A_67 = arith.constant 0 : i32
    %dma_wait3A_68 = tpu.memref_slice %arg11[%dma_wait3A, %dma_wait3A_66, %dma_wait3A_67] : memref<2x512x16xf32, #tpu.memory_space<vmem>> -> memref<1x512x16xf32, #tpu.memory_space<vmem>>
    %dma_wait3A_69 = tpu.memref_squeeze %dma_wait3A_68 : memref<1x512x16xf32, #tpu.memory_space<vmem>> -> memref<512x16xf32, #tpu.memory_space<vmem>>
    %dma_wait3A_70 = arith.constant 0 : i32
    %dma_wait3A_71 = arith.constant 0 : i32
    %dma_wait3A_72 = tpu.memref_slice %arg7[%dma_wait3A_70, %dma_wait3A_71] : memref<50048x16xf32, #tpu.memory_space<vmem_shared>> -> memref<512x16xf32, #tpu.memory_space<vmem_shared>>
    %dma_wait3A_73 = arith.constant 0 : i32
    %dma_wait3A_74 = arith.constant 0 : i32
    %dma_wait3A_75 = tpu.memref_slice %arg7[%dma_wait3A_73, %dma_wait3A_74] : memref<50048x16xf32, #tpu.memory_space<vmem_shared>> -> memref<512x16xf32, #tpu.memory_space<vmem_shared>>
    %dma_wait3A_76 = arith.constant 0 : i32
    %dma_wait3A_77 = arith.constant 0 : i32
    %dma_wait3A_78 = tpu.memref_slice %arg11[%dma_wait3A, %dma_wait3A_76, %dma_wait3A_77] : memref<2x512x16xf32, #tpu.memory_space<vmem>> -> memref<1x512x16xf32, #tpu.memory_space<vmem>>
    %dma_wait3A_79 = tpu.memref_squeeze %dma_wait3A_78 : memref<1x512x16xf32, #tpu.memory_space<vmem>> -> memref<512x16xf32, #tpu.memory_space<vmem>>
    tpu.wait_dma2 semaphore(%arg15 : memref<!tpu.dma_semaphore, #tpu.memory_space<semaphore_mem>>) src(%dma_wait3A_79 : memref<512x16xf32, #tpu.memory_space<vmem>>) dst(%dma_wait3A_75 : memref<512x16xf32, #tpu.memory_space<vmem_shared>>)
    %barrier3A_80 = arith.constant 0 : index
    tpu.barrier barrier_id(%barrier3A_80)
    "tpu.region"() ({
      %run_scoped3A = tpu.sem_alloc : memref<!tpu.dma_semaphore, #tpu.memory_space<semaphore_mem>>
      %dma_start3A_81 = arith.constant 0 : i32
      %dma_start3A_82 = tpu.memref_slice %arg6[%arg0, %mul3A_2, %dma_start3A_81] : memref<2x50048x16xf32, #tpu.memory_space<hbm>> -> memref<1x3128x16xf32, #tpu.memory_space<hbm>>
      %dma_start3A_83 = tpu.memref_squeeze %dma_start3A_82 : memref<1x3128x16xf32, #tpu.memory_space<hbm>> -> memref<3128x16xf32, #tpu.memory_space<hbm>>
      %dma_start3A_84 = arith.constant 0 : i32
      %dma_start3A_85 = tpu.memref_slice %arg7[%mul3A_2, %dma_start3A_84] : memref<50048x16xf32, #tpu.memory_space<vmem_shared>> -> memref<3128x16xf32, #tpu.memory_space<vmem_shared>>
      tpu.enqueue_dma source(%dma_start3A_85 : memref<3128x16xf32, #tpu.memory_space<vmem_shared>>) target(%dma_start3A_83 : memref<3128x16xf32, #tpu.memory_space<hbm>>) target_semaphore(%run_scoped3A : memref<!tpu.dma_semaphore, #tpu.memory_space<semaphore_mem>>)
      %dma_wait3A_86 = arith.constant 0 : i32
      %dma_wait3A_87 = tpu.memref_slice %arg6[%arg0, %mul3A_2, %dma_wait3A_86] : memref<2x50048x16xf32, #tpu.memory_space<hbm>> -> memref<1x3128x16xf32, #tpu.memory_space<hbm>>
      %dma_wait3A_88 = tpu.memref_squeeze %dma_wait3A_87 : memref<1x3128x16xf32, #tpu.memory_space<hbm>> -> memref<3128x16xf32, #tpu.memory_space<hbm>>
      %dma_wait3A_89 = arith.constant 0 : i32
      %dma_wait3A_90 = tpu.memref_slice %arg7[%mul3A_2, %dma_wait3A_89] : memref<50048x16xf32, #tpu.memory_space<vmem_shared>> -> memref<3128x16xf32, #tpu.memory_space<vmem_shared>>
      tpu.wait_dma2 semaphore(%run_scoped3A : memref<!tpu.dma_semaphore, #tpu.memory_space<semaphore_mem>>) src(%dma_wait3A_90 : memref<3128x16xf32, #tpu.memory_space<vmem_shared>>) dst(%dma_wait3A_88 : memref<3128x16xf32, #tpu.memory_space<hbm>>)
      tpu.yield
    }) : () -> ()
    return
  }
}

module attributes {stable_mosaic.version = 14 : i64} {
  func.func @_mm1_body(%arg0: i32, %arg1: memref<2000x16xf32, #tpu.memory_space<vmem>>, %arg2: memref<16x216xf32, #tpu.memory_space<vmem>>, %arg3: memref<16x216xf32, #tpu.memory_space<vmem>>, %arg4: memref<256x128xi32, #tpu.memory_space<vmem>>, %arg5: memref<256x128xi32, #tpu.memory_space<vmem>>, %arg6: memref<2000x216xi32, #tpu.memory_space<vmem>>, %arg7: memref<256x128xi32, #tpu.memory_space<vmem>>) attributes {dimension_semantics = [#tpu.dimension_semantics<arbitrary>], iteration_bounds = array<i64: 25>, scalar_prefetch = 0 : i64, scratch_operands = 0 : i64, tpu.core_type = #tpu.core_type<tc>, window_params = [{transform_indices = @transform_0, window_bounds = array<i64: 2000, 16>}, {pipeline_mode = #tpu.pipeline_mode<synchronous>, transform_indices = @transform_1, window_bounds = array<i64: 16, 216>}, {pipeline_mode = #tpu.pipeline_mode<synchronous>, transform_indices = @transform_2, window_bounds = array<i64: 16, 216>}, {transform_indices = @transform_3, window_bounds = array<i64: 256, 128>}, {transform_indices = @transform_4, window_bounds = array<i64: 256, 128>}, {transform_indices = @transform_5, window_bounds = array<i64: 2000, 216>}, {transform_indices = @transform_6, window_bounds = array<i64: 256, 128>}]} {
    %get3A = arith.constant 0 : index
    %get3A_0 = arith.constant 0 : index
    %get3A_1 = vector.load %arg1[%get3A, %get3A_0] : memref<2000x16xf32, #tpu.memory_space<vmem>>, vector<2000x16xf32>
    %get3A_2 = arith.constant 0 : index
    %get3A_3 = arith.constant 0 : index
    %get3A_4 = vector.load %arg2[%get3A_2, %get3A_3] : memref<16x216xf32, #tpu.memory_space<vmem>>, vector<16x216xf32>
    %dot_general3A = arith.constant dense<0.000000e+00> : vector<2000x216xf32>
    %dot_general3A_5 = tpu.matmul %get3A_1, %get3A_4, %dot_general3A {dimension_numbers = #tpu.dot_dimension_numbers<[1], [0], [0], [1], [0, 0, 1, 1], [], []>, transpose_lhs_hint = false} : vector<2000x16xf32>, vector<16x216xf32>, vector<2000x216xf32> -> vector<2000x216xf32>
    %get3A_6 = arith.constant 0 : index
    %get3A_7 = arith.constant 0 : index
    %get3A_8 = vector.load %arg1[%get3A_6, %get3A_7] : memref<2000x16xf32, #tpu.memory_space<vmem>>, vector<2000x16xf32>
    %get3A_9 = arith.constant 0 : index
    %get3A_10 = arith.constant 0 : index
    %get3A_11 = vector.load %arg3[%get3A_9, %get3A_10] : memref<16x216xf32, #tpu.memory_space<vmem>>, vector<16x216xf32>
    %dot_general3A_12 = arith.constant dense<0.000000e+00> : vector<2000x216xf32>
    %dot_general3A_13 = tpu.matmul %get3A_8, %get3A_11, %dot_general3A_12 {dimension_numbers = #tpu.dot_dimension_numbers<[1], [0], [0], [1], [0, 0, 1, 1], [], []>, transpose_lhs_hint = false} : vector<2000x16xf32>, vector<16x216xf32>, vector<2000x216xf32> -> vector<2000x216xf32>
    %bitcast_convert_type3A = tpu.bitcast %dot_general3A_5 : vector<2000x216xf32> -> vector<2000x216xi32>
    %shift_right_logical3A = arith.constant 16 : i32
    %shift_right_logical3A_14 = vector.broadcast %shift_right_logical3A : i32 to vector<2000x216xi32>
    %shift_right_logical3A_15 = arith.shrui %bitcast_convert_type3A, %shift_right_logical3A_14 : vector<2000x216xi32>
    %and3A = arith.constant 1 : i32
    %and3A_16 = vector.broadcast %and3A : i32 to vector<2000x216xi32>
    %and3A_17 = arith.andi %shift_right_logical3A_15, %and3A_16 : vector<2000x216xi32>
    %add3A = arith.constant 32767 : i32
    %add3A_18 = vector.broadcast %add3A : i32 to vector<2000x216xi32>
    %add3A_19 = arith.addi %bitcast_convert_type3A, %add3A_18 : vector<2000x216xi32>
    %add3A_20 = arith.addi %add3A_19, %and3A_17 : vector<2000x216xi32>
    %shift_right_logical3A_21 = arith.constant 16 : i32
    %shift_right_logical3A_22 = vector.broadcast %shift_right_logical3A_21 : i32 to vector<2000x216xi32>
    %shift_right_logical3A_23 = arith.shrui %add3A_20, %shift_right_logical3A_22 : vector<2000x216xi32>
    %bitcast_convert_type3A_24 = tpu.bitcast %dot_general3A_13 : vector<2000x216xf32> -> vector<2000x216xi32>
    %shift_right_logical3A_25 = arith.constant 16 : i32
    %shift_right_logical3A_26 = vector.broadcast %shift_right_logical3A_25 : i32 to vector<2000x216xi32>
    %shift_right_logical3A_27 = arith.shrui %bitcast_convert_type3A_24, %shift_right_logical3A_26 : vector<2000x216xi32>
    %and3A_28 = arith.constant 1 : i32
    %and3A_29 = vector.broadcast %and3A_28 : i32 to vector<2000x216xi32>
    %and3A_30 = arith.andi %shift_right_logical3A_27, %and3A_29 : vector<2000x216xi32>
    %add3A_31 = arith.constant 32767 : i32
    %add3A_32 = vector.broadcast %add3A_31 : i32 to vector<2000x216xi32>
    %add3A_33 = arith.addi %bitcast_convert_type3A_24, %add3A_32 : vector<2000x216xi32>
    %add3A_34 = arith.addi %add3A_33, %and3A_30 : vector<2000x216xi32>
    %shift_right_logical3A_35 = arith.constant 16 : i32
    %shift_right_logical3A_36 = vector.broadcast %shift_right_logical3A_35 : i32 to vector<2000x216xi32>
    %shift_right_logical3A_37 = arith.shrui %add3A_34, %shift_right_logical3A_36 : vector<2000x216xi32>
    %shift_left3A = arith.constant 16 : i32
    %shift_left3A_38 = vector.broadcast %shift_left3A : i32 to vector<2000x216xi32>
    %shift_left3A_39 = arith.shli %shift_right_logical3A_37, %shift_left3A_38 : vector<2000x216xi32>
    %or3A = arith.ori %shift_right_logical3A_23, %shift_left3A_39 : vector<2000x216xi32>
    %swap3A = arith.constant 0 : index
    %swap3A_40 = arith.constant 0 : index
    %swap3A_41 = vector.load %arg6[%swap3A, %swap3A_40] : memref<2000x216xi32, #tpu.memory_space<vmem>>, vector<2000x216xi32>
    tpu.vector_store %arg6[%swap3A, %swap3A_40], %or3A {strides = array<i32>} : memref<2000x216xi32, #tpu.memory_space<vmem>>, vector<2000x216xi32>,
    %get3A_42 = arith.constant 0 : index
    %get3A_43 = arith.constant 0 : index
    %get3A_44 = vector.load %arg4[%get3A_42, %get3A_43] : memref<256x128xi32, #tpu.memory_space<vmem>>, vector<256x128xi32>
    %mul3A = arith.constant 27 : i32
    %mul3A_45 = vector.broadcast %mul3A : i32 to vector<256x128xi32>
    %mul3A_46 = arith.muli %get3A_44, %mul3A_45 : vector<256x128xi32>
    %get3A_47 = arith.constant 0 : index
    %get3A_48 = arith.constant 0 : index
    %get3A_49 = vector.load %arg5[%get3A_47, %get3A_48] : memref<256x128xi32, #tpu.memory_space<vmem>>, vector<256x128xi32>
    %add3A_50 = arith.addi %mul3A_46, %get3A_49 : vector<256x128xi32>
    %swap3A_51 = arith.constant 0 : index
    %swap3A_52 = arith.constant 0 : index
    %swap3A_53 = vector.load %arg7[%swap3A_51, %swap3A_52] : memref<256x128xi32, #tpu.memory_space<vmem>>, vector<256x128xi32>
    tpu.vector_store %arg7[%swap3A_51, %swap3A_52], %add3A_50 {strides = array<i32>} : memref<256x128xi32, #tpu.memory_space<vmem>>, vector<256x128xi32>,
    return
  }
  func.func @transform_0(%arg0: i32) -> (i32, i32) {
    %c0_i32 = arith.constant 0 : i32
    %c0_i32_0 = arith.constant 0 : i32
    return %arg0, %c0_i32 : i32, i32
  }
  func.func @transform_1(%arg0: i32) -> (i32, i32) {
    %c0_i32 = arith.constant 0 : i32
    %c0_i32_0 = arith.constant 0 : i32
    %c0_i32_1 = arith.constant 0 : i32
    return %c0_i32, %c0_i32_0 : i32, i32
  }
  func.func @transform_2(%arg0: i32) -> (i32, i32) {
    %c0_i32 = arith.constant 0 : i32
    %c0_i32_0 = arith.constant 0 : i32
    %c0_i32_1 = arith.constant 0 : i32
    return %c0_i32, %c0_i32_0 : i32, i32
  }
  func.func @transform_3(%arg0: i32) -> (i32, i32) {
    %c0_i32 = arith.constant 0 : i32
    %c0_i32_0 = arith.constant 0 : i32
    return %arg0, %c0_i32 : i32, i32
  }
  func.func @transform_4(%arg0: i32) -> (i32, i32) {
    %c0_i32 = arith.constant 0 : i32
    %c0_i32_0 = arith.constant 0 : i32
    return %arg0, %c0_i32 : i32, i32
  }
  func.func @transform_5(%arg0: i32) -> (i32, i32) {
    %c0_i32 = arith.constant 0 : i32
    %c0_i32_0 = arith.constant 0 : i32
    return %arg0, %c0_i32 : i32, i32
  }
  func.func @transform_6(%arg0: i32) -> (i32, i32) {
    %c0_i32 = arith.constant 0 : i32
    %c0_i32_0 = arith.constant 0 : i32
    return %arg0, %c0_i32 : i32, i32
  }
}

module attributes {stable_mosaic.version = 14 : i64} {
  func.func @_mm_mid_body(%arg0: i32, %arg1: memref<1x2000x16xf32, #tpu.memory_space<vmem>>, %arg2: memref<1x2000x16xf32, #tpu.memory_space<vmem>>, %arg3: memref<16x216xf32, #tpu.memory_space<vmem>>, %arg4: memref<16x216xf32, #tpu.memory_space<vmem>>, %arg5: memref<2000x216xi32, #tpu.memory_space<vmem>>) attributes {dimension_semantics = [#tpu.dimension_semantics<arbitrary>], iteration_bounds = array<i64: 25>, scalar_prefetch = 0 : i64, scratch_operands = 0 : i64, tpu.core_type = #tpu.core_type<tc>, window_params = [{transform_indices = @transform_0, window_bounds = array<i64: 1, 2000, 16>}, {transform_indices = @transform_1, window_bounds = array<i64: 1, 2000, 16>}, {pipeline_mode = #tpu.pipeline_mode<synchronous>, transform_indices = @transform_2, window_bounds = array<i64: 16, 216>}, {pipeline_mode = #tpu.pipeline_mode<synchronous>, transform_indices = @transform_3, window_bounds = array<i64: 16, 216>}, {transform_indices = @transform_4, window_bounds = array<i64: 2000, 216>}]} {
    %get3A = arith.constant 0 : index
    %get3A_0 = arith.constant 0 : index
    %get3A_1 = arith.constant 0 : index
    %get3A_2 = vector.load %arg1[%get3A, %get3A_0, %get3A_1] : memref<1x2000x16xf32, #tpu.memory_space<vmem>>, vector<1x2000x16xf32>
    %get3A_3 = vector.shape_cast %get3A_2 : vector<1x2000x16xf32> to vector<2000x16xf32>
    %get3A_4 = arith.constant 0 : index
    %get3A_5 = arith.constant 0 : index
    %get3A_6 = arith.constant 0 : index
    %get3A_7 = vector.load %arg2[%get3A_4, %get3A_5, %get3A_6] : memref<1x2000x16xf32, #tpu.memory_space<vmem>>, vector<1x2000x16xf32>
    %get3A_8 = vector.shape_cast %get3A_7 : vector<1x2000x16xf32> to vector<2000x16xf32>
    %add3A = arith.addf %get3A_3, %get3A_8 : vector<2000x16xf32>
    %max3A = arith.constant 0.000000e+00 : f32
    %max3A_9 = vector.broadcast %max3A : f32 to vector<2000x16xf32>
    %max3A_10 = arith.maximumf %add3A, %max3A_9 : vector<2000x16xf32>
    %get3A_11 = arith.constant 0 : index
    %get3A_12 = arith.constant 0 : index
    %get3A_13 = vector.load %arg3[%get3A_11, %get3A_12] : memref<16x216xf32, #tpu.memory_space<vmem>>, vector<16x216xf32>
    %dot_general3A = arith.constant dense<0.000000e+00> : vector<2000x216xf32>
    %dot_general3A_14 = tpu.matmul %max3A_10, %get3A_13, %dot_general3A {dimension_numbers = #tpu.dot_dimension_numbers<[1], [0], [0], [1], [0, 0, 1, 1], [], []>, transpose_lhs_hint = false} : vector<2000x16xf32>, vector<16x216xf32>, vector<2000x216xf32> -> vector<2000x216xf32>
    %get3A_15 = arith.constant 0 : index
    %get3A_16 = arith.constant 0 : index
    %get3A_17 = vector.load %arg4[%get3A_15, %get3A_16] : memref<16x216xf32, #tpu.memory_space<vmem>>, vector<16x216xf32>
    %dot_general3A_18 = arith.constant dense<0.000000e+00> : vector<2000x216xf32>
    %dot_general3A_19 = tpu.matmul %max3A_10, %get3A_17, %dot_general3A_18 {dimension_numbers = #tpu.dot_dimension_numbers<[1], [0], [0], [1], [0, 0, 1, 1], [], []>, transpose_lhs_hint = false} : vector<2000x16xf32>, vector<16x216xf32>, vector<2000x216xf32> -> vector<2000x216xf32>
    %bitcast_convert_type3A = tpu.bitcast %dot_general3A_14 : vector<2000x216xf32> -> vector<2000x216xi32>
    %shift_right_logical3A = arith.constant 16 : i32
    %shift_right_logical3A_20 = vector.broadcast %shift_right_logical3A : i32 to vector<2000x216xi32>
    %shift_right_logical3A_21 = arith.shrui %bitcast_convert_type3A, %shift_right_logical3A_20 : vector<2000x216xi32>
    %and3A = arith.constant 1 : i32
    %and3A_22 = vector.broadcast %and3A : i32 to vector<2000x216xi32>
    %and3A_23 = arith.andi %shift_right_logical3A_21, %and3A_22 : vector<2000x216xi32>
    %add3A_24 = arith.constant 32767 : i32
    %add3A_25 = vector.broadcast %add3A_24 : i32 to vector<2000x216xi32>
    %add3A_26 = arith.addi %bitcast_convert_type3A, %add3A_25 : vector<2000x216xi32>
    %add3A_27 = arith.addi %add3A_26, %and3A_23 : vector<2000x216xi32>
    %shift_right_logical3A_28 = arith.constant 16 : i32
    %shift_right_logical3A_29 = vector.broadcast %shift_right_logical3A_28 : i32 to vector<2000x216xi32>
    %shift_right_logical3A_30 = arith.shrui %add3A_27, %shift_right_logical3A_29 : vector<2000x216xi32>
    %bitcast_convert_type3A_31 = tpu.bitcast %dot_general3A_19 : vector<2000x216xf32> -> vector<2000x216xi32>
    %shift_right_logical3A_32 = arith.constant 16 : i32
    %shift_right_logical3A_33 = vector.broadcast %shift_right_logical3A_32 : i32 to vector<2000x216xi32>
    %shift_right_logical3A_34 = arith.shrui %bitcast_convert_type3A_31, %shift_right_logical3A_33 : vector<2000x216xi32>
    %and3A_35 = arith.constant 1 : i32
    %and3A_36 = vector.broadcast %and3A_35 : i32 to vector<2000x216xi32>
    %and3A_37 = arith.andi %shift_right_logical3A_34, %and3A_36 : vector<2000x216xi32>
    %add3A_38 = arith.constant 32767 : i32
    %add3A_39 = vector.broadcast %add3A_38 : i32 to vector<2000x216xi32>
    %add3A_40 = arith.addi %bitcast_convert_type3A_31, %add3A_39 : vector<2000x216xi32>
    %add3A_41 = arith.addi %add3A_40, %and3A_37 : vector<2000x216xi32>
    %shift_right_logical3A_42 = arith.constant 16 : i32
    %shift_right_logical3A_43 = vector.broadcast %shift_right_logical3A_42 : i32 to vector<2000x216xi32>
    %shift_right_logical3A_44 = arith.shrui %add3A_41, %shift_right_logical3A_43 : vector<2000x216xi32>
    %shift_left3A = arith.constant 16 : i32
    %shift_left3A_45 = vector.broadcast %shift_left3A : i32 to vector<2000x216xi32>
    %shift_left3A_46 = arith.shli %shift_right_logical3A_44, %shift_left3A_45 : vector<2000x216xi32>
    %or3A = arith.ori %shift_right_logical3A_30, %shift_left3A_46 : vector<2000x216xi32>
    %swap3A = arith.constant 0 : index
    %swap3A_47 = arith.constant 0 : index
    %swap3A_48 = vector.load %arg5[%swap3A, %swap3A_47] : memref<2000x216xi32, #tpu.memory_space<vmem>>, vector<2000x216xi32>
    tpu.vector_store %arg5[%swap3A, %swap3A_47], %or3A {strides = array<i32>} : memref<2000x216xi32, #tpu.memory_space<vmem>>, vector<2000x216xi32>,
    return
  }
  func.func @transform_0(%arg0: i32) -> (i32, i32, i32) {
    %c0_i32 = arith.constant 0 : i32
    %c0_i32_0 = arith.constant 0 : i32
    %c0_i32_1 = arith.constant 0 : i32
    return %c0_i32, %arg0, %c0_i32_0 : i32, i32, i32
  }
  func.func @transform_1(%arg0: i32) -> (i32, i32, i32) {
    %c1_i32 = arith.constant 1 : i32
    %c0_i32 = arith.constant 0 : i32
    %c0_i32_0 = arith.constant 0 : i32
    return %c1_i32, %arg0, %c0_i32 : i32, i32, i32
  }
  func.func @transform_2(%arg0: i32) -> (i32, i32) {
    %c0_i32 = arith.constant 0 : i32
    %c0_i32_0 = arith.constant 0 : i32
    %c0_i32_1 = arith.constant 0 : i32
    return %c0_i32, %c0_i32_0 : i32, i32
  }
  func.func @transform_3(%arg0: i32) -> (i32, i32) {
    %c0_i32 = arith.constant 0 : i32
    %c0_i32_0 = arith.constant 0 : i32
    %c0_i32_1 = arith.constant 0 : i32
    return %c0_i32, %c0_i32_0 : i32, i32
  }
  func.func @transform_4(%arg0: i32) -> (i32, i32) {
    %c0_i32 = arith.constant 0 : i32
    %c0_i32_0 = arith.constant 0 : i32
    return %arg0, %c0_i32 : i32, i32
  }
}

module attributes {stable_mosaic.version = 14 : i64} {
  func.func @_final_body(%arg0: i32, %arg1: memref<1x2000x16xf32, #tpu.memory_space<vmem>>, %arg2: memref<1x2000x16xf32, #tpu.memory_space<vmem>>, %arg3: memref<2000x16xf32, #tpu.memory_space<vmem>>) attributes {dimension_semantics = [#tpu.dimension_semantics<arbitrary>], iteration_bounds = array<i64: 25>, scalar_prefetch = 0 : i64, scratch_operands = 0 : i64, tpu.core_type = #tpu.core_type<tc>, window_params = [{transform_indices = @transform_0, window_bounds = array<i64: 1, 2000, 16>}, {transform_indices = @transform_1, window_bounds = array<i64: 1, 2000, 16>}, {transform_indices = @transform_2, window_bounds = array<i64: 2000, 16>}]} {
    %get3A = arith.constant 0 : index
    %get3A_0 = arith.constant 0 : index
    %get3A_1 = arith.constant 0 : index
    %get3A_2 = vector.load %arg1[%get3A, %get3A_0, %get3A_1] : memref<1x2000x16xf32, #tpu.memory_space<vmem>>, vector<1x2000x16xf32>
    %get3A_3 = vector.shape_cast %get3A_2 : vector<1x2000x16xf32> to vector<2000x16xf32>
    %get3A_4 = arith.constant 0 : index
    %get3A_5 = arith.constant 0 : index
    %get3A_6 = arith.constant 0 : index
    %get3A_7 = vector.load %arg2[%get3A_4, %get3A_5, %get3A_6] : memref<1x2000x16xf32, #tpu.memory_space<vmem>>, vector<1x2000x16xf32>
    %get3A_8 = vector.shape_cast %get3A_7 : vector<1x2000x16xf32> to vector<2000x16xf32>
    %add3A = arith.addf %get3A_3, %get3A_8 : vector<2000x16xf32>
    %max3A = arith.constant 0.000000e+00 : f32
    %max3A_9 = vector.broadcast %max3A : f32 to vector<2000x16xf32>
    %max3A_10 = arith.maximumf %add3A, %max3A_9 : vector<2000x16xf32>
    %swap3A = arith.constant 0 : index
    %swap3A_11 = arith.constant 0 : index
    %swap3A_12 = vector.load %arg3[%swap3A, %swap3A_11] : memref<2000x16xf32, #tpu.memory_space<vmem>>, vector<2000x16xf32>
    tpu.vector_store %arg3[%swap3A, %swap3A_11], %max3A_10 {strides = array<i32>} : memref<2000x16xf32, #tpu.memory_space<vmem>>, vector<2000x16xf32>,
    return
  }
  func.func @transform_0(%arg0: i32) -> (i32, i32, i32) {
    %c0_i32 = arith.constant 0 : i32
    %c0_i32_0 = arith.constant 0 : i32
    %c0_i32_1 = arith.constant 0 : i32
    return %c0_i32, %arg0, %c0_i32_0 : i32, i32, i32
  }
  func.func @transform_1(%arg0: i32) -> (i32, i32, i32) {
    %c1_i32 = arith.constant 1 : i32
    %c0_i32 = arith.constant 0 : i32
    %c0_i32_0 = arith.constant 0 : i32
    return %c1_i32, %arg0, %c0_i32 : i32, i32, i32
  }
  func.func @transform_2(%arg0: i32) -> (i32, i32) {
    %c0_i32 = arith.constant 0 : i32
    %c0_i32_0 = arith.constant 0 : i32
    return %arg0, %c0_i32 : i32, i32
  }
}

</mosaic_0001>

<sc_bundles>
// kernel: kernel.10.cloned.1.call-start
scs
__scs_entry_jumppad:
0x0: {  	(pc) =	sbr.rel $0x88, $3  }
0x1: {  	(tag) =	ssettag $0x0;
	lr =	simm.s32 $0x1  }
0x2: {  	[smem:$0x3F9C] =	sst lr;
	_ =	strace $0xD0000000  }
0x3: {  	_ = 	snop  }
0x4: {  	_ = 	snop  }
0x5: {  	_ = 	snop  }
0x6: {  	_ = 	snop  }
0x7: {  	_ = 	snop  }
__scs_overlays_trampoline_lowered:
0x8: {  	[smem:$0x3FAB] =	sst s0  }
0x9: {  	[smem:$0x3FAC] =	sst s1  }
0xa: {  	[smem:$0x3FAD] =	sst s2  }
0xb: {  	[smem:$0x3FAE] =	sst s3  }
0xc: {  	[smem:$0x3FAF] =	sst s4  }
0xd: {  	[smem:$0x3FB0] =	sst s5  }
0xe: {  	[smem:$0x3FB1] =	sst s6  }
0xf: {  	[smem:$0x3FB2] =	sst s7  }
0x10: {  	[smem:$0x3FB3] =	sst s8  }
0x11: {  	[smem:$0x3FB4] =	sst s9;
	s0 =	simm.s32 @!p0 $0x0  }
0x12: {  	s1 =	sld [smem:$0x3F9A];
	s0 =	simm.s32 @p0 $0x1  }
0x13: {  	[smem:$0x3FB5] =	sst s0;
	s0 =	simm.s32 @!p1 $0x0  }
0x14: {  	s2 =	sld [smem:$0x3F99];
	s0 =	simm.s32 @p1 $0x1  }
0x15: {  	[smem:$0x3FB6] =	sst s0;
	s0 =	simm.s32 @!p2 $0x0  }
0x16: {  	s3 =	sld [smem:$0x3FDB];
	s0 =	simm.s32 @p2 $0x1  }
0x17: {  	s4 =	simm.s32 $0x1BF5;
	[smem:$0x3FB8] =	sst s0  }
0x18: {  	s0 =	sld [smem:$0x3F9B];
	_ =	swait.ge [sflag:s4], $0x0  }
0x19: {  	s7 =	sld [smem:$0x3F9C]  }
0x1a: {  	s8 =	sadd.s32 $0xFFFFE003, lr  }
0x1b: {  	s9 =	sadd.s32 $0xFFFFFEF7, lr;
	s5 =	simm.s32 $0xFFFFFFFF;
	p2 =	slt.u32 s8, $0xFFFFF086  }
0x1c: {  	p1 =	slt.u32 s9, $0xF7A;
	s5 =	simm.s32 @!p2 $0x0  }
0x1d: {  	s5 =	simm.s32 @p1 $0x1;
	p0 =	seq.s32 s7, s2  }
0x1e: {  	s7 =	smul.u32 @!p0 $0xF7A, s2;
	p2 =	seq.s32 @!p0 s5, $0x0  }
0x1f: {  	s9 =	smul.u32 $0xF7A, s1;
	s8 =	simm.s32 @!p0 $0x1BF5;
	p2 =	por !p2, p0  }
0x20: {  	[sflag:s8] =	ssyncset.s32 @!p0 $0xFFFFF086;
	s6 =	sadd.s32 @!p0 s3, s7;
	s7 =	simm.s32 @!p0 $0x108  }
0x21: {  	s3 =	sadd.s32 s3, s9;
	s6 =	sadd.s32 @!p0 $0x88, s6;
	s7 =	simm.s32 @p2 $0x1082  }
0x22: {  	[simem:s7], [sflag:s8] =	dma.local @!p0 [hbm:s6], $0xF7A  }
0x23: {  	s9 =	sor.u32 $0xD0000000, s2;
	s6 =	simm.s32 $0x108;
	_ =	swait.ge @!p0 [sflag:s8], $0x0  }
0x24: {  	s3 =	sadd.s32 $0x88, s3;
	s6 =	simm.s32 @!p1 $0x1082;
	[sflag:s4] =	ssyncset.s32 $0xFFFFF086  }
0x25: {  	[simem:s6], [sflag:s4] =	dma.local [hbm:s3], $0xF7A  }
0x26: {  	[smem:$0x3F9C] =	sst s1;
	(tag) =	ssettag s2;
	_ =	strace s9  }
0x27: {  	s1 =	sld [smem:$0x3FAC]  }
0x28: {  	s2 =	sld [smem:$0x3FAD]  }
0x29: {  	s4 =	sld [smem:$0x3FAF]  }
0x2a: {  	p0 =	seq.s32 s5, $0x0;
	s5 =	sld [smem:$0x3FB0]  }
0x2b: {  	s6 =	sld [smem:$0x3FB1]  }
0x2c: {  	s7 =	sld [smem:$0x3FB2]  }
0x2d: {  	s3 =	simm.s32 $0x108;
	s8 =	sld [smem:$0x3FB3]  }
0x2e: {  	s3 =	simm.s32 @!p0 $0x1082;
	s9 =	sld [smem:$0x3FB4]  }
0x2f: {  	lr =	sadd.s32 s0, s3;
	s0 =	sld [smem:$0x3FAB]  }
0x30: {  	s3 =	sld [smem:$0x3FAE]  }
0x31: {  	[smem:$0x3FB7] =	sst s10  }
0x32: {  	s10 =	sld [smem:$0x3FB5];
	_ =	sdelay $0x3  }
0x33: {  	p0 =	seq.s32 s10, $0x1;
	s10 =	sld [smem:$0x3FB7];
	_ =	sdelay $0x3  }
0x34: {  	[smem:$0x3FB7] =	sst s10  }
0x35: {  	s10 =	sld [smem:$0x3FB6];
	_ =	sdelay $0x3  }
0x36: {  	p1 =	seq.s32 s10, $0x1;
	s10 =	sld [smem:$0x3FB7];
	_ =	sdelay $0x3  }
0x37: {  	[smem:$0x3FB7] =	sst s10  }
0x38: {  	s10 =	sld [smem:$0x3FB8]  }
0x39: {  	_ = 	snop;
	(pc) =	sbr.ind lr, $3  }
0x3a: {  	_ = 	snop  }
0x3b: {  	_ = 	snop  }
0x3c: {  	p2 =	seq.s32 s10, $0x1;
	s10 =	sld [smem:$0x3FB7]  }
0x3d: {  	_ =	shalt  }
0x3e: {  	_ =	shalt  }
0x3f: {  	_ =	shalt  }
0x40: {  	_ =	shalt  }
0x41: {  	_ =	shalt  }
0x42: {  	_ =	shalt  }
0x43: {  	_ =	shalt  }
0x44: {  	_ =	shalt  }
0x45: {  	_ =	shalt  }
0x46: {  	_ =	shalt  }
0x47: {  	_ =	shalt  }
0x48: {  	_ =	shalt  }
0x49: {  	_ =	shalt  }
0x4a: {  	_ =	shalt  }
0x4b: {  	_ =	shalt  }
0x4c: {  	_ =	shalt  }
0x4d: {  	_ =	shalt  }
0x4e: {  	_ =	shalt  }
0x4f: {  	_ =	shalt  }
0x50: {  	_ =	shalt  }
0x51: {  	_ =	shalt  }
0x52: {  	_ =	shalt  }
0x53: {  	_ =	shalt  }
0x54: {  	_ =	shalt  }
0x55: {  	_ =	shalt  }
0x56: {  	_ =	shalt  }
0x57: {  	_ =	shalt  }
0x58: {  	_ =	shalt  }
0x59: {  	_ =	shalt  }
0x5a: {  	_ =	shalt  }
0x5b: {  	_ =	shalt  }
0x5c: {  	_ =	shalt  }
0x5d: {  	_ =	shalt  }
0x5e: {  	_ =	shalt  }
0x5f: {  	_ =	shalt  }
0x60: {  	_ =	shalt  }
0x61: {  	_ =	shalt  }
0x62: {  	_ =	shalt  }
0x63: {  	_ =	shalt  }
0x64: {  	_ =	shalt  }
0x65: {  	_ =	shalt  }
0x66: {  	_ =	shalt  }
0x67: {  	_ =	shalt  }
0x68: {  	_ =	shalt  }
0x69: {  	_ =	shalt  }
0x6a: {  	_ =	shalt  }
0x6b: {  	_ =	shalt  }
0x6c: {  	_ =	shalt  }
0x6d: {  	_ =	shalt  }
0x6e: {  	_ =	shalt  }
0x6f: {  	_ =	shalt  }
0x70: {  	_ =	shalt  }
0x71: {  	_ =	shalt  }
0x72: {  	_ =	shalt  }
0x73: {  	_ =	shalt  }
0x74: {  	_ =	shalt  }
0x75: {  	_ =	shalt  }
0x76: {  	_ =	shalt  }
0x77: {  	_ =	shalt  }
0x78: {  	_ =	shalt  }
0x79: {  	_ =	shalt  }
0x7a: {  	_ =	shalt  }
0x7b: {  	_ =	shalt  }
0x7c: {  	_ =	shalt  }
0x7d: {  	_ =	shalt  }
0x7e: {  	_ =	shalt  }
0x7f: {  	_ =	shalt  }
0x80: {  	_ =	shalt  }
0x81: {  	_ =	shalt  }
0x82: {  	_ =	shalt  }
0x83: {  	_ =	shalt  }
0x84: {  	_ =	shalt  }
0x85: {  	_ =	shalt  }
0x86: {  	_ =	shalt  }
0x87: {  	_ =	shalt  }
.Lfunc_end0:
.L_simem_size_0:
called_computation.1_lowered:
.L_overlay_start_0:
0x88: {  	s2 =	sld [smem:$0x3FD9]  }
0x89: {  	s3 =	sld [smem:$0x3FFE];
	_ =	sdelay $0x1  }
0x8a: {  	s1 =	srdreg.scid  }
0x8b: {  	s0 =	sand.u32 $0x1, s1  }
0x8c: {  	s17 =	sshll.u32 s0, $0xA;
	s2 =	sadd.s32 s3, s2  }
0x8d: {  	s2 =	sadd.s32 s2, s17  }
0x8e: {  	[smem:$0x3FC3] =	sst s2  }
0x8f: {  	_ = 	snop  }
0x90: {  	s2 =	sld [smem:$0x3FD0];
	(tm) =	ssettm $0x1  }
0x91: {  	s18 =	sld [smem:$0x3FFB];
	_ =	sdelay $0x3  }
0x92: {  	_ =	strace s18  }
0x93: {  	s3 =	sld [smem:$0x3FFC];
	_ =	sdelay $0x3  }
0x94: {  	_ =	strace s3  }
0x95: {  	s3 =	sld [smem:$0x3FFD];
	_ =	sdelay $0x3  }
0x96: {  	_ =	strace s3  }
0x97: {  	_ =	strace $0x8FFFFFFF  }
0x98: {  	s19 =	sld [smem:$0x3FDB];
	_ =	sdelay $0x1  }
0x99: {  	s4 =	simm.s32 $_scs_section_size  }
0x9a: {  	s5 =	simm.s32 $_size__tile_overlayer_lowered;
	s6 =	simm.s32 $_tile_overlayer_lowered  }
0x9b: {  	s22 =	simm.s32 $0x1BFF;
	s21 =	sshll.u32 s6, $0x1;
	s3 =	sadd.s32 s4, s19  }
0x9c: {  	s7 =	simm.s32 $0x0;
	s20 =	sshll.u32 s5, $0x1;
	s5 =	sadd.s32 s21, s3  }
0x9d: {  	[timem:s7], [sflag:s22] =	dma.local [hbm:s5], s20  }
0x9e: {  	_ =	swait.ge [sflag:s22], s20  }
0x9f: {  	s4 =	ssub.s32 $0x0, s20;
	[sflag:s22] =	ssyncset.done $0x0  }
0xa0: {  	[sflag:s22] =	ssyncadd.s32 s4;
	_ =	sdelay $0x1  }
0xa1: {  	s23 =	simm.s32 $0x1B8B  }
0xa2: {  	_ =	swait.ge [sflag:s23], $0x1  }
0xa3: {  	[sflag:s23] =	ssyncset.done $0x0  }
0xa4: {  	s25 =	simm.s32 $0x1B8E;
	s24 =	sld [smem:$0x3FFE];
	[sflag:s23] =	ssyncadd.s32 $0xFFFFFFFF  }
0xa5: {  	s26 =	simm.s32 $execute0_lowered;
	[smem:$0x3FD2] =	sst s25  }
0xa6: {  	s5 =	sshll.u32 s26, $0x1;
	_ =	strace $0x80000049;
	[dreg:$0x1] =	wrdreg $0xFFFFFFFF  }
0xa7: {  	s28 =	simm.s32 $_size_execute0_lowered;
	s3 =	sadd.s32 s3, s5;
	[dreg:$0x0] =	wrdreg $0x0  }
0xa8: {  	s5 =	sshll.u32 s28, $0x1;
	[dreg:$0x2] =	wrdreg s3  }
0xa9: {  	[dreg:$0x3] =	wrdreg s5  }
0xaa: {  	[dreg:$0x4] =	wrdreg $0xC0  }
0xab: {  	_ =	task [dreg:s7], $0x5FFFF  }
0xac: {  	[dreg:$0x1] =	wrdreg $0xFFFFFFFF  }
0xad: {  	[dreg:$0x0] =	wrdreg $0x60  }
0xae: {  	[dreg:$0x2] =	wrdreg s24  }
0xaf: {  	[dreg:$0x3] =	wrdreg s2  }
0xb0: {  	[dreg:$0x4] =	wrdreg $0x0  }
0xb1: {  	[dreg:$0x5] =	wrdreg $0x9  }
0xb2: {  	_ =	task.clear_ibuf [dreg:s7], $0x6FFFF;
	_ =	strace $0x90000049  }
0xb3: {  	s29 =	simm.s32 $0x9;
	_ =	strace $0x8000004B  }
0xb4: {  	_ =	swait.ge [sflag:s29], $0x1  }
0xb5: {  	[sflag:s29] =	ssyncadd.s32 $0xFFFFFFFF  }
0xb6: {  	_ =	strace $0x9000004B  }
0xb7: {  	_ =	sfence  }
0xb8: {  	s30 =	sld [smem:$0x0];
	_ =	sdelay $0x2  }
0xb9: {  	s31 =	sshll.u32 s1, $0xD;
	s1 =	sshrl.u32 s1, $0x2  }
0xba: {  	s3 =	sand.u32 $0x4000, s31;
	s1 =	sadd.s32 s1, s30  }
0xbb: {  	s0 =	sor.u32 s3, s0;
	s1 =	sshll.u32 s1, $0x11  }
0xbc: {  	s0 =	sor.u32 s1, s0  }
0xbd: {  	s0 =	sadd.s32 $0x8F2B, s0  }
0xbe: {  	[sflag:s0] =	ssyncadd.remote.s32 $0x1  }
0xbf: {  	_ =	sfence.sel $0xFFFF  }
0xc0: {  	[dreg:$0x0] =	wrdreg $0xFFFFFFFF;
	(pc) =	sbr.abs _section_cstart, $3  }
0xc1: {  	[dreg:$0x1] =	wrdreg $0xFFFFFFFF  }
0xc2: {  	_ =	task.clear_ibuf [dreg:s7], $0x2FFFF;
	_ =	strace $0x9FFFFFFF  }
0xc3: {  	(tm) =	ssettm $0x7FFFFFFF  }
tec
execute0_lowered:
.L_overlay_start_1:
0x0: {  	(tag) =	ssettag $0x1  }
0x1: {  	s0 =	rddreg [dreg:$0x0]  }
0x2: {  	s1 =	rddreg [dreg:$0x1]  }
0x3: {  	s2 =	rddreg [dreg:$0x2];
	s3 =	srdreg.scid  }
0x4: {  	s8 =	stileid.u32;
	s7 =	simm.s32 $0x0;
	s12 =	simm.s32 $0x5  }
0x5: {  	s15 =	simm.s32 $0x80;
	s16 =	simm.s32 $0x18B80;
	s28 =	simm.s32 $0x1  }
0x6: {  	s29 =	simm.s32 $0x1AB80;
	s30 =	simm.s32 $0x1B380;
	s31 =	simm.s32 $0x1BB80  }
0x7: {  	s14 =	simm.s32 $0x1CB80;
	s17 =	simm.s32 $0x3;
	s18 =	simm.s32 $0x1D380  }
0x8: {  	s19 =	simm.s32 $0x1DB80;
	s3 =	sand.u32 $0x1, s3;
	s5 =	smul.u32 $0xC380, s8  }
0x9: {  	[smem:$0x7FF] =	sst s7;
	s4 =	sshll.u32 s3, $0x4;
	s6 =	smul.u32 $0xC3800, s3  }
0xa: {  	_ =	strace $0x8000004A;
	s3 =	ssub.s32 $0x2, s3;
	s4 =	sor.u32 s8, s4  }
0xb: {  	s22 =	sshrl.u32 s3, $0x1;
	s23 =	sshrl.u32 s5, $0x3;
	s8 =	sshll.u32 s8, $0x6  }
0xc: {  	s21 =	smul.u32 $0xC80, s4;
	s6 =	sadd.s32 s5, s6;
	s4 =	sadd.s32 $0x32C00, s0  }
0xd: {  	s3 =	ssub.s32 s3, s22;
	s5 =	sadd.s32 s5, s2;
	s1 =	sadd.s32 s1, s23  }
0xe: {  	s6 =	sshrl.u32 s6, $0x3;
	[dreg:$0x4] =	wrdreg s1;
	s26 =	smax.u32 s3, $0x1  }
0xf: {  	s5 =	sshrl.u32 s5, $0x3;
	s7 =	sadd.s32 s21, s0;
	[dreg:$0x9] =	wrdreg s26  }
0x10: {  	s0 =	sadd.s32 s6, s0;
	s6 =	sor.u32 $0x1C05, s8;
	[dreg:$0xa] =	wrdreg s5  }
0x11: {  	v2 =	vlaneseq.u32;
	s20 =	simm.s32 $0x1E380;
	s24 =	sadd.s32 $0xC00, s7;
	[dreg:$0x5] =	wrdreg s6  }
0x12: {  	v0 =	vand.u32 $0x7, v2;
	s23 =	simm.s32 $0x19B80;
	s25 =	sadd.s32 $0x19C00, s7;
	[dreg:$0x6] =	wrdreg s24  }
0x13: {  	v1 =	vmul.u32 $0x2, v0;
	s22 =	simm.s32 $0x0;
	s0 =	sadd.s32 $0x17C600, s0;
	[dreg:$0x7] =	wrdreg s25  }
0x14: {  	s1 =	simm.s32 $0x2;
	s26 =	simm.s32 $0x1A780;
	[dreg:$0x8] =	wrdreg s0  }
0x15: {  	v2 =	vshrl.u32 v2, $0x3;
	v3 =	vor.u32 $0x1, v1;
	s24 =	simm.s32 $0x19F80;
	s25 =	simm.s32 $0x1A380;
	s0 =	simm.s32 $0x1C380  }
.LBB2_1:
0x16: {  	s3 =	rddreg [dreg:$0x4]  }
0x17: {  	[spmem:s5], [sflag:s6] =	dma.local [hbm:s3], $0x1870  }
0x18: {  	_ =	swait.ge [sflag:s12], $0x1870  }
0x19: {  	s10 =	simm.s32 $0x0;
	[sflag:s12] =	ssyncset.done $0x0  }
0x1a: {  	s13 =	simm.s32 $0xC380;
	s11 =	rddreg [dreg:$0x6];
	[sflag:s12] =	ssyncadd.s32 $0xFFFFE790  }
0x1b: {  	[tilespmem:s13], [sflag:$0x5] =	stream.linear.gather [hbm4b:s11+s10], $0x6400, $0x38;
	[tilespmem:$0x1EB80] =	vst v63  }
0x1c: {  	_ =	swait.ge [sflag:s12], $0x6400  }
0x1d: {  	[sflag:s12] =	ssyncset.done $0x0  }
0x1e: {  	s7 =	simm.s32 $0x12780;
	s21 =	rddreg [dreg:$0x7];
	[sflag:s12] =	ssyncadd.s32 $0xFFFF9C00  }
0x1f: {  	[tilespmem:s7], [sflag:$0x5] =	stream.linear.gather [hbm4b:s21+s10], $0x6400, $0x38;
	[tilespmem:$0x1EB80] =	vst v63  }
0x20: {  	_ =	swait.ge [sflag:s12], $0x6400  }
0x21: {  	[sflag:s12] =	ssyncset.done $0x0  }
0x22: {  	[sflag:s12] =	ssyncadd.s32 $0xFFFF9C00  }
0x23: {  	[bflag:$0x0] =	sbarrier.arrive $0xFFFF  }
0x24: {  	[tilespmem:s16], [sflag:$0x1] =	stream.indirect.gather [hbm4b:s4+s15], $0x8, s13, s15, $0xb8;
	[tilespmem:$0x1EB80] =	vst v63  }
0x25: {  	s8 =	simm.s32 $0xC400;
	s9 =	simm.s32 $0x18F80  }
0x26: {  	[tilespmem:s9], [sflag:$0x1] =	stream.indirect.gather [hbm4b:s4+s15], $0x8, s8, s15, $0xb8;
	[tilespmem:$0x1EB80] =	vst v63  }
0x27: {  	s11 =	simm.s32 $0x19380;
	s10 =	simm.s32 $0xC480  }
0x28: {  	[tilespmem:s11], [sflag:$0x1] =	stream.indirect.gather [hbm4b:s4+s15], $0x8, s10, s15, $0xb8;
	[tilespmem:$0x1EB80] =	vst v63  }
0x29: {  	s3 =	simm.s32 $0x0;
	s21 =	simm.s32 $0x19780;
	s13 =	simm.s32 $0xC500  }
0x2a: {  	[tilespmem:s21], [sflag:$0x1] =	stream.indirect.gather [hbm4b:s4+s15], $0x8, s13, s15, $0xb8;
	[tilespmem:$0x1EB80] =	vst v63  }
.LBB2_2:
0x2b: {  	p0 =	seq.s32 s3, $0x0  }
0x2c: {  	s5 =	simm.s32 @!p0 $0x4  }
0x2d: {  	_ =	swait.ge @!p0 [sflag:s5], $0x2000  }
0x2e: {  	s7 =	sshll.u32 s3, $0xA;
	[sflag:s5] =	ssyncset.done @!p0 $0x0  }
0x2f: {  	s6 =	sadd.s32 $0xC580, s7;
	[sflag:s5] =	ssyncadd.s32 @!p0 $0xFFFFE000  }
0x30: {  	[tilespmem:s23], [sflag:$0x2] =	stream.indirect.gather [hbm4b:s4+s15], $0x8, s6, s15, $0xb8;
	[tilespmem:$0x1EB80] =	vst v63  }
0x31: {  	s9 =	simm.s32 $0x0;
	s8 =	sadd.s32 $0xC600, s7  }
0x32: {  	[tilespmem:s24], [sflag:$0x2] =	stream.indirect.gather [hbm4b:s4+s15], $0x8, s8, s15, $0xb8;
	[tilespmem:$0x1EB80] =	vst v63  }
0x33: {  	v4 =	vor.u32 s9, v2;
	s8 =	sadd.s32 $0xC680, s7  }
0x34: {  	v5 =	vshll.u32 v4, $0x3;
	[tilespmem:s25], [sflag:$0x2] =	stream.indirect.gather [hbm4b:s4+s15], $0x8, s8, s15, $0xb8;
	[tilespmem:$0x1EB80] =	vst v63  }
0x35: {  	s10 =	sadd.s32 $0xC700, s7;
	v5 =	vor.u32 v0, v5  }
0x36: {  	[tilespmem:s26], [sflag:$0x2] =	stream.indirect.gather [hbm4b:s4+s15], $0x8, s10, s15, $0xb8;
	[tilespmem:$0x1EB80] =	vst v63  }
0x37: {  	_ =	swait.ge [sflag:s28], $0x1000  }
0x38: {  	[sflag:s28] =	ssyncset.done $0x0  }
0x39: {  	[sflag:s28] =	ssyncadd.s32 $0xFFFFF000  }
0x3a: {  	s11 =	simm.s32 $0x2;
	v4 =	vshll.u32 v4, $0x4;
	v5 =	vld.idx.msk [tilespmem:v5+s16+$0x0], $0xffff  }
0x3b: {  	v7 =	vor.u32 s11, v2;
	v6 =	vor.u32 v1, v4  }
0x3c: {  	v8 =	vshll.u32 v7, $0x3;
	v4 =	vor.u32 v3, v4  }
0x3d: {  	v8 =	vor.u32 v0, v8;
	_ =	sdelay $0x1  }
0x3e: {  	v9 =	vshll.u32 v5, $0x10  }
0x3f: {  	v5 =	vand.u32 $0xFFFF0000, v5;
	[tilespmem:v6+s29+$0x0] =	vst.idx.msk $0xffff, v9  }
0x40: {  	[tilespmem:v4+s29+$0x0] =	vst.idx.msk $0xffff, v5  }
0x41: {  	s13 =	simm.s32 $0x4;
	v4 =	vshll.u32 v7, $0x4;
	v5 =	vld.idx.msk [tilespmem:v8+s16+$0x0], $0xffff  }
0x42: {  	v7 =	vor.u32 s13, v2;
	v6 =	vor.u32 v1, v4  }
0x43: {  	v4 =	vor.u32 v3, v4;
	v8 =	vshll.u32 v7, $0x3  }
0x44: {  	v8 =	vor.u32 v0, v8;
	_ =	sdelay $0x1  }
0x45: {  	v61 =	vshll.u32 v5, $0x10  }
0x46: {  	v5 =	vand.u32 $0xFFFF0000, v5;
	[tilespmem:v6+s29+$0x0] =	vst.idx.msk $0xffff, v61  }
0x47: {  	[tilespmem:v4+s29+$0x0] =	vst.idx.msk $0xffff, v5  }
0x48: {  	s21 =	simm.s32 $0x6;
	v4 =	vshll.u32 v7, $0x4;
	v5 =	vld.idx.msk [tilespmem:v8+s16+$0x0], $0xffff  }
0x49: {  	v7 =	vor.u32 s21, v2;
	v6 =	vor.u32 v1, v4  }
0x4a: {  	v4 =	vor.u32 v3, v4;
	v8 =	vshll.u32 v7, $0x3  }
0x4b: {  	v8 =	vor.u32 v0, v8;
	_ =	sdelay $0x1  }
0x4c: {  	v62 =	vshll.u32 v5, $0x10  }
0x4d: {  	v5 =	vand.u32 $0xFFFF0000, v5;
	[tilespmem:v6+s29+$0x0] =	vst.idx.msk $0xffff, v62  }
0x4e: {  	[tilespmem:v4+s29+$0x0] =	vst.idx.msk $0xffff, v5  }
0x4f: {  	s9 =	simm.s32 $0x8;
	v5 =	vshll.u32 v7, $0x4;
	v7 =	vld.idx.msk [tilespmem:v8+s16+$0x0], $0xffff  }
0x50: {  	v4 =	vor.u32 s9, v2;
	v8 =	vor.u32 v1, v5  }
0x51: {  	v63 =	vshll.u32 v4, $0x3;
	v6 =	vor.u32 v3, v5  }
0x52: {  	v5 =	vor.u32 v0, v63;
	_ =	sdelay $0x1  }
0x53: {  	s5 =	sor.u32 $0x200, s7;
	s8 =	sor.u32 $0x300, s7;
	v10 =	vshll.u32 v7, $0x10  }
0x54: {  	s10 =	simm.s32 $0x10;
	s13 =	sor.u32 $0x280, s7;
	s7 =	sor.u32 $0x380, s7;
	v4 =	vshll.u32 v4, $0x4;
	v7 =	vand.u32 $0xFFFF0000, v7;
	[tilespmem:v8+s29+$0x0] =	vst.idx.msk $0xffff, v10  }
.LBB2_3:
0x55: {  	p0 =	sne.s32 s10, $0x1F8;
	[tilespmem:v6+s29+$0x0] =	vst.idx.msk $0xffff, v7;
	s21 =	smov.u32 s10;
	s10 =	sadd.s32 $0x8, s10  }
0x56: {  	v5 =	vld.idx.msk [tilespmem:v5+s16+$0x0], $0xffff  }
0x57: {  	s6 =	sadd.s32 $0x2, s9  }
0x58: {  	v6 =	vor.u32 v1, v4;
	v7 =	vor.u32 s6, v2  }
0x59: {  	v4 =	vor.u32 v3, v4;
	v8 =	vshll.u32 v7, $0x3;
	v7 =	vshll.u32 v7, $0x4  }
0x5a: {  	v8 =	vor.u32 v0, v8;
	_ =	sdelay $0x1  }
0x5b: {  	v9 =	vshll.u32 v5, $0x10  }
0x5c: {  	v5 =	vand.u32 $0xFFFF0000, v5;
	[tilespmem:v6+s29+$0x0] =	vst.idx.msk $0xffff, v9  }
0x5d: {  	[tilespmem:v4+s29+$0x0] =	vst.idx.msk $0xffff, v5  }
0x5e: {  	v4 =	vld.idx.msk [tilespmem:v8+s16+$0x0], $0xffff  }
0x5f: {  	s6 =	sadd.s32 $0x4, s9  }
0x60: {  	v6 =	vor.u32 s6, v2;
	v5 =	vor.u32 v1, v7  }
0x61: {  	v7 =	vor.u32 v3, v7;
	v8 =	vshll.u32 v6, $0x3;
	v6 =	vshll.u32 v6, $0x4  }
0x62: {  	v8 =	vor.u32 v0, v8;
	_ =	sdelay $0x1  }
0x63: {  	v9 =	vshll.u32 v4, $0x10  }
0x64: {  	v4 =	vand.u32 $0xFFFF0000, v4;
	[tilespmem:v5+s29+$0x0] =	vst.idx.msk $0xffff, v9  }
0x65: {  	[tilespmem:v7+s29+$0x0] =	vst.idx.msk $0xffff, v4  }
0x66: {  	v4 =	vld.idx.msk [tilespmem:v8+s16+$0x0], $0xffff  }
0x67: {  	s6 =	sadd.s32 $0x6, s9;
	s9 =	smov.u32 s21  }
0x68: {  	v5 =	vor.u32 v1, v6;
	v7 =	vor.u32 s6, v2  }
0x69: {  	v6 =	vor.u32 v3, v6;
	v8 =	vshll.u32 v7, $0x3;
	v7 =	vshll.u32 v7, $0x4  }
0x6a: {  	v8 =	vor.u32 v0, v8;
	_ =	sdelay $0x1  }
0x6b: {  	v9 =	vshll.u32 v4, $0x10  }
0x6c: {  	v4 =	vand.u32 $0xFFFF0000, v4;
	[tilespmem:v5+s29+$0x0] =	vst.idx.msk $0xffff, v9  }
0x6d: {  	[tilespmem:v6+s29+$0x0] =	vst.idx.msk $0xffff, v4  }
0x6e: {  	v8 =	vld.idx.msk [tilespmem:v8+s16+$0x0], $0xffff;
	_ =	sdelay $0x1  }
0x6f: {  	v9 =	vor.u32 v1, v7;
	v4 =	vor.u32 s9, v2  }
.Ltmp0:
0x70: {  	v6 =	vor.u32 v3, v7;
	v5 =	vshll.u32 v4, $0x3;
	v4 =	vshll.u32 v4, $0x4;
	(pc) =	sbr.rel @p0 .LBB2_3-.Ltmp0, $3  }
0x71: {  	v5 =	vor.u32 v0, v5;
	_ =	sdelay $0x1  }
0x72: {  	v10 =	vshll.u32 v8, $0x10  }
0x73: {  	v7 =	vand.u32 $0xFFFF0000, v8;
	[tilespmem:v9+s29+$0x0] =	vst.idx.msk $0xffff, v10  }
0x74: {  	_ =	sdelay $0x3  }
0x75: {  	[tilespmem:v6+s29+$0x0] =	vst.idx.msk $0xffff, v7  }
0x76: {  	s6 =	sadd.s32 $0x2, s9;
	v5 =	vld.idx.msk [tilespmem:v5+s16+$0x0], $0xffff  }
0x77: {  	v6 =	vor.u32 v1, v4;
	v7 =	vor.u32 s6, v2  }
0x78: {  	v4 =	vor.u32 v3, v4;
	v8 =	vshll.u32 v7, $0x3  }
0x79: {  	v8 =	vor.u32 v0, v8;
	_ =	sdelay $0x1  }
0x7a: {  	v9 =	vshll.u32 v5, $0x10  }
0x7b: {  	v5 =	vand.u32 $0xFFFF0000, v5;
	[tilespmem:v6+s29+$0x0] =	vst.idx.msk $0xffff, v9  }
0x7c: {  	[tilespmem:v4+s29+$0x0] =	vst.idx.msk $0xffff, v5  }
0x7d: {  	s10 =	sadd.s32 $0x4, s9;
	v4 =	vshll.u32 v7, $0x4;
	v5 =	vld.idx.msk [tilespmem:v8+s16+$0x0], $0xffff  }
0x7e: {  	v7 =	vor.u32 s10, v2;
	v6 =	vor.u32 v1, v4  }
0x7f: {  	v4 =	vor.u32 v3, v4;
	v8 =	vshll.u32 v7, $0x3  }
0x80: {  	v8 =	vor.u32 v0, v8;
	_ =	sdelay $0x1  }
0x81: {  	v58 =	vshll.u32 v5, $0x10  }
0x82: {  	v5 =	vand.u32 $0xFFFF0000, v5;
	[tilespmem:v6+s29+$0x0] =	vst.idx.msk $0xffff, v58  }
0x83: {  	[tilespmem:v4+s29+$0x0] =	vst.idx.msk $0xffff, v5  }
0x84: {  	s11 =	sadd.s32 $0x6, s9;
	v4 =	vshll.u32 v7, $0x4;
	v5 =	vld.idx.msk [tilespmem:v8+s16+$0x0], $0xffff  }
0x85: {  	v7 =	vor.u32 s11, v2;
	v6 =	vor.u32 v1, v4  }
0x86: {  	v4 =	vor.u32 v3, v4;
	v8 =	vshll.u32 v7, $0x3  }
0x87: {  	v8 =	vor.u32 v0, v8;
	_ =	sdelay $0x1  }
0x88: {  	v59 =	vshll.u32 v5, $0x10  }
0x89: {  	v5 =	vand.u32 $0xFFFF0000, v5;
	[tilespmem:v6+s29+$0x0] =	vst.idx.msk $0xffff, v59  }
0x8a: {  	[tilespmem:v4+s29+$0x0] =	vst.idx.msk $0xffff, v5  }
0x8b: {  	v4 =	vshll.u32 v7, $0x4;
	v5 =	vld.idx.msk [tilespmem:v8+s16+$0x0], $0xffff  }
0x8c: {  	v6 =	vor.u32 v1, v4  }
0x8d: {  	v4 =	vor.u32 v3, v4;
	_ =	sdelay $0x2  }
0x8e: {  	s9 =	sshll.u32 s3, $0xC;
	v7 =	vshll.u32 v5, $0x10  }
0x8f: {  	s6 =	sshrl.u32 s9, $0x2;
	v5 =	vand.u32 $0xFFFF0000, v5;
	[tilespmem:v6+s29+$0x0] =	vst.idx.msk $0xffff, v7  }
0x90: {  	s10 =	sadd.s32 $0x12780, s6;
	[tilespmem:v4+s29+$0x0] =	vst.idx.msk $0xffff, v5  }
0x91: {  	[spmem:s2] =	stream.indirect.scatter.add.f32 [tilespmem:s29], [sflag:$0x3], $0x10, s10, s15, $0xb8;
	[tilespmem:$0x1EB80] =	vst v63  }
0x92: {  	s21 =	sadd.s32 $0x12800, s6;
	s11 =	simm.s32 $0x0  }
0x93: {  	[spmem:s2] =	stream.indirect.scatter.add.f32 [tilespmem:s30], [sflag:$0x3], $0x10, s21, s15, $0xb8;
	[tilespmem:$0x1EB80] =	vst v63  }
0x94: {  	v4 =	vor.u32 s11, v2;
	s21 =	sadd.s32 $0x12880, s6  }
0x95: {  	v5 =	vshll.u32 v4, $0x3;
	[spmem:s2] =	stream.indirect.scatter.add.f32 [tilespmem:s31], [sflag:$0x3], $0x10, s21, s15, $0xb8;
	[tilespmem:$0x1EB80] =	vst v63  }
0x96: {  	v5 =	vor.u32 v0, v5;
	s6 =	sadd.s32 $0x12900, s6  }
0x97: {  	[spmem:s2] =	stream.indirect.scatter.add.f32 [tilespmem:s0], [sflag:$0x3], $0x10, s6, s15, $0xb8;
	[tilespmem:$0x1EB80] =	vst v63  }
0x98: {  	_ =	swait.ge [sflag:s1], $0x1000  }
0x99: {  	[sflag:s1] =	ssyncset.done $0x0  }
0x9a: {  	[sflag:s1] =	ssyncadd.s32 $0xFFFFF000  }
0x9b: {  	v4 =	vshll.u32 v4, $0x4;
	s10 =	simm.s32 $0x2;
	v5 =	vld.idx.msk [tilespmem:v5+s23+$0x0], $0xffff  }
0x9c: {  	v6 =	vor.u32 v1, v4;
	v7 =	vor.u32 s10, v2  }
0x9d: {  	v4 =	vor.u32 v3, v4;
	v8 =	vshll.u32 v7, $0x3  }
0x9e: {  	v8 =	vor.u32 v0, v8;
	_ =	sdelay $0x1  }
0x9f: {  	v60 =	vshll.u32 v5, $0x10  }
0xa0: {  	v5 =	vand.u32 $0xFFFF0000, v5;
	[tilespmem:v6+s14+$0x0] =	vst.idx.msk $0xffff, v60  }
0xa1: {  	[tilespmem:v4+s14+$0x0] =	vst.idx.msk $0xffff, v5  }
0xa2: {  	s11 =	simm.s32 $0x4;
	v4 =	vshll.u32 v7, $0x4;
	v5 =	vld.idx.msk [tilespmem:v8+s23+$0x0], $0xffff  }
0xa3: {  	v7 =	vor.u32 s11, v2;
	v6 =	vor.u32 v1, v4  }
0xa4: {  	v4 =	vor.u32 v3, v4;
	v8 =	vshll.u32 v7, $0x3  }
0xa5: {  	v8 =	vor.u32 v0, v8;
	_ =	sdelay $0x1  }
0xa6: {  	v61 =	vshll.u32 v5, $0x10  }
0xa7: {  	v5 =	vand.u32 $0xFFFF0000, v5;
	[tilespmem:v6+s14+$0x0] =	vst.idx.msk $0xffff, v61  }
0xa8: {  	[tilespmem:v4+s14+$0x0] =	vst.idx.msk $0xffff, v5  }
0xa9: {  	s21 =	simm.s32 $0x6;
	v4 =	vshll.u32 v7, $0x4;
	v5 =	vld.idx.msk [tilespmem:v8+s23+$0x0], $0xffff  }
0xaa: {  	v7 =	vor.u32 s21, v2;
	v6 =	vor.u32 v1, v4  }
0xab: {  	v4 =	vor.u32 v3, v4;
	v8 =	vshll.u32 v7, $0x3  }
0xac: {  	v8 =	vor.u32 v0, v8;
	_ =	sdelay $0x1  }
0xad: {  	v62 =	vshll.u32 v5, $0x10  }
0xae: {  	v5 =	vand.u32 $0xFFFF0000, v5;
	[tilespmem:v6+s14+$0x0] =	vst.idx.msk $0xffff, v62  }
0xaf: {  	[tilespmem:v4+s14+$0x0] =	vst.idx.msk $0xffff, v5  }
0xb0: {  	s10 =	simm.s32 $0x8;
	v5 =	vshll.u32 v7, $0x4;
	v7 =	vld.idx.msk [tilespmem:v8+s23+$0x0], $0xffff  }
0xb1: {  	v4 =	vor.u32 s10, v2;
	v8 =	vor.u32 v1, v5  }
0xb2: {  	v63 =	vshll.u32 v4, $0x3;
	v6 =	vor.u32 v3, v5  }
0xb3: {  	v5 =	vor.u32 v0, v63;
	_ =	sdelay $0x1  }
0xb4: {  	v10 =	vshll.u32 v7, $0x10  }
0xb5: {  	s21 =	simm.s32 $0x10;
	v4 =	vshll.u32 v4, $0x4;
	v7 =	vand.u32 $0xFFFF0000, v7;
	[tilespmem:v8+s14+$0x0] =	vst.idx.msk $0xffff, v10  }
.LBB2_5:
0xb6: {  	p0 =	sne.s32 s21, $0x1F8;
	[tilespmem:v6+s14+$0x0] =	vst.idx.msk $0xffff, v7;
	s6 =	smov.u32 s21;
	s21 =	sadd.s32 $0x8, s21  }
0xb7: {  	v5 =	vld.idx.msk [tilespmem:v5+s23+$0x0], $0xffff  }
0xb8: {  	s11 =	sadd.s32 $0x2, s10  }
0xb9: {  	v6 =	vor.u32 v1, v4;
	v7 =	vor.u32 s11, v2  }
0xba: {  	v4 =	vor.u32 v3, v4;
	v8 =	vshll.u32 v7, $0x3;
	v7 =	vshll.u32 v7, $0x4  }
0xbb: {  	v8 =	vor.u32 v0, v8;
	_ =	sdelay $0x1  }
0xbc: {  	v9 =	vshll.u32 v5, $0x10  }
0xbd: {  	v5 =	vand.u32 $0xFFFF0000, v5;
	[tilespmem:v6+s14+$0x0] =	vst.idx.msk $0xffff, v9  }
0xbe: {  	[tilespmem:v4+s14+$0x0] =	vst.idx.msk $0xffff, v5  }
0xbf: {  	v4 =	vld.idx.msk [tilespmem:v8+s23+$0x0], $0xffff  }
0xc0: {  	s11 =	sadd.s32 $0x4, s10  }
0xc1: {  	v6 =	vor.u32 s11, v2;
	v5 =	vor.u32 v1, v7  }
0xc2: {  	v7 =	vor.u32 v3, v7;
	v8 =	vshll.u32 v6, $0x3;
	v6 =	vshll.u32 v6, $0x4  }
0xc3: {  	v8 =	vor.u32 v0, v8;
	_ =	sdelay $0x1  }
0xc4: {  	v9 =	vshll.u32 v4, $0x10  }
0xc5: {  	v4 =	vand.u32 $0xFFFF0000, v4;
	[tilespmem:v5+s14+$0x0] =	vst.idx.msk $0xffff, v9  }
0xc6: {  	[tilespmem:v7+s14+$0x0] =	vst.idx.msk $0xffff, v4  }
0xc7: {  	v4 =	vld.idx.msk [tilespmem:v8+s23+$0x0], $0xffff  }
0xc8: {  	s11 =	sadd.s32 $0x6, s10;
	s10 =	smov.u32 s6  }
0xc9: {  	v5 =	vor.u32 v1, v6;
	v7 =	vor.u32 s11, v2  }
0xca: {  	v6 =	vor.u32 v3, v6;
	v8 =	vshll.u32 v7, $0x3;
	v7 =	vshll.u32 v7, $0x4  }
0xcb: {  	v8 =	vor.u32 v0, v8;
	_ =	sdelay $0x1  }
0xcc: {  	v9 =	vshll.u32 v4, $0x10  }
0xcd: {  	v4 =	vand.u32 $0xFFFF0000, v4;
	[tilespmem:v5+s14+$0x0] =	vst.idx.msk $0xffff, v9  }
0xce: {  	[tilespmem:v6+s14+$0x0] =	vst.idx.msk $0xffff, v4  }
0xcf: {  	v8 =	vld.idx.msk [tilespmem:v8+s23+$0x0], $0xffff;
	_ =	sdelay $0x1  }
0xd0: {  	v9 =	vor.u32 v1, v7;
	v4 =	vor.u32 s10, v2  }
.Ltmp1:
0xd1: {  	v6 =	vor.u32 v3, v7;
	v5 =	vshll.u32 v4, $0x3;
	v4 =	vshll.u32 v4, $0x4;
	(pc) =	sbr.rel @p0 .LBB2_5-.Ltmp1, $3  }
0xd2: {  	v5 =	vor.u32 v0, v5;
	_ =	sdelay $0x1  }
0xd3: {  	v10 =	vshll.u32 v8, $0x10  }
0xd4: {  	v7 =	vand.u32 $0xFFFF0000, v8;
	[tilespmem:v9+s14+$0x0] =	vst.idx.msk $0xffff, v10  }
0xd5: {  	_ =	sdelay $0x3  }
0xd6: {  	[tilespmem:v6+s14+$0x0] =	vst.idx.msk $0xffff, v7  }
0xd7: {  	s6 =	sadd.s32 $0x2, s10;
	v5 =	vld.idx.msk [tilespmem:v5+s23+$0x0], $0xffff  }
0xd8: {  	v52 =	vor.u32 v1, v4;
	v53 =	vor.u32 s6, v2  }
0xd9: {  	v4 =	vor.u32 v3, v4;
	v8 =	vshll.u32 v53, $0x3  }
0xda: {  	v8 =	vor.u32 v0, v8;
	_ =	sdelay $0x1  }
0xdb: {  	v9 =	vshll.u32 v5, $0x10  }
0xdc: {  	v5 =	vand.u32 $0xFFFF0000, v5;
	[tilespmem:v52+s14+$0x0] =	vst.idx.msk $0xffff, v9  }
0xdd: {  	[tilespmem:v4+s14+$0x0] =	vst.idx.msk $0xffff, v5  }
0xde: {  	s21 =	sadd.s32 $0x4, s10;
	v4 =	vshll.u32 v53, $0x4;
	v5 =	vld.idx.msk [tilespmem:v8+s23+$0x0], $0xffff  }
0xdf: {  	v55 =	vor.u32 s21, v2;
	v54 =	vor.u32 v1, v4  }
0xe0: {  	v56 =	vshll.u32 v55, $0x3;
	v4 =	vor.u32 v3, v4  }
0xe1: {  	v8 =	vor.u32 v0, v56;
	_ =	sdelay $0x1  }
0xe2: {  	v57 =	vshll.u32 v5, $0x10  }
0xe3: {  	v5 =	vand.u32 $0xFFFF0000, v5;
	[tilespmem:v54+s14+$0x0] =	vst.idx.msk $0xffff, v57  }
0xe4: {  	[tilespmem:v4+s14+$0x0] =	vst.idx.msk $0xffff, v5  }
0xe5: {  	s10 =	sadd.s32 $0x6, s10;
	v4 =	vshll.u32 v55, $0x4;
	v5 =	vld.idx.msk [tilespmem:v8+s23+$0x0], $0xffff  }
0xe6: {  	v59 =	vor.u32 s10, v2;
	v58 =	vor.u32 v1, v4  }
0xe7: {  	v60 =	vshll.u32 v59, $0x3;
	v4 =	vor.u32 v3, v4  }
0xe8: {  	v8 =	vor.u32 v0, v60;
	_ =	sdelay $0x1  }
0xe9: {  	v61 =	vshll.u32 v5, $0x10  }
0xea: {  	v5 =	vand.u32 $0xFFFF0000, v5;
	[tilespmem:v58+s14+$0x0] =	vst.idx.msk $0xffff, v61  }
0xeb: {  	[tilespmem:v4+s14+$0x0] =	vst.idx.msk $0xffff, v5  }
0xec: {  	v4 =	vshll.u32 v59, $0x4;
	v5 =	vld.idx.msk [tilespmem:v8+s23+$0x0], $0xffff  }
0xed: {  	v62 =	vor.u32 v1, v4  }
0xee: {  	v4 =	vor.u32 v3, v4;
	_ =	sdelay $0x2  }
0xef: {  	v63 =	vshll.u32 v5, $0x10  }
0xf0: {  	v5 =	vand.u32 $0xFFFF0000, v5;
	[tilespmem:v62+s14+$0x0] =	vst.idx.msk $0xffff, v63  }
0xf1: {  	[tilespmem:v4+s14+$0x0] =	vst.idx.msk $0xffff, v5  }
0xf2: {  	p0 =	seq.s32 s3, $0x18;
	_ =	swait.ge [sflag:s17], $0x2000  }
0xf3: {  	s6 =	sshrl.u32 @!p0 s9, $0x2;
	s10 =	simm.s32 @!p0 $0x80;
	[sflag:s17] =	ssyncset.done $0x0  }
0xf4: {  	s11 =	simm.s32 @!p0 $0x18B80;
	s9 =	sadd.s32 @!p0 $0xC780, s6;
	[sflag:s17] =	ssyncadd.s32 $0xFFFFE000  }
0xf5: {  	[tilespmem:s11], [sflag:$0x1] =	stream.indirect.gather @!p0 [hbm4b:s4+s10], $0x8, s9, s10, $0xb8;
	[tilespmem:$0x1EB80] =	vst v63  }
0xf6: {  	s9 =	sadd.s32 @!p0 $0xC800, s6;
	s11 =	simm.s32 @!p0 $0x18F80  }
0xf7: {  	[tilespmem:s11], [sflag:$0x1] =	stream.indirect.gather @!p0 [hbm4b:s4+s10], $0x8, s9, s10, $0xb8;
	[tilespmem:$0x1EB80] =	vst v63  }
0xf8: {  	s9 =	sadd.s32 @!p0 $0xC880, s6;
	s11 =	simm.s32 @!p0 $0x19380  }
0xf9: {  	[tilespmem:s11], [sflag:$0x1] =	stream.indirect.gather @!p0 [hbm4b:s4+s10], $0x8, s9, s10, $0xb8;
	[tilespmem:$0x1EB80] =	vst v63  }
0xfa: {  	s6 =	sadd.s32 @!p0 $0xC900, s6;
	s9 =	simm.s32 @!p0 $0x19780  }
0xfb: {  	[tilespmem:s9], [sflag:$0x1] =	stream.indirect.gather @!p0 [hbm4b:s4+s10], $0x8, s6, s10, $0xb8;
	[tilespmem:$0x1EB80] =	vst v63  }
0xfc: {  	s5 =	sadd.s32 $0x12780, s5;
	s3 =	sadd.s32 $0x1, s3  }
0xfd: {  	[spmem:s2] =	stream.indirect.scatter.add.f32 [tilespmem:s14], [sflag:$0x4], $0x10, s5, s15, $0xb8;
	[tilespmem:$0x1EB80] =	vst v63  }
0xfe: {  	s11 =	sadd.s32 $0x12780, s13;
	p0 =	sne.s32 s3, $0x19  }
0xff: {  	[spmem:s2] =	stream.indirect.scatter.add.f32 [tilespmem:s18], [sflag:$0x4], $0x10, s11, s15, $0xb8;
	[tilespmem:$0x1EB80] =	vst v63  }
.Ltmp2:
0x100: {  	_ = 	snop;
	(pc) =	sbr.rel @p0 .LBB2_2-.Ltmp2, $4  }
0x101: {  	s13 =	sadd.s32 $0x12780, s8  }
0x102: {  	[spmem:s2] =	stream.indirect.scatter.add.f32 [tilespmem:s19], [sflag:$0x4], $0x10, s13, s15, $0xb8;
	[tilespmem:$0x1EB80] =	vst v63  }
0x103: {  	s21 =	sadd.s32 $0x12780, s7  }
0x104: {  	[spmem:s2] =	stream.indirect.scatter.add.f32 [tilespmem:s20], [sflag:$0x4], $0x10, s21, s15, $0xb8;
	[tilespmem:$0x1EB80] =	vst v63  }
0x105: {  	s3 =	simm.s32 $0x4  }
0x106: {  	_ =	swait.ge [sflag:s3], $0x2000  }
0x107: {  	[sflag:s3] =	ssyncset.done $0x0  }
0x108: {  	[sflag:s3] =	ssyncadd.s32 $0xFFFFE000  }
0x109: {  	[bflag:$0x0] =	sbarrier.arrive $0xFFFF  }
0x10a: {  	s6 =	rddreg [dreg:$0x5]  }
0x10b: {  	s13 =	rddreg [dreg:$0x8]  }
0x10c: {  	s5 =	rddreg [dreg:$0xa]  }
0x10d: {  	[hbm:s13], [sflag:s6] =	dma.local [spmem:s5], $0x1870  }
0x10e: {  	_ =	swait.ge [sflag:s12], $0x1870  }
0x10f: {  	s22 =	sadd.s32 $0x1, s22;
	s21 =	rddreg [dreg:$0x9]  }
0x110: {  	p0 =	sne.s32 s22, s21  }
.Ltmp3:
0x111: {  	_ = 	snop;
	(pc) =	sbr.rel @p0 .LBB2_1-.Ltmp3, $3  }
0x112: {  	_ =	sdelay $0x1  }
0x113: {  	[sflag:s12] =	ssyncset.done $0x0  }
0x114: {  	[sflag:s12] =	ssyncadd.s32 $0xFFFFE790  }
0x115: {  	_ =	sfence.sel $0x180000  }
0x116: {  	[bflag:$0x0] =	sbarrier.arrive $0xFFFF  }
0x117: {  	_ =	strace $0x9000004A  }
0x118: {  	s0 =	stileid.u32;
	[bflag:$0x2] =	sbarrier.arrive $0xFFFF  }
0x119: {  	p0 =	sne.s32 s0, $0x0;
	s0 =	rddreg [dreg:$0x3]  }
0x11a: {  	s0 =	sadd.s32 @!p0 $0x100000, s0  }
0x11b: {  	[sflag:s0] =	ssyncadd.tile.s32 @!p0 $0x1;
	_ =	shalt  }
.Lfunc_end2:
_tile_overlayer_lowered:
.L_overlay_start_2:
0x11c: {  	(tag) =	ssettag $0x2  }
0x11d: {  	s0 =	rddreg [dreg:$0x0];
	s2 =	stileid.u32  }
0x11e: {  	s1 =	rddreg [dreg:$0x1];
	p0 =	sne.s32 s2, $0x0  }
0x11f: {  	s3 =	rddreg [dreg:$0x2];
	[bflag:$0x3] =	sbarrier.arrive $0xFFFF;
	s2 =	simm.s32 @!p0 $0x1C05  }
0x120: {  	[timem:s3], [sflag:s2] =	dma.local @!p0 [hbm:s0], s1  }
0x121: {  	s0 =	simm.s32 @!p0 $0x5  }
0x122: {  	_ =	swait.ge @!p0 [sflag:s0], s1  }
0x123: {  	s1 =	ssub.s32 @!p0 $0x0, s1;
	[sflag:s0] =	ssyncset.done @!p0 $0x0  }
0x124: {  	[sflag:s0] =	ssyncadd.s32 @!p0 s1  }
0x125: {  	[bflag:$0x3] =	sbarrier.arrive $0xFFFF  }
0x126: {  	_ =	shalt  }

// kernel: kernel.7.cloned.1.call-start
scs
__scs_entry_jumppad:
0x0: {  	(pc) =	sbr.rel $0x88, $3  }
0x1: {  	(tag) =	ssettag $0x0;
	lr =	simm.s32 $0x1  }
0x2: {  	[smem:$0x3F9C] =	sst lr;
	_ =	strace $0xD0000000  }
0x3: {  	_ = 	snop  }
0x4: {  	_ = 	snop  }
0x5: {  	_ = 	snop  }
0x6: {  	_ = 	snop  }
0x7: {  	_ = 	snop  }
__scs_overlays_trampoline_lowered:
0x8: {  	[smem:$0x3FAB] =	sst s0  }
0x9: {  	[smem:$0x3FAC] =	sst s1  }
0xa: {  	[smem:$0x3FAD] =	sst s2  }
0xb: {  	[smem:$0x3FAE] =	sst s3  }
0xc: {  	[smem:$0x3FAF] =	sst s4  }
0xd: {  	[smem:$0x3FB0] =	sst s5  }
0xe: {  	[smem:$0x3FB1] =	sst s6  }
0xf: {  	[smem:$0x3FB2] =	sst s7  }
0x10: {  	[smem:$0x3FB3] =	sst s8  }
0x11: {  	[smem:$0x3FB4] =	sst s9;
	s0 =	simm.s32 @!p0 $0x0  }
0x12: {  	s1 =	sld [smem:$0x3F9A];
	s0 =	simm.s32 @p0 $0x1  }
0x13: {  	[smem:$0x3FB5] =	sst s0;
	s0 =	simm.s32 @!p1 $0x0  }
0x14: {  	s2 =	sld [smem:$0x3F99];
	s0 =	simm.s32 @p1 $0x1  }
0x15: {  	[smem:$0x3FB6] =	sst s0;
	s0 =	simm.s32 @!p2 $0x0  }
0x16: {  	s3 =	sld [smem:$0x3FDB];
	s0 =	simm.s32 @p2 $0x1  }
0x17: {  	s4 =	simm.s32 $0x1BF5;
	[smem:$0x3FB8] =	sst s0  }
0x18: {  	s0 =	sld [smem:$0x3F9B];
	_ =	swait.ge [sflag:s4], $0x0  }
0x19: {  	s7 =	sld [smem:$0x3F9C]  }
0x1a: {  	s8 =	sadd.s32 $0xFFFFE003, lr  }
0x1b: {  	s9 =	sadd.s32 $0xFFFFFEF7, lr;
	s5 =	simm.s32 $0xFFFFFFFF;
	p2 =	slt.u32 s8, $0xFFFFF086  }
0x1c: {  	p1 =	slt.u32 s9, $0xF7A;
	s5 =	simm.s32 @!p2 $0x0  }
0x1d: {  	s5 =	simm.s32 @p1 $0x1;
	p0 =	seq.s32 s7, s2  }
0x1e: {  	s7 =	smul.u32 @!p0 $0xF7A, s2;
	p2 =	seq.s32 @!p0 s5, $0x0  }
0x1f: {  	s9 =	smul.u32 $0xF7A, s1;
	s8 =	simm.s32 @!p0 $0x1BF5;
	p2 =	por !p2, p0  }
0x20: {  	[sflag:s8] =	ssyncset.s32 @!p0 $0xFFFFF086;
	s6 =	sadd.s32 @!p0 s3, s7;
	s7 =	simm.s32 @!p0 $0x108  }
0x21: {  	s3 =	sadd.s32 s3, s9;
	s6 =	sadd.s32 @!p0 $0x88, s6;
	s7 =	simm.s32 @p2 $0x1082  }
0x22: {  	[simem:s7], [sflag:s8] =	dma.local @!p0 [hbm:s6], $0xF7A  }
0x23: {  	s9 =	sor.u32 $0xD0000000, s2;
	s6 =	simm.s32 $0x108;
	_ =	swait.ge @!p0 [sflag:s8], $0x0  }
0x24: {  	s3 =	sadd.s32 $0x88, s3;
	s6 =	simm.s32 @!p1 $0x1082;
	[sflag:s4] =	ssyncset.s32 $0xFFFFF086  }
0x25: {  	[simem:s6], [sflag:s4] =	dma.local [hbm:s3], $0xF7A  }
0x26: {  	[smem:$0x3F9C] =	sst s1;
	(tag) =	ssettag s2;
	_ =	strace s9  }
0x27: {  	s1 =	sld [smem:$0x3FAC]  }
0x28: {  	s2 =	sld [smem:$0x3FAD]  }
0x29: {  	s4 =	sld [smem:$0x3FAF]  }
0x2a: {  	p0 =	seq.s32 s5, $0x0;
	s5 =	sld [smem:$0x3FB0]  }
0x2b: {  	s6 =	sld [smem:$0x3FB1]  }
0x2c: {  	s7 =	sld [smem:$0x3FB2]  }
0x2d: {  	s3 =	simm.s32 $0x108;
	s8 =	sld [smem:$0x3FB3]  }
0x2e: {  	s3 =	simm.s32 @!p0 $0x1082;
	s9 =	sld [smem:$0x3FB4]  }
0x2f: {  	lr =	sadd.s32 s0, s3;
	s0 =	sld [smem:$0x3FAB]  }
0x30: {  	s3 =	sld [smem:$0x3FAE]  }
0x31: {  	[smem:$0x3FB7] =	sst s10  }
0x32: {  	s10 =	sld [smem:$0x3FB5];
	_ =	sdelay $0x3  }
0x33: {  	p0 =	seq.s32 s10, $0x1;
	s10 =	sld [smem:$0x3FB7];
	_ =	sdelay $0x3  }
0x34: {  	[smem:$0x3FB7] =	sst s10  }
0x35: {  	s10 =	sld [smem:$0x3FB6];
	_ =	sdelay $0x3  }
0x36: {  	p1 =	seq.s32 s10, $0x1;
	s10 =	sld [smem:$0x3FB7];
	_ =	sdelay $0x3  }
0x37: {  	[smem:$0x3FB7] =	sst s10  }
0x38: {  	s10 =	sld [smem:$0x3FB8]  }
0x39: {  	_ = 	snop;
	(pc) =	sbr.ind lr, $3  }
0x3a: {  	_ = 	snop  }
0x3b: {  	_ = 	snop  }
0x3c: {  	p2 =	seq.s32 s10, $0x1;
	s10 =	sld [smem:$0x3FB7]  }
0x3d: {  	_ =	shalt  }
0x3e: {  	_ =	shalt  }
0x3f: {  	_ =	shalt  }
0x40: {  	_ =	shalt  }
0x41: {  	_ =	shalt  }
0x42: {  	_ =	shalt  }
0x43: {  	_ =	shalt  }
0x44: {  	_ =	shalt  }
0x45: {  	_ =	shalt  }
0x46: {  	_ =	shalt  }
0x47: {  	_ =	shalt  }
0x48: {  	_ =	shalt  }
0x49: {  	_ =	shalt  }
0x4a: {  	_ =	shalt  }
0x4b: {  	_ =	shalt  }
0x4c: {  	_ =	shalt  }
0x4d: {  	_ =	shalt  }
0x4e: {  	_ =	shalt  }
0x4f: {  	_ =	shalt  }
0x50: {  	_ =	shalt  }
0x51: {  	_ =	shalt  }
0x52: {  	_ =	shalt  }
0x53: {  	_ =	shalt  }
0x54: {  	_ =	shalt  }
0x55: {  	_ =	shalt  }
0x56: {  	_ =	shalt  }
0x57: {  	_ =	shalt  }
0x58: {  	_ =	shalt  }
0x59: {  	_ =	shalt  }
0x5a: {  	_ =	shalt  }
0x5b: {  	_ =	shalt  }
0x5c: {  	_ =	shalt  }
0x5d: {  	_ =	shalt  }
0x5e: {  	_ =	shalt  }
0x5f: {  	_ =	shalt  }
0x60: {  	_ =	shalt  }
0x61: {  	_ =	shalt  }
0x62: {  	_ =	shalt  }
0x63: {  	_ =	shalt  }
0x64: {  	_ =	shalt  }
0x65: {  	_ =	shalt  }
0x66: {  	_ =	shalt  }
0x67: {  	_ =	shalt  }
0x68: {  	_ =	shalt  }
0x69: {  	_ =	shalt  }
0x6a: {  	_ =	shalt  }
0x6b: {  	_ =	shalt  }
0x6c: {  	_ =	shalt  }
0x6d: {  	_ =	shalt  }
0x6e: {  	_ =	shalt  }
0x6f: {  	_ =	shalt  }
0x70: {  	_ =	shalt  }
0x71: {  	_ =	shalt  }
0x72: {  	_ =	shalt  }
0x73: {  	_ =	shalt  }
0x74: {  	_ =	shalt  }
0x75: {  	_ =	shalt  }
0x76: {  	_ =	shalt  }
0x77: {  	_ =	shalt  }
0x78: {  	_ =	shalt  }
0x79: {  	_ =	shalt  }
0x7a: {  	_ =	shalt  }
0x7b: {  	_ =	shalt  }
0x7c: {  	_ =	shalt  }
0x7d: {  	_ =	shalt  }
0x7e: {  	_ =	shalt  }
0x7f: {  	_ =	shalt  }
0x80: {  	_ =	shalt  }
0x81: {  	_ =	shalt  }
0x82: {  	_ =	shalt  }
0x83: {  	_ =	shalt  }
0x84: {  	_ =	shalt  }
0x85: {  	_ =	shalt  }
0x86: {  	_ =	shalt  }
0x87: {  	_ =	shalt  }
.Lfunc_end0:
.L_simem_size_0:
called_computation_lowered:
.L_overlay_start_0:
0x88: {  	s2 =	sld [smem:$0x3FD9]  }
0x89: {  	s3 =	sld [smem:$0x3FFE];
	_ =	sdelay $0x1  }
0x8a: {  	s1 =	srdreg.scid  }
0x8b: {  	s0 =	sand.u32 $0x1, s1  }
0x8c: {  	s17 =	sshll.u32 s0, $0xA;
	s2 =	sadd.s32 s3, s2  }
0x8d: {  	s2 =	sadd.s32 s2, s17  }
0x8e: {  	[smem:$0x3FC3] =	sst s2  }
0x8f: {  	_ = 	snop  }
0x90: {  	s2 =	sld [smem:$0x3FD0];
	(tm) =	ssettm $0x1  }
0x91: {  	s18 =	sld [smem:$0x3FFB];
	_ =	sdelay $0x3  }
0x92: {  	_ =	strace s18  }
0x93: {  	s3 =	sld [smem:$0x3FFC];
	_ =	sdelay $0x3  }
0x94: {  	_ =	strace s3  }
0x95: {  	s3 =	sld [smem:$0x3FFD];
	_ =	sdelay $0x3  }
0x96: {  	_ =	strace s3  }
0x97: {  	_ =	strace $0x8FFFFFFF  }
0x98: {  	s19 =	sld [smem:$0x3FDB];
	_ =	sdelay $0x1  }
0x99: {  	s4 =	simm.s32 $_scs_section_size  }
0x9a: {  	s5 =	simm.s32 $_size__tile_overlayer_lowered;
	s6 =	simm.s32 $_tile_overlayer_lowered  }
0x9b: {  	s22 =	simm.s32 $0x1BFF;
	s21 =	sshll.u32 s6, $0x1;
	s3 =	sadd.s32 s4, s19  }
0x9c: {  	s7 =	simm.s32 $0x0;
	s20 =	sshll.u32 s5, $0x1;
	s5 =	sadd.s32 s21, s3  }
0x9d: {  	[timem:s7], [sflag:s22] =	dma.local [hbm:s5], s20  }
0x9e: {  	_ =	swait.ge [sflag:s22], s20  }
0x9f: {  	s4 =	ssub.s32 $0x0, s20;
	[sflag:s22] =	ssyncset.done $0x0  }
0xa0: {  	[sflag:s22] =	ssyncadd.s32 s4;
	_ =	sdelay $0x1  }
0xa1: {  	s23 =	simm.s32 $0x1B8B  }
0xa2: {  	_ =	swait.ge [sflag:s23], $0x1  }
0xa3: {  	[sflag:s23] =	ssyncset.done $0x0  }
0xa4: {  	s25 =	simm.s32 $0x1B8E;
	s24 =	sld [smem:$0x3FFE];
	[sflag:s23] =	ssyncadd.s32 $0xFFFFFFFF  }
0xa5: {  	s26 =	simm.s32 $execute0_lowered;
	[smem:$0x3FD2] =	sst s25  }
0xa6: {  	s5 =	sshll.u32 s26, $0x1;
	_ =	strace $0x80000046;
	[dreg:$0x1] =	wrdreg $0xFFFFFFFF  }
0xa7: {  	s28 =	simm.s32 $_size_execute0_lowered;
	s3 =	sadd.s32 s3, s5;
	[dreg:$0x0] =	wrdreg $0x0  }
0xa8: {  	s5 =	sshll.u32 s28, $0x1;
	[dreg:$0x2] =	wrdreg s3  }
0xa9: {  	[dreg:$0x3] =	wrdreg s5  }
0xaa: {  	[dreg:$0x4] =	wrdreg $0xC0  }
0xab: {  	_ =	task [dreg:s7], $0x5FFFF  }
0xac: {  	[dreg:$0x1] =	wrdreg $0xFFFFFFFF  }
0xad: {  	[dreg:$0x0] =	wrdreg $0x60  }
0xae: {  	[dreg:$0x2] =	wrdreg s24  }
0xaf: {  	[dreg:$0x3] =	wrdreg s2  }
0xb0: {  	[dreg:$0x4] =	wrdreg $0x0  }
0xb1: {  	[dreg:$0x5] =	wrdreg $0x9  }
0xb2: {  	_ =	task.clear_ibuf [dreg:s7], $0x6FFFF;
	_ =	strace $0x90000046  }
0xb3: {  	s29 =	simm.s32 $0x9;
	_ =	strace $0x80000048  }
0xb4: {  	_ =	swait.ge [sflag:s29], $0x1  }
0xb5: {  	[sflag:s29] =	ssyncadd.s32 $0xFFFFFFFF  }
0xb6: {  	_ =	strace $0x90000048  }
0xb7: {  	_ =	sfence  }
0xb8: {  	s30 =	sld [smem:$0x0];
	_ =	sdelay $0x2  }
0xb9: {  	s31 =	sshll.u32 s1, $0xD;
	s1 =	sshrl.u32 s1, $0x2  }
0xba: {  	s3 =	sand.u32 $0x4000, s31;
	s1 =	sadd.s32 s1, s30  }
0xbb: {  	s0 =	sor.u32 s3, s0;
	s1 =	sshll.u32 s1, $0x11  }
0xbc: {  	s0 =	sor.u32 s1, s0  }
0xbd: {  	s0 =	sadd.s32 $0x8F2B, s0  }
0xbe: {  	[sflag:s0] =	ssyncadd.remote.s32 $0x1  }
0xbf: {  	_ =	sfence.sel $0xFFFF  }
0xc0: {  	[dreg:$0x0] =	wrdreg $0xFFFFFFFF;
	(pc) =	sbr.abs _section_cstart, $3  }
0xc1: {  	[dreg:$0x1] =	wrdreg $0xFFFFFFFF  }
0xc2: {  	_ =	task.clear_ibuf [dreg:s7], $0x2FFFF;
	_ =	strace $0x9FFFFFFF  }
0xc3: {  	(tm) =	ssettm $0x7FFFFFFF  }
tec
execute0_lowered:
.L_overlay_start_1:
0x0: {  	(tag) =	ssettag $0x1  }
0x1: {  	s0 =	rddreg [dreg:$0x0]  }
0x2: {  	s1 =	rddreg [dreg:$0x1]  }
0x3: {  	s2 =	rddreg [dreg:$0x2];
	s3 =	srdreg.scid  }
0x4: {  	s8 =	stileid.u32;
	s7 =	simm.s32 $0x0;
	s12 =	simm.s32 $0x5  }
0x5: {  	s15 =	simm.s32 $0x80;
	s16 =	simm.s32 $0x18B80;
	s28 =	simm.s32 $0x1  }
0x6: {  	s29 =	simm.s32 $0x1AB80;
	s30 =	simm.s32 $0x1B380;
	s31 =	simm.s32 $0x1BB80  }
0x7: {  	s14 =	simm.s32 $0x1CB80;
	s17 =	simm.s32 $0x3;
	s18 =	simm.s32 $0x1D380  }
0x8: {  	s19 =	simm.s32 $0x1DB80;
	s3 =	sand.u32 $0x1, s3;
	s5 =	smul.u32 $0xC380, s8  }
0x9: {  	[smem:$0x7FF] =	sst s7;
	s4 =	sshll.u32 s3, $0x4;
	s6 =	smul.u32 $0xC3800, s3  }
0xa: {  	_ =	strace $0x80000047;
	s3 =	ssub.s32 $0x2, s3;
	s4 =	sor.u32 s8, s4  }
0xb: {  	s22 =	sshrl.u32 s3, $0x1;
	s23 =	sshrl.u32 s5, $0x3;
	s8 =	sshll.u32 s8, $0x6  }
0xc: {  	s21 =	smul.u32 $0xC80, s4;
	s6 =	sadd.s32 s5, s6;
	s4 =	sadd.s32 $0x24AC00, s0  }
0xd: {  	s3 =	ssub.s32 s3, s22;
	s5 =	sadd.s32 s5, s2;
	s1 =	sadd.s32 s1, s23  }
0xe: {  	s6 =	sshrl.u32 s6, $0x3;
	[dreg:$0x4] =	wrdreg s1;
	s26 =	smax.u32 s3, $0x1  }
0xf: {  	s5 =	sshrl.u32 s5, $0x3;
	s7 =	sadd.s32 s21, s0;
	[dreg:$0x9] =	wrdreg s26  }
0x10: {  	s0 =	sadd.s32 s6, s0;
	s6 =	sor.u32 $0x1C05, s8;
	[dreg:$0xa] =	wrdreg s5  }
0x11: {  	v2 =	vlaneseq.u32;
	s20 =	simm.s32 $0x1E380;
	s24 =	sadd.s32 $0xC00, s7;
	[dreg:$0x5] =	wrdreg s6  }
0x12: {  	v0 =	vand.u32 $0x7, v2;
	s23 =	simm.s32 $0x19B80;
	s25 =	sadd.s32 $0x19C00, s7;
	[dreg:$0x6] =	wrdreg s24  }
0x13: {  	v1 =	vmul.u32 $0x2, v0;
	s22 =	simm.s32 $0x0;
	s0 =	sadd.s32 $0x32C00, s0;
	[dreg:$0x7] =	wrdreg s25  }
0x14: {  	s1 =	simm.s32 $0x2;
	s26 =	simm.s32 $0x1A780;
	[dreg:$0x8] =	wrdreg s0  }
0x15: {  	v2 =	vshrl.u32 v2, $0x3;
	v3 =	vor.u32 $0x1, v1;
	s24 =	simm.s32 $0x19F80;
	s25 =	simm.s32 $0x1A380;
	s0 =	simm.s32 $0x1C380  }
.LBB2_1:
0x16: {  	s3 =	rddreg [dreg:$0x4]  }
0x17: {  	[spmem:s5], [sflag:s6] =	dma.local [hbm:s3], $0x1870  }
0x18: {  	_ =	swait.ge [sflag:s12], $0x1870  }
0x19: {  	s10 =	simm.s32 $0x0;
	[sflag:s12] =	ssyncset.done $0x0  }
0x1a: {  	s13 =	simm.s32 $0xC380;
	s11 =	rddreg [dreg:$0x6];
	[sflag:s12] =	ssyncadd.s32 $0xFFFFE790  }
0x1b: {  	[tilespmem:s13], [sflag:$0x5] =	stream.linear.gather [hbm4b:s11+s10], $0x6400, $0x38;
	[tilespmem:$0x1EB80] =	vst v63  }
0x1c: {  	_ =	swait.ge [sflag:s12], $0x6400  }
0x1d: {  	[sflag:s12] =	ssyncset.done $0x0  }
0x1e: {  	s7 =	simm.s32 $0x12780;
	s21 =	rddreg [dreg:$0x7];
	[sflag:s12] =	ssyncadd.s32 $0xFFFF9C00  }
0x1f: {  	[tilespmem:s7], [sflag:$0x5] =	stream.linear.gather [hbm4b:s21+s10], $0x6400, $0x38;
	[tilespmem:$0x1EB80] =	vst v63  }
0x20: {  	_ =	swait.ge [sflag:s12], $0x6400  }
0x21: {  	[sflag:s12] =	ssyncset.done $0x0  }
0x22: {  	[sflag:s12] =	ssyncadd.s32 $0xFFFF9C00  }
0x23: {  	[bflag:$0x0] =	sbarrier.arrive $0xFFFF  }
0x24: {  	[tilespmem:s16], [sflag:$0x1] =	stream.indirect.gather [hbm4b:s4+s15], $0x8, s13, s15, $0xb8;
	[tilespmem:$0x1EB80] =	vst v63  }
0x25: {  	s8 =	simm.s32 $0xC400;
	s9 =	simm.s32 $0x18F80  }
0x26: {  	[tilespmem:s9], [sflag:$0x1] =	stream.indirect.gather [hbm4b:s4+s15], $0x8, s8, s15, $0xb8;
	[tilespmem:$0x1EB80] =	vst v63  }
0x27: {  	s11 =	simm.s32 $0x19380;
	s10 =	simm.s32 $0xC480  }
0x28: {  	[tilespmem:s11], [sflag:$0x1] =	stream.indirect.gather [hbm4b:s4+s15], $0x8, s10, s15, $0xb8;
	[tilespmem:$0x1EB80] =	vst v63  }
0x29: {  	s3 =	simm.s32 $0x0;
	s21 =	simm.s32 $0x19780;
	s13 =	simm.s32 $0xC500  }
0x2a: {  	[tilespmem:s21], [sflag:$0x1] =	stream.indirect.gather [hbm4b:s4+s15], $0x8, s13, s15, $0xb8;
	[tilespmem:$0x1EB80] =	vst v63  }
.LBB2_2:
0x2b: {  	p0 =	seq.s32 s3, $0x0  }
0x2c: {  	s5 =	simm.s32 @!p0 $0x4  }
0x2d: {  	_ =	swait.ge @!p0 [sflag:s5], $0x2000  }
0x2e: {  	s7 =	sshll.u32 s3, $0xA;
	[sflag:s5] =	ssyncset.done @!p0 $0x0  }
0x2f: {  	s6 =	sadd.s32 $0xC580, s7;
	[sflag:s5] =	ssyncadd.s32 @!p0 $0xFFFFE000  }
0x30: {  	[tilespmem:s23], [sflag:$0x2] =	stream.indirect.gather [hbm4b:s4+s15], $0x8, s6, s15, $0xb8;
	[tilespmem:$0x1EB80] =	vst v63  }
0x31: {  	s9 =	simm.s32 $0x0;
	s8 =	sadd.s32 $0xC600, s7  }
0x32: {  	[tilespmem:s24], [sflag:$0x2] =	stream.indirect.gather [hbm4b:s4+s15], $0x8, s8, s15, $0xb8;
	[tilespmem:$0x1EB80] =	vst v63  }
0x33: {  	v4 =	vor.u32 s9, v2;
	s8 =	sadd.s32 $0xC680, s7  }
0x34: {  	v5 =	vshll.u32 v4, $0x3;
	[tilespmem:s25], [sflag:$0x2] =	stream.indirect.gather [hbm4b:s4+s15], $0x8, s8, s15, $0xb8;
	[tilespmem:$0x1EB80] =	vst v63  }
0x35: {  	s10 =	sadd.s32 $0xC700, s7;
	v5 =	vor.u32 v0, v5  }
0x36: {  	[tilespmem:s26], [sflag:$0x2] =	stream.indirect.gather [hbm4b:s4+s15], $0x8, s10, s15, $0xb8;
	[tilespmem:$0x1EB80] =	vst v63  }
0x37: {  	_ =	swait.ge [sflag:s28], $0x1000  }
0x38: {  	[sflag:s28] =	ssyncset.done $0x0  }
0x39: {  	[sflag:s28] =	ssyncadd.s32 $0xFFFFF000  }
0x3a: {  	s11 =	simm.s32 $0x2;
	v4 =	vshll.u32 v4, $0x4;
	v5 =	vld.idx.msk [tilespmem:v5+s16+$0x0], $0xffff  }
0x3b: {  	v7 =	vor.u32 s11, v2;
	v6 =	vor.u32 v1, v4  }
0x3c: {  	v8 =	vshll.u32 v7, $0x3;
	v4 =	vor.u32 v3, v4  }
0x3d: {  	v8 =	vor.u32 v0, v8;
	_ =	sdelay $0x1  }
0x3e: {  	v9 =	vshll.u32 v5, $0x10  }
0x3f: {  	v5 =	vand.u32 $0xFFFF0000, v5;
	[tilespmem:v6+s29+$0x0] =	vst.idx.msk $0xffff, v9  }
0x40: {  	[tilespmem:v4+s29+$0x0] =	vst.idx.msk $0xffff, v5  }
0x41: {  	s13 =	simm.s32 $0x4;
	v4 =	vshll.u32 v7, $0x4;
	v5 =	vld.idx.msk [tilespmem:v8+s16+$0x0], $0xffff  }
0x42: {  	v7 =	vor.u32 s13, v2;
	v6 =	vor.u32 v1, v4  }
0x43: {  	v4 =	vor.u32 v3, v4;
	v8 =	vshll.u32 v7, $0x3  }
0x44: {  	v8 =	vor.u32 v0, v8;
	_ =	sdelay $0x1  }
0x45: {  	v61 =	vshll.u32 v5, $0x10  }
0x46: {  	v5 =	vand.u32 $0xFFFF0000, v5;
	[tilespmem:v6+s29+$0x0] =	vst.idx.msk $0xffff, v61  }
0x47: {  	[tilespmem:v4+s29+$0x0] =	vst.idx.msk $0xffff, v5  }
0x48: {  	s21 =	simm.s32 $0x6;
	v4 =	vshll.u32 v7, $0x4;
	v5 =	vld.idx.msk [tilespmem:v8+s16+$0x0], $0xffff  }
0x49: {  	v7 =	vor.u32 s21, v2;
	v6 =	vor.u32 v1, v4  }
0x4a: {  	v4 =	vor.u32 v3, v4;
	v8 =	vshll.u32 v7, $0x3  }
0x4b: {  	v8 =	vor.u32 v0, v8;
	_ =	sdelay $0x1  }
0x4c: {  	v62 =	vshll.u32 v5, $0x10  }
0x4d: {  	v5 =	vand.u32 $0xFFFF0000, v5;
	[tilespmem:v6+s29+$0x0] =	vst.idx.msk $0xffff, v62  }
0x4e: {  	[tilespmem:v4+s29+$0x0] =	vst.idx.msk $0xffff, v5  }
0x4f: {  	s9 =	simm.s32 $0x8;
	v5 =	vshll.u32 v7, $0x4;
	v7 =	vld.idx.msk [tilespmem:v8+s16+$0x0], $0xffff  }
0x50: {  	v4 =	vor.u32 s9, v2;
	v8 =	vor.u32 v1, v5  }
0x51: {  	v63 =	vshll.u32 v4, $0x3;
	v6 =	vor.u32 v3, v5  }
0x52: {  	v5 =	vor.u32 v0, v63;
	_ =	sdelay $0x1  }
0x53: {  	s5 =	sor.u32 $0x200, s7;
	s8 =	sor.u32 $0x300, s7;
	v10 =	vshll.u32 v7, $0x10  }
0x54: {  	s10 =	simm.s32 $0x10;
	s13 =	sor.u32 $0x280, s7;
	s7 =	sor.u32 $0x380, s7;
	v4 =	vshll.u32 v4, $0x4;
	v7 =	vand.u32 $0xFFFF0000, v7;
	[tilespmem:v8+s29+$0x0] =	vst.idx.msk $0xffff, v10  }
.LBB2_3:
0x55: {  	p0 =	sne.s32 s10, $0x1F8;
	[tilespmem:v6+s29+$0x0] =	vst.idx.msk $0xffff, v7;
	s21 =	smov.u32 s10;
	s10 =	sadd.s32 $0x8, s10  }
0x56: {  	v5 =	vld.idx.msk [tilespmem:v5+s16+$0x0], $0xffff  }
0x57: {  	s6 =	sadd.s32 $0x2, s9  }
0x58: {  	v6 =	vor.u32 v1, v4;
	v7 =	vor.u32 s6, v2  }
0x59: {  	v4 =	vor.u32 v3, v4;
	v8 =	vshll.u32 v7, $0x3;
	v7 =	vshll.u32 v7, $0x4  }
0x5a: {  	v8 =	vor.u32 v0, v8;
	_ =	sdelay $0x1  }
0x5b: {  	v9 =	vshll.u32 v5, $0x10  }
0x5c: {  	v5 =	vand.u32 $0xFFFF0000, v5;
	[tilespmem:v6+s29+$0x0] =	vst.idx.msk $0xffff, v9  }
0x5d: {  	[tilespmem:v4+s29+$0x0] =	vst.idx.msk $0xffff, v5  }
0x5e: {  	v4 =	vld.idx.msk [tilespmem:v8+s16+$0x0], $0xffff  }
0x5f: {  	s6 =	sadd.s32 $0x4, s9  }
0x60: {  	v6 =	vor.u32 s6, v2;
	v5 =	vor.u32 v1, v7  }
0x61: {  	v7 =	vor.u32 v3, v7;
	v8 =	vshll.u32 v6, $0x3;
	v6 =	vshll.u32 v6, $0x4  }
0x62: {  	v8 =	vor.u32 v0, v8;
	_ =	sdelay $0x1  }
0x63: {  	v9 =	vshll.u32 v4, $0x10  }
0x64: {  	v4 =	vand.u32 $0xFFFF0000, v4;
	[tilespmem:v5+s29+$0x0] =	vst.idx.msk $0xffff, v9  }
0x65: {  	[tilespmem:v7+s29+$0x0] =	vst.idx.msk $0xffff, v4  }
0x66: {  	v4 =	vld.idx.msk [tilespmem:v8+s16+$0x0], $0xffff  }
0x67: {  	s6 =	sadd.s32 $0x6, s9;
	s9 =	smov.u32 s21  }
0x68: {  	v5 =	vor.u32 v1, v6;
	v7 =	vor.u32 s6, v2  }
0x69: {  	v6 =	vor.u32 v3, v6;
	v8 =	vshll.u32 v7, $0x3;
	v7 =	vshll.u32 v7, $0x4  }
0x6a: {  	v8 =	vor.u32 v0, v8;
	_ =	sdelay $0x1  }
0x6b: {  	v9 =	vshll.u32 v4, $0x10  }
0x6c: {  	v4 =	vand.u32 $0xFFFF0000, v4;
	[tilespmem:v5+s29+$0x0] =	vst.idx.msk $0xffff, v9  }
0x6d: {  	[tilespmem:v6+s29+$0x0] =	vst.idx.msk $0xffff, v4  }
0x6e: {  	v8 =	vld.idx.msk [tilespmem:v8+s16+$0x0], $0xffff;
	_ =	sdelay $0x1  }
0x6f: {  	v9 =	vor.u32 v1, v7;
	v4 =	vor.u32 s9, v2  }
.Ltmp0:
0x70: {  	v6 =	vor.u32 v3, v7;
	v5 =	vshll.u32 v4, $0x3;
	v4 =	vshll.u32 v4, $0x4;
	(pc) =	sbr.rel @p0 .LBB2_3-.Ltmp0, $3  }
0x71: {  	v5 =	vor.u32 v0, v5;
	_ =	sdelay $0x1  }
0x72: {  	v10 =	vshll.u32 v8, $0x10  }
0x73: {  	v7 =	vand.u32 $0xFFFF0000, v8;
	[tilespmem:v9+s29+$0x0] =	vst.idx.msk $0xffff, v10  }
0x74: {  	_ =	sdelay $0x3  }
0x75: {  	[tilespmem:v6+s29+$0x0] =	vst.idx.msk $0xffff, v7  }
0x76: {  	s6 =	sadd.s32 $0x2, s9;
	v5 =	vld.idx.msk [tilespmem:v5+s16+$0x0], $0xffff  }
0x77: {  	v6 =	vor.u32 v1, v4;
	v7 =	vor.u32 s6, v2  }
0x78: {  	v4 =	vor.u32 v3, v4;
	v8 =	vshll.u32 v7, $0x3  }
0x79: {  	v8 =	vor.u32 v0, v8;
	_ =	sdelay $0x1  }
0x7a: {  	v9 =	vshll.u32 v5, $0x10  }
0x7b: {  	v5 =	vand.u32 $0xFFFF0000, v5;
	[tilespmem:v6+s29+$0x0] =	vst.idx.msk $0xffff, v9  }
0x7c: {  	[tilespmem:v4+s29+$0x0] =	vst.idx.msk $0xffff, v5  }
0x7d: {  	s10 =	sadd.s32 $0x4, s9;
	v4 =	vshll.u32 v7, $0x4;
	v5 =	vld.idx.msk [tilespmem:v8+s16+$0x0], $0xffff  }
0x7e: {  	v7 =	vor.u32 s10, v2;
	v6 =	vor.u32 v1, v4  }
0x7f: {  	v4 =	vor.u32 v3, v4;
	v8 =	vshll.u32 v7, $0x3  }
0x80: {  	v8 =	vor.u32 v0, v8;
	_ =	sdelay $0x1  }
0x81: {  	v58 =	vshll.u32 v5, $0x10  }
0x82: {  	v5 =	vand.u32 $0xFFFF0000, v5;
	[tilespmem:v6+s29+$0x0] =	vst.idx.msk $0xffff, v58  }
0x83: {  	[tilespmem:v4+s29+$0x0] =	vst.idx.msk $0xffff, v5  }
0x84: {  	s11 =	sadd.s32 $0x6, s9;
	v4 =	vshll.u32 v7, $0x4;
	v5 =	vld.idx.msk [tilespmem:v8+s16+$0x0], $0xffff  }
0x85: {  	v7 =	vor.u32 s11, v2;
	v6 =	vor.u32 v1, v4  }
0x86: {  	v4 =	vor.u32 v3, v4;
	v8 =	vshll.u32 v7, $0x3  }
0x87: {  	v8 =	vor.u32 v0, v8;
	_ =	sdelay $0x1  }
0x88: {  	v59 =	vshll.u32 v5, $0x10  }
0x89: {  	v5 =	vand.u32 $0xFFFF0000, v5;
	[tilespmem:v6+s29+$0x0] =	vst.idx.msk $0xffff, v59  }
0x8a: {  	[tilespmem:v4+s29+$0x0] =	vst.idx.msk $0xffff, v5  }
0x8b: {  	v4 =	vshll.u32 v7, $0x4;
	v5 =	vld.idx.msk [tilespmem:v8+s16+$0x0], $0xffff  }
0x8c: {  	v6 =	vor.u32 v1, v4  }
0x8d: {  	v4 =	vor.u32 v3, v4;
	_ =	sdelay $0x2  }
0x8e: {  	s9 =	sshll.u32 s3, $0xC;
	v7 =	vshll.u32 v5, $0x10  }
0x8f: {  	s6 =	sshrl.u32 s9, $0x2;
	v5 =	vand.u32 $0xFFFF0000, v5;
	[tilespmem:v6+s29+$0x0] =	vst.idx.msk $0xffff, v7  }
0x90: {  	s10 =	sadd.s32 $0x12780, s6;
	[tilespmem:v4+s29+$0x0] =	vst.idx.msk $0xffff, v5  }
0x91: {  	[spmem:s2] =	stream.indirect.scatter.add.f32 [tilespmem:s29], [sflag:$0x3], $0x10, s10, s15, $0xb8;
	[tilespmem:$0x1EB80] =	vst v63  }
0x92: {  	s21 =	sadd.s32 $0x12800, s6;
	s11 =	simm.s32 $0x0  }
0x93: {  	[spmem:s2] =	stream.indirect.scatter.add.f32 [tilespmem:s30], [sflag:$0x3], $0x10, s21, s15, $0xb8;
	[tilespmem:$0x1EB80] =	vst v63  }
0x94: {  	v4 =	vor.u32 s11, v2;
	s21 =	sadd.s32 $0x12880, s6  }
0x95: {  	v5 =	vshll.u32 v4, $0x3;
	[spmem:s2] =	stream.indirect.scatter.add.f32 [tilespmem:s31], [sflag:$0x3], $0x10, s21, s15, $0xb8;
	[tilespmem:$0x1EB80] =	vst v63  }
0x96: {  	v5 =	vor.u32 v0, v5;
	s6 =	sadd.s32 $0x12900, s6  }
0x97: {  	[spmem:s2] =	stream.indirect.scatter.add.f32 [tilespmem:s0], [sflag:$0x3], $0x10, s6, s15, $0xb8;
	[tilespmem:$0x1EB80] =	vst v63  }
0x98: {  	_ =	swait.ge [sflag:s1], $0x1000  }
0x99: {  	[sflag:s1] =	ssyncset.done $0x0  }
0x9a: {  	[sflag:s1] =	ssyncadd.s32 $0xFFFFF000  }
0x9b: {  	v4 =	vshll.u32 v4, $0x4;
	s10 =	simm.s32 $0x2;
	v5 =	vld.idx.msk [tilespmem:v5+s23+$0x0], $0xffff  }
0x9c: {  	v6 =	vor.u32 v1, v4;
	v7 =	vor.u32 s10, v2  }
0x9d: {  	v4 =	vor.u32 v3, v4;
	v8 =	vshll.u32 v7, $0x3  }
0x9e: {  	v8 =	vor.u32 v0, v8;
	_ =	sdelay $0x1  }
0x9f: {  	v60 =	vshll.u32 v5, $0x10  }
0xa0: {  	v5 =	vand.u32 $0xFFFF0000, v5;
	[tilespmem:v6+s14+$0x0] =	vst.idx.msk $0xffff, v60  }
0xa1: {  	[tilespmem:v4+s14+$0x0] =	vst.idx.msk $0xffff, v5  }
0xa2: {  	s11 =	simm.s32 $0x4;
	v4 =	vshll.u32 v7, $0x4;
	v5 =	vld.idx.msk [tilespmem:v8+s23+$0x0], $0xffff  }
0xa3: {  	v7 =	vor.u32 s11, v2;
	v6 =	vor.u32 v1, v4  }
0xa4: {  	v4 =	vor.u32 v3, v4;
	v8 =	vshll.u32 v7, $0x3  }
0xa5: {  	v8 =	vor.u32 v0, v8;
	_ =	sdelay $0x1  }
0xa6: {  	v61 =	vshll.u32 v5, $0x10  }
0xa7: {  	v5 =	vand.u32 $0xFFFF0000, v5;
	[tilespmem:v6+s14+$0x0] =	vst.idx.msk $0xffff, v61  }
0xa8: {  	[tilespmem:v4+s14+$0x0] =	vst.idx.msk $0xffff, v5  }
0xa9: {  	s21 =	simm.s32 $0x6;
	v4 =	vshll.u32 v7, $0x4;
	v5 =	vld.idx.msk [tilespmem:v8+s23+$0x0], $0xffff  }
0xaa: {  	v7 =	vor.u32 s21, v2;
	v6 =	vor.u32 v1, v4  }
0xab: {  	v4 =	vor.u32 v3, v4;
	v8 =	vshll.u32 v7, $0x3  }
0xac: {  	v8 =	vor.u32 v0, v8;
	_ =	sdelay $0x1  }
0xad: {  	v62 =	vshll.u32 v5, $0x10  }
0xae: {  	v5 =	vand.u32 $0xFFFF0000, v5;
	[tilespmem:v6+s14+$0x0] =	vst.idx.msk $0xffff, v62  }
0xaf: {  	[tilespmem:v4+s14+$0x0] =	vst.idx.msk $0xffff, v5  }
0xb0: {  	s10 =	simm.s32 $0x8;
	v5 =	vshll.u32 v7, $0x4;
	v7 =	vld.idx.msk [tilespmem:v8+s23+$0x0], $0xffff  }
0xb1: {  	v4 =	vor.u32 s10, v2;
	v8 =	vor.u32 v1, v5  }
0xb2: {  	v63 =	vshll.u32 v4, $0x3;
	v6 =	vor.u32 v3, v5  }
0xb3: {  	v5 =	vor.u32 v0, v63;
	_ =	sdelay $0x1  }
0xb4: {  	v10 =	vshll.u32 v7, $0x10  }
0xb5: {  	s21 =	simm.s32 $0x10;
	v4 =	vshll.u32 v4, $0x4;
	v7 =	vand.u32 $0xFFFF0000, v7;
	[tilespmem:v8+s14+$0x0] =	vst.idx.msk $0xffff, v10  }
.LBB2_5:
0xb6: {  	p0 =	sne.s32 s21, $0x1F8;
	[tilespmem:v6+s14+$0x0] =	vst.idx.msk $0xffff, v7;
	s6 =	smov.u32 s21;
	s21 =	sadd.s32 $0x8, s21  }
0xb7: {  	v5 =	vld.idx.msk [tilespmem:v5+s23+$0x0], $0xffff  }
0xb8: {  	s11 =	sadd.s32 $0x2, s10  }
0xb9: {  	v6 =	vor.u32 v1, v4;
	v7 =	vor.u32 s11, v2  }
0xba: {  	v4 =	vor.u32 v3, v4;
	v8 =	vshll.u32 v7, $0x3;
	v7 =	vshll.u32 v7, $0x4  }
0xbb: {  	v8 =	vor.u32 v0, v8;
	_ =	sdelay $0x1  }
0xbc: {  	v9 =	vshll.u32 v5, $0x10  }
0xbd: {  	v5 =	vand.u32 $0xFFFF0000, v5;
	[tilespmem:v6+s14+$0x0] =	vst.idx.msk $0xffff, v9  }
0xbe: {  	[tilespmem:v4+s14+$0x0] =	vst.idx.msk $0xffff, v5  }
0xbf: {  	v4 =	vld.idx.msk [tilespmem:v8+s23+$0x0], $0xffff  }
0xc0: {  	s11 =	sadd.s32 $0x4, s10  }
0xc1: {  	v6 =	vor.u32 s11, v2;
	v5 =	vor.u32 v1, v7  }
0xc2: {  	v7 =	vor.u32 v3, v7;
	v8 =	vshll.u32 v6, $0x3;
	v6 =	vshll.u32 v6, $0x4  }
0xc3: {  	v8 =	vor.u32 v0, v8;
	_ =	sdelay $0x1  }
0xc4: {  	v9 =	vshll.u32 v4, $0x10  }
0xc5: {  	v4 =	vand.u32 $0xFFFF0000, v4;
	[tilespmem:v5+s14+$0x0] =	vst.idx.msk $0xffff, v9  }
0xc6: {  	[tilespmem:v7+s14+$0x0] =	vst.idx.msk $0xffff, v4  }
0xc7: {  	v4 =	vld.idx.msk [tilespmem:v8+s23+$0x0], $0xffff  }
0xc8: {  	s11 =	sadd.s32 $0x6, s10;
	s10 =	smov.u32 s6  }
0xc9: {  	v5 =	vor.u32 v1, v6;
	v7 =	vor.u32 s11, v2  }
0xca: {  	v6 =	vor.u32 v3, v6;
	v8 =	vshll.u32 v7, $0x3;
	v7 =	vshll.u32 v7, $0x4  }
0xcb: {  	v8 =	vor.u32 v0, v8;
	_ =	sdelay $0x1  }
0xcc: {  	v9 =	vshll.u32 v4, $0x10  }
0xcd: {  	v4 =	vand.u32 $0xFFFF0000, v4;
	[tilespmem:v5+s14+$0x0] =	vst.idx.msk $0xffff, v9  }
0xce: {  	[tilespmem:v6+s14+$0x0] =	vst.idx.msk $0xffff, v4  }
0xcf: {  	v8 =	vld.idx.msk [tilespmem:v8+s23+$0x0], $0xffff;
	_ =	sdelay $0x1  }
0xd0: {  	v9 =	vor.u32 v1, v7;
	v4 =	vor.u32 s10, v2  }
.Ltmp1:
0xd1: {  	v6 =	vor.u32 v3, v7;
	v5 =	vshll.u32 v4, $0x3;
	v4 =	vshll.u32 v4, $0x4;
	(pc) =	sbr.rel @p0 .LBB2_5-.Ltmp1, $3  }
0xd2: {  	v5 =	vor.u32 v0, v5;
	_ =	sdelay $0x1  }
0xd3: {  	v10 =	vshll.u32 v8, $0x10  }
0xd4: {  	v7 =	vand.u32 $0xFFFF0000, v8;
	[tilespmem:v9+s14+$0x0] =	vst.idx.msk $0xffff, v10  }
0xd5: {  	_ =	sdelay $0x3  }
0xd6: {  	[tilespmem:v6+s14+$0x0] =	vst.idx.msk $0xffff, v7  }
0xd7: {  	s6 =	sadd.s32 $0x2, s10;
	v5 =	vld.idx.msk [tilespmem:v5+s23+$0x0], $0xffff  }
0xd8: {  	v52 =	vor.u32 v1, v4;
	v53 =	vor.u32 s6, v2  }
0xd9: {  	v4 =	vor.u32 v3, v4;
	v8 =	vshll.u32 v53, $0x3  }
0xda: {  	v8 =	vor.u32 v0, v8;
	_ =	sdelay $0x1  }
0xdb: {  	v9 =	vshll.u32 v5, $0x10  }
0xdc: {  	v5 =	vand.u32 $0xFFFF0000, v5;
	[tilespmem:v52+s14+$0x0] =	vst.idx.msk $0xffff, v9  }
0xdd: {  	[tilespmem:v4+s14+$0x0] =	vst.idx.msk $0xffff, v5  }
0xde: {  	s21 =	sadd.s32 $0x4, s10;
	v4 =	vshll.u32 v53, $0x4;
	v5 =	vld.idx.msk [tilespmem:v8+s23+$0x0], $0xffff  }
0xdf: {  	v55 =	vor.u32 s21, v2;
	v54 =	vor.u32 v1, v4  }
0xe0: {  	v56 =	vshll.u32 v55, $0x3;
	v4 =	vor.u32 v3, v4  }
0xe1: {  	v8 =	vor.u32 v0, v56;
	_ =	sdelay $0x1  }
0xe2: {  	v57 =	vshll.u32 v5, $0x10  }
0xe3: {  	v5 =	vand.u32 $0xFFFF0000, v5;
	[tilespmem:v54+s14+$0x0] =	vst.idx.msk $0xffff, v57  }
0xe4: {  	[tilespmem:v4+s14+$0x0] =	vst.idx.msk $0xffff, v5  }
0xe5: {  	s10 =	sadd.s32 $0x6, s10;
	v4 =	vshll.u32 v55, $0x4;
	v5 =	vld.idx.msk [tilespmem:v8+s23+$0x0], $0xffff  }
0xe6: {  	v59 =	vor.u32 s10, v2;
	v58 =	vor.u32 v1, v4  }
0xe7: {  	v60 =	vshll.u32 v59, $0x3;
	v4 =	vor.u32 v3, v4  }
0xe8: {  	v8 =	vor.u32 v0, v60;
	_ =	sdelay $0x1  }
0xe9: {  	v61 =	vshll.u32 v5, $0x10  }
0xea: {  	v5 =	vand.u32 $0xFFFF0000, v5;
	[tilespmem:v58+s14+$0x0] =	vst.idx.msk $0xffff, v61  }
0xeb: {  	[tilespmem:v4+s14+$0x0] =	vst.idx.msk $0xffff, v5  }
0xec: {  	v4 =	vshll.u32 v59, $0x4;
	v5 =	vld.idx.msk [tilespmem:v8+s23+$0x0], $0xffff  }
0xed: {  	v62 =	vor.u32 v1, v4  }
0xee: {  	v4 =	vor.u32 v3, v4;
	_ =	sdelay $0x2  }
0xef: {  	v63 =	vshll.u32 v5, $0x10  }
0xf0: {  	v5 =	vand.u32 $0xFFFF0000, v5;
	[tilespmem:v62+s14+$0x0] =	vst.idx.msk $0xffff, v63  }
0xf1: {  	[tilespmem:v4+s14+$0x0] =	vst.idx.msk $0xffff, v5  }
0xf2: {  	p0 =	seq.s32 s3, $0x18;
	_ =	swait.ge [sflag:s17], $0x2000  }
0xf3: {  	s6 =	sshrl.u32 @!p0 s9, $0x2;
	s10 =	simm.s32 @!p0 $0x80;
	[sflag:s17] =	ssyncset.done $0x0  }
0xf4: {  	s11 =	simm.s32 @!p0 $0x18B80;
	s9 =	sadd.s32 @!p0 $0xC780, s6;
	[sflag:s17] =	ssyncadd.s32 $0xFFFFE000  }
0xf5: {  	[tilespmem:s11], [sflag:$0x1] =	stream.indirect.gather @!p0 [hbm4b:s4+s10], $0x8, s9, s10, $0xb8;
	[tilespmem:$0x1EB80] =	vst v63  }
0xf6: {  	s9 =	sadd.s32 @!p0 $0xC800, s6;
	s11 =	simm.s32 @!p0 $0x18F80  }
0xf7: {  	[tilespmem:s11], [sflag:$0x1] =	stream.indirect.gather @!p0 [hbm4b:s4+s10], $0x8, s9, s10, $0xb8;
	[tilespmem:$0x1EB80] =	vst v63  }
0xf8: {  	s9 =	sadd.s32 @!p0 $0xC880, s6;
	s11 =	simm.s32 @!p0 $0x19380  }
0xf9: {  	[tilespmem:s11], [sflag:$0x1] =	stream.indirect.gather @!p0 [hbm4b:s4+s10], $0x8, s9, s10, $0xb8;
	[tilespmem:$0x1EB80] =	vst v63  }
0xfa: {  	s6 =	sadd.s32 @!p0 $0xC900, s6;
	s9 =	simm.s32 @!p0 $0x19780  }
0xfb: {  	[tilespmem:s9], [sflag:$0x1] =	stream.indirect.gather @!p0 [hbm4b:s4+s10], $0x8, s6, s10, $0xb8;
	[tilespmem:$0x1EB80] =	vst v63  }
0xfc: {  	s5 =	sadd.s32 $0x12780, s5;
	s3 =	sadd.s32 $0x1, s3  }
0xfd: {  	[spmem:s2] =	stream.indirect.scatter.add.f32 [tilespmem:s14], [sflag:$0x4], $0x10, s5, s15, $0xb8;
	[tilespmem:$0x1EB80] =	vst v63  }
0xfe: {  	s11 =	sadd.s32 $0x12780, s13;
	p0 =	sne.s32 s3, $0x19  }
0xff: {  	[spmem:s2] =	stream.indirect.scatter.add.f32 [tilespmem:s18], [sflag:$0x4], $0x10, s11, s15, $0xb8;
	[tilespmem:$0x1EB80] =	vst v63  }
.Ltmp2:
0x100: {  	_ = 	snop;
	(pc) =	sbr.rel @p0 .LBB2_2-.Ltmp2, $4  }
0x101: {  	s13 =	sadd.s32 $0x12780, s8  }
0x102: {  	[spmem:s2] =	stream.indirect.scatter.add.f32 [tilespmem:s19], [sflag:$0x4], $0x10, s13, s15, $0xb8;
	[tilespmem:$0x1EB80] =	vst v63  }
0x103: {  	s21 =	sadd.s32 $0x12780, s7  }
0x104: {  	[spmem:s2] =	stream.indirect.scatter.add.f32 [tilespmem:s20], [sflag:$0x4], $0x10, s21, s15, $0xb8;
	[tilespmem:$0x1EB80] =	vst v63  }
0x105: {  	s3 =	simm.s32 $0x4  }
0x106: {  	_ =	swait.ge [sflag:s3], $0x2000  }
0x107: {  	[sflag:s3] =	ssyncset.done $0x0  }
0x108: {  	[sflag:s3] =	ssyncadd.s32 $0xFFFFE000  }
0x109: {  	[bflag:$0x0] =	sbarrier.arrive $0xFFFF  }
0x10a: {  	s6 =	rddreg [dreg:$0x5]  }
0x10b: {  	s13 =	rddreg [dreg:$0x8]  }
0x10c: {  	s5 =	rddreg [dreg:$0xa]  }
0x10d: {  	[hbm:s13], [sflag:s6] =	dma.local [spmem:s5], $0x1870  }
0x10e: {  	_ =	swait.ge [sflag:s12], $0x1870  }
0x10f: {  	s22 =	sadd.s32 $0x1, s22;
	s21 =	rddreg [dreg:$0x9]  }
0x110: {  	p0 =	sne.s32 s22, s21  }
.Ltmp3:
0x111: {  	_ = 	snop;
	(pc) =	sbr.rel @p0 .LBB2_1-.Ltmp3, $3  }
0x112: {  	_ =	sdelay $0x1  }
0x113: {  	[sflag:s12] =	ssyncset.done $0x0  }
0x114: {  	[sflag:s12] =	ssyncadd.s32 $0xFFFFE790  }
0x115: {  	_ =	sfence.sel $0x180000  }
0x116: {  	[bflag:$0x0] =	sbarrier.arrive $0xFFFF  }
0x117: {  	_ =	strace $0x90000047  }
0x118: {  	s0 =	stileid.u32;
	[bflag:$0x2] =	sbarrier.arrive $0xFFFF  }
0x119: {  	p0 =	sne.s32 s0, $0x0;
	s0 =	rddreg [dreg:$0x3]  }
0x11a: {  	s0 =	sadd.s32 @!p0 $0x100000, s0  }
0x11b: {  	[sflag:s0] =	ssyncadd.tile.s32 @!p0 $0x1;
	_ =	shalt  }
.Lfunc_end2:
_tile_overlayer_lowered:
.L_overlay_start_2:
0x11c: {  	(tag) =	ssettag $0x2  }
0x11d: {  	s0 =	rddreg [dreg:$0x0];
	s2 =	stileid.u32  }
0x11e: {  	s1 =	rddreg [dreg:$0x1];
	p0 =	sne.s32 s2, $0x0  }
0x11f: {  	s3 =	rddreg [dreg:$0x2];
	[bflag:$0x3] =	sbarrier.arrive $0xFFFF;
	s2 =	simm.s32 @!p0 $0x1C05  }
0x120: {  	[timem:s3], [sflag:s2] =	dma.local @!p0 [hbm:s0], s1  }
0x121: {  	s0 =	simm.s32 @!p0 $0x5  }
0x122: {  	_ =	swait.ge @!p0 [sflag:s0], s1  }
0x123: {  	s1 =	ssub.s32 @!p0 $0x0, s1;
	[sflag:s0] =	ssyncset.done @!p0 $0x0  }
0x124: {  	[sflag:s0] =	ssyncadd.s32 @!p0 s1  }
0x125: {  	[bflag:$0x3] =	sbarrier.arrive $0xFFFF  }
0x126: {  	_ =	shalt  }

</sc_bundles>
